<compile_context>
chip_gen: v7x
topology: tpu7x:2x2x1
jax: 0.10.2.dev20260603
libtpu: 0.0.44.dev20260713+nightly
codegen_flags: <defaults>
</compile_context>

<pallas_src>
import math
import functools

import jax
import jax.numpy as jnp
import numpy as np
from jax import lax
from jax.experimental import pallas as pl
from jax.experimental.pallas import tpu as pltpu
from jax.experimental.pallas import tpu_sc as plsc

VOCAB = 1000000
D_MODEL = 128
BATCH = 4
SEQ_LEN = 4096

NUM_CORES = 2
NUM_SUBCORES = 16
LANES = 16
NW = NUM_CORES * NUM_SUBCORES
S_PER_W = SEQ_LEN // NW
HALF = S_PER_W // 2

_SCALE = math.sqrt(D_MODEL)


def _pe_table(seq_len, d_model):
    position = np.arange(seq_len, dtype=np.float32)[:, None]
    div_term = np.exp(
        np.arange(0, d_model, 2, dtype=np.float32) * -(math.log(10000.0) / d_model)
    )
    pe = np.zeros((seq_len, d_model), dtype=np.float32)
    pe[:, 0::2] = np.sin(position * div_term)
    pe[:, 1::2] = np.cos(position * div_term)
    return pe


_PE = _pe_table(SEQ_LEN, D_MODEL)


def _sc_embed(x, pe, table):
    mesh = plsc.VectorSubcoreMesh(core_axis_name="c", subcore_axis_name="s")

    @functools.partial(
        pl.kernel,
        mesh=mesh,
        out_type=jax.ShapeDtypeStruct((BATCH, SEQ_LEN, D_MODEL), jnp.float32),
        scratch_types=[
            pltpu.VMEM((BATCH, S_PER_W), jnp.int32),
            pltpu.VMEM((S_PER_W, D_MODEL), jnp.float32),
        ]
        + [pltpu.VMEM((S_PER_W, D_MODEL), jnp.float32) for _ in range(BATCH)]
        + [pltpu.SemaphoreType.DMA for _ in range(2 * BATCH)]
        + [pltpu.SemaphoreType.DMA, pltpu.SemaphoreType.DMA],
    )
    def k(x_hbm, pe_hbm, table_hbm, out_hbm, idx_v, pe_v,
          buf0, buf1, buf2, buf3,
          g0, g1, g2, g3, g4, g5, g6, g7, psem, ssem):
        bufs = [buf0, buf1, buf2, buf3]
        gsems = [g0, g1, g2, g3, g4, g5, g6, g7]
        wid = lax.axis_index("s") * NUM_CORES + lax.axis_index("c")
        pos0 = wid * S_PER_W

        pe_cp = pltpu.async_copy(pe_hbm.at[pl.ds(pos0, S_PER_W)], pe_v, psem)
        pltpu.sync_copy(x_hbm.at[:, pl.ds(pos0, S_PER_W)], idx_v)
        gathers = []
        for b in range(BATCH):
            for h in range(2):
                gathers.append(pltpu.async_copy(
                    table_hbm.at[idx_v.at[b, pl.ds(h * HALF, HALF)]],
                    bufs[b].at[pl.ds(h * HALF, HALF)],
                    gsems[2 * b + h],
                ))
        pe_cp.wait()

        stores = []
        for b in range(BATCH):
            buf = bufs[b]
            for h in range(2):
                gathers[2 * b + h].wait()
                r0 = h * HALF

                def body(r, _, buf=buf, r0=r0):
                    for d in range(D_MODEL // LANES):
                        sl = pl.ds(d * LANES, LANES)
                        buf[r0 + r, sl] = buf[r0 + r, sl] * _SCALE + pe_v[r0 + r, sl]
                    return 0

                lax.fori_loop(0, HALF, body, 0)
                stores.append(
                    pltpu.async_copy(
                        buf.at[pl.ds(r0, HALF)],
                        out_hbm.at[b, pl.ds(pos0 + r0, HALF)],
                        ssem,
                    )
                )
        for st in stores:
            st.wait()

    return k(x, pe, table)


@jax.jit
def kernel(x, table):
    return _sc_embed(x.astype(jnp.int32), _PE, table)

# --- scband reference (transcript-rebuilt; emitter-appended) ---
"""Pipeline reference for scband-transformer-embedding-31971736551669 (READ-ONLY COPY).

The authoritative reference and input builder live on the scoring server;
editing this copy changes nothing except your own understanding.
"""

import math
import jax, jax.numpy as jnp
import numpy as np

VOCAB = 1000000
D_MODEL = 128
BATCH = 4
SEQ_LEN = 4096


def _pos_embedding(seq_len, d_model):
    position = np.arange(seq_len, dtype=np.float32)[:, None]
    div_term = np.exp(np.arange(0, d_model, 2, dtype=np.float32) * -(math.log(10000.0) / d_model))
    pe = np.zeros((seq_len, d_model), dtype=np.float32)
    pe[:, 0::2] = np.sin(position * div_term)
    pe[:, 1::2] = np.cos(position * div_term)
    return jnp.asarray(pe)


def setup_inputs(seed: int = 0) -> dict:
    key = jax.random.key(seed)
    k1, k2 = jax.random.split(key)
    x = jax.random.randint(k1, (BATCH, SEQ_LEN), 0, VOCAB)
    table = jax.random.normal(k2, (VOCAB, D_MODEL), dtype=jnp.float32) * 0.02
    return {"x": x, "table": table}


def reference(x, table):
    d_model = table.shape[1]
    # TokenEmbedding: gather + scale by sqrt(d_model)
    tok_emb = jnp.take(table, x, axis=0) * math.sqrt(d_model)
    # PositionEmbedding: fixed sinusoidal, added broadcast over batch
    pe = _pos_embedding(x.shape[1], d_model)
    out = tok_emb + pe[None, :, :]
    # Dropout with p=0.0 is identity
    return out

if __name__ == "__main__":
    import jax
    _d = setup_inputs()
    print(jax.jit(kernel)(*tuple(_d.values())))

</pallas_src>

<mosaic_0001>
#map = affine_map<(d0, d1) -> (0, 0)>
#map1 = affine_map<(d0, d1) -> (0, 0, 0)>
module attributes {stable_mosaic.version = 14 : i64} {
  func.func @k(%arg0: i32, %arg1: i32, %arg2: memref<4x4096xi32, #tpu.memory_space<hbm>>, %arg3: memref<4096x128xf32, #tpu.memory_space<hbm>>, %arg4: memref<1000000x128xf32, #tpu.memory_space<hbm>>, %arg5: memref<4x4096x128xf32, #tpu.memory_space<hbm>>, %arg6: memref<4x128xi32, #tpu.memory_space<vmem>>, %arg7: memref<128x128xf32, #tpu.memory_space<vmem>>, %arg8: memref<128x128xf32, #tpu.memory_space<vmem>>, %arg9: memref<128x128xf32, #tpu.memory_space<vmem>>, %arg10: memref<128x128xf32, #tpu.memory_space<vmem>>, %arg11: memref<128x128xf32, #tpu.memory_space<vmem>>, %arg12: memref<!tpu.dma_semaphore, #tpu.memory_space<semaphore_mem>>, %arg13: memref<!tpu.dma_semaphore, #tpu.memory_space<semaphore_mem>>, %arg14: memref<!tpu.dma_semaphore, #tpu.memory_space<semaphore_mem>>, %arg15: memref<!tpu.dma_semaphore, #tpu.memory_space<semaphore_mem>>, %arg16: memref<!tpu.dma_semaphore, #tpu.memory_space<semaphore_mem>>, %arg17: memref<!tpu.dma_semaphore, #tpu.memory_space<semaphore_mem>>, %arg18: memref<!tpu.dma_semaphore, #tpu.memory_space<semaphore_mem>>, %arg19: memref<!tpu.dma_semaphore, #tpu.memory_space<semaphore_mem>>, %arg20: memref<!tpu.dma_semaphore, #tpu.memory_space<semaphore_mem>>, %arg21: memref<!tpu.dma_semaphore, #tpu.memory_space<semaphore_mem>>) attributes {dimension_semantics = [#tpu.dimension_semantics<core_parallel>, #tpu.dimension_semantics<subcore_parallel>], iteration_bounds = array<i64: 2, 16>, scalar_prefetch = 0 : i64, scratch_operands = 16 : i64, tpu.core_type = #tpu.core_type<sc_vector_subcore>, window_params = [{transform_indices = #map}, {transform_indices = #map}, {transform_indices = #map}, {transform_indices = #map1}]} {
    %mul3A = arith.constant 2 : i32
    %mul3A_0 = arith.muli %arg1, %mul3A : i32
    %add3A = arith.addi %mul3A_0, %arg0 : i32
    %mul3A_1 = arith.constant 128 : i32
    %mul3A_2 = arith.muli %add3A, %mul3A_1 : i32
    %dma_start3A = arith.constant 0 : i32
    %dma_start3A_3 = tpu.memref_slice %arg3[%mul3A_2, %dma_start3A] : memref<4096x128xf32, #tpu.memory_space<hbm>> -> memref<128x128xf32, #tpu.memory_space<hbm>>
    %dma_start3A_4 = arith.constant 0 : i32
    %dma_start3A_5 = tpu.memref_slice %arg3[%mul3A_2, %dma_start3A_4] : memref<4096x128xf32, #tpu.memory_space<hbm>> -> memref<128x128xf32, #tpu.memory_space<hbm>>
    tpu.enqueue_dma source(%dma_start3A_5 : memref<128x128xf32, #tpu.memory_space<hbm>>) target(%arg7 : memref<128x128xf32, #tpu.memory_space<vmem>>) target_semaphore(%arg20 : memref<!tpu.dma_semaphore, #tpu.memory_space<semaphore_mem>>)
    "tpu.region"() ({
      %run_scoped3A = tpu.sem_alloc : memref<!tpu.dma_semaphore, #tpu.memory_space<semaphore_mem>>
      %dma_start3A_448 = arith.constant 0 : i32
      %dma_start3A_449 = tpu.memref_slice %arg2[%dma_start3A_448, %mul3A_2] : memref<4x4096xi32, #tpu.memory_space<hbm>> -> memref<4x128xi32, #tpu.memory_space<hbm>>
      %dma_start3A_450 = arith.constant 0 : i32
      %dma_start3A_451 = tpu.memref_slice %arg2[%dma_start3A_450, %mul3A_2] : memref<4x4096xi32, #tpu.memory_space<hbm>> -> memref<4x128xi32, #tpu.memory_space<hbm>>
      tpu.enqueue_dma source(%dma_start3A_451 : memref<4x128xi32, #tpu.memory_space<hbm>>) target(%arg6 : memref<4x128xi32, #tpu.memory_space<vmem>>) target_semaphore(%run_scoped3A : memref<!tpu.dma_semaphore, #tpu.memory_space<semaphore_mem>>)
      %dma_wait3A_452 = arith.constant 0 : i32
      %dma_wait3A_453 = tpu.memref_slice %arg2[%dma_wait3A_452, %mul3A_2] : memref<4x4096xi32, #tpu.memory_space<hbm>> -> memref<4x128xi32, #tpu.memory_space<hbm>>
      %dma_wait3A_454 = arith.constant 0 : i32
      %dma_wait3A_455 = tpu.memref_slice %arg2[%dma_wait3A_454, %mul3A_2] : memref<4x4096xi32, #tpu.memory_space<hbm>> -> memref<4x128xi32, #tpu.memory_space<hbm>>
      tpu.wait_dma2 semaphore(%run_scoped3A : memref<!tpu.dma_semaphore, #tpu.memory_space<semaphore_mem>>) src(%dma_wait3A_455 : memref<4x128xi32, #tpu.memory_space<hbm>>) dst(%arg6 : memref<4x128xi32, #tpu.memory_space<vmem>>)
      tpu.yield
    }) : () -> ()
    %dma_start3A_6 = arith.constant 0 : i32
    %dma_start3A_7 = arith.constant 0 : i32
    %dma_start3A_8 = arith.constant 0 : i32
    %dma_start3A_9 = tpu.memref_slice %arg8[%dma_start3A_7, %dma_start3A_8] : memref<128x128xf32, #tpu.memory_space<vmem>> -> memref<64x128xf32, #tpu.memory_space<vmem>>
    %dma_start3A_10 = arith.constant 0 : i32
    %dma_start3A_11 = tpu.memref_slice %arg6[%dma_start3A_6, %dma_start3A_10] : memref<4x128xi32, #tpu.memory_space<vmem>> -> memref<1x64xi32, #tpu.memory_space<vmem>>
    %dma_start3A_12 = tpu.memref_squeeze %dma_start3A_11 : memref<1x64xi32, #tpu.memory_space<vmem>> -> memref<64xi32, #tpu.memory_space<vmem>>
    %dma_start3A_13 = arith.constant 0 : i32
    %dma_start3A_14 = arith.constant 0 : i32
    %dma_start3A_15 = tpu.memref_slice %arg4[%dma_start3A_13, %dma_start3A_14] : memref<1000000x128xf32, #tpu.memory_space<hbm>> -> memref<1000000x128xf32, #tpu.memory_space<hbm>>
    tpu.enqueue_indirect_dma source(%dma_start3A_15 : memref<1000000x128xf32, #tpu.memory_space<hbm>>) target(%dma_start3A_9 : memref<64x128xf32, #tpu.memory_space<vmem>>) offsets(%dma_start3A_12 : memref<64xi32, #tpu.memory_space<vmem>>) semaphore(%arg12 : memref<!tpu.dma_semaphore, #tpu.memory_space<semaphore_mem>>)
    %dma_start3A_16 = arith.constant 0 : i32
    %dma_start3A_17 = arith.constant 64 : i32
    %dma_start3A_18 = arith.constant 0 : i32
    %dma_start3A_19 = tpu.memref_slice %arg8[%dma_start3A_17, %dma_start3A_18] : memref<128x128xf32, #tpu.memory_space<vmem>> -> memref<64x128xf32, #tpu.memory_space<vmem>>
    %dma_start3A_20 = arith.constant 64 : i32
    %dma_start3A_21 = tpu.memref_slice %arg6[%dma_start3A_16, %dma_start3A_20] : memref<4x128xi32, #tpu.memory_space<vmem>> -> memref<1x64xi32, #tpu.memory_space<vmem>>
    %dma_start3A_22 = tpu.memref_squeeze %dma_start3A_21 : memref<1x64xi32, #tpu.memory_space<vmem>> -> memref<64xi32, #tpu.memory_space<vmem>>
    %dma_start3A_23 = arith.constant 0 : i32
    %dma_start3A_24 = arith.constant 0 : i32
    %dma_start3A_25 = tpu.memref_slice %arg4[%dma_start3A_23, %dma_start3A_24] : memref<1000000x128xf32, #tpu.memory_space<hbm>> -> memref<1000000x128xf32, #tpu.memory_space<hbm>>
    tpu.enqueue_indirect_dma source(%dma_start3A_25 : memref<1000000x128xf32, #tpu.memory_space<hbm>>) target(%dma_start3A_19 : memref<64x128xf32, #tpu.memory_space<vmem>>) offsets(%dma_start3A_22 : memref<64xi32, #tpu.memory_space<vmem>>) semaphore(%arg13 : memref<!tpu.dma_semaphore, #tpu.memory_space<semaphore_mem>>)
    %dma_start3A_26 = arith.constant 1 : i32
    %dma_start3A_27 = arith.constant 0 : i32
    %dma_start3A_28 = arith.constant 0 : i32
    %dma_start3A_29 = tpu.memref_slice %arg9[%dma_start3A_27, %dma_start3A_28] : memref<128x128xf32, #tpu.memory_space<vmem>> -> memref<64x128xf32, #tpu.memory_space<vmem>>
    %dma_start3A_30 = arith.constant 0 : i32
    %dma_start3A_31 = tpu.memref_slice %arg6[%dma_start3A_26, %dma_start3A_30] : memref<4x128xi32, #tpu.memory_space<vmem>> -> memref<1x64xi32, #tpu.memory_space<vmem>>
    %dma_start3A_32 = tpu.memref_squeeze %dma_start3A_31 : memref<1x64xi32, #tpu.memory_space<vmem>> -> memref<64xi32, #tpu.memory_space<vmem>>
    %dma_start3A_33 = arith.constant 0 : i32
    %dma_start3A_34 = arith.constant 0 : i32
    %dma_start3A_35 = tpu.memref_slice %arg4[%dma_start3A_33, %dma_start3A_34] : memref<1000000x128xf32, #tpu.memory_space<hbm>> -> memref<1000000x128xf32, #tpu.memory_space<hbm>>
    tpu.enqueue_indirect_dma source(%dma_start3A_35 : memref<1000000x128xf32, #tpu.memory_space<hbm>>) target(%dma_start3A_29 : memref<64x128xf32, #tpu.memory_space<vmem>>) offsets(%dma_start3A_32 : memref<64xi32, #tpu.memory_space<vmem>>) semaphore(%arg14 : memref<!tpu.dma_semaphore, #tpu.memory_space<semaphore_mem>>)
    %dma_start3A_36 = arith.constant 1 : i32
    %dma_start3A_37 = arith.constant 64 : i32
    %dma_start3A_38 = arith.constant 0 : i32
    %dma_start3A_39 = tpu.memref_slice %arg9[%dma_start3A_37, %dma_start3A_38] : memref<128x128xf32, #tpu.memory_space<vmem>> -> memref<64x128xf32, #tpu.memory_space<vmem>>
    %dma_start3A_40 = arith.constant 64 : i32
    %dma_start3A_41 = tpu.memref_slice %arg6[%dma_start3A_36, %dma_start3A_40] : memref<4x128xi32, #tpu.memory_space<vmem>> -> memref<1x64xi32, #tpu.memory_space<vmem>>
    %dma_start3A_42 = tpu.memref_squeeze %dma_start3A_41 : memref<1x64xi32, #tpu.memory_space<vmem>> -> memref<64xi32, #tpu.memory_space<vmem>>
    %dma_start3A_43 = arith.constant 0 : i32
    %dma_start3A_44 = arith.constant 0 : i32
    %dma_start3A_45 = tpu.memref_slice %arg4[%dma_start3A_43, %dma_start3A_44] : memref<1000000x128xf32, #tpu.memory_space<hbm>> -> memref<1000000x128xf32, #tpu.memory_space<hbm>>
    tpu.enqueue_indirect_dma source(%dma_start3A_45 : memref<1000000x128xf32, #tpu.memory_space<hbm>>) target(%dma_start3A_39 : memref<64x128xf32, #tpu.memory_space<vmem>>) offsets(%dma_start3A_42 : memref<64xi32, #tpu.memory_space<vmem>>) semaphore(%arg15 : memref<!tpu.dma_semaphore, #tpu.memory_space<semaphore_mem>>)
    %dma_start3A_46 = arith.constant 2 : i32
    %dma_start3A_47 = arith.constant 0 : i32
    %dma_start3A_48 = arith.constant 0 : i32
    %dma_start3A_49 = tpu.memref_slice %arg10[%dma_start3A_47, %dma_start3A_48] : memref<128x128xf32, #tpu.memory_space<vmem>> -> memref<64x128xf32, #tpu.memory_space<vmem>>
    %dma_start3A_50 = arith.constant 0 : i32
    %dma_start3A_51 = tpu.memref_slice %arg6[%dma_start3A_46, %dma_start3A_50] : memref<4x128xi32, #tpu.memory_space<vmem>> -> memref<1x64xi32, #tpu.memory_space<vmem>>
    %dma_start3A_52 = tpu.memref_squeeze %dma_start3A_51 : memref<1x64xi32, #tpu.memory_space<vmem>> -> memref<64xi32, #tpu.memory_space<vmem>>
    %dma_start3A_53 = arith.constant 0 : i32
    %dma_start3A_54 = arith.constant 0 : i32
    %dma_start3A_55 = tpu.memref_slice %arg4[%dma_start3A_53, %dma_start3A_54] : memref<1000000x128xf32, #tpu.memory_space<hbm>> -> memref<1000000x128xf32, #tpu.memory_space<hbm>>
    tpu.enqueue_indirect_dma source(%dma_start3A_55 : memref<1000000x128xf32, #tpu.memory_space<hbm>>) target(%dma_start3A_49 : memref<64x128xf32, #tpu.memory_space<vmem>>) offsets(%dma_start3A_52 : memref<64xi32, #tpu.memory_space<vmem>>) semaphore(%arg16 : memref<!tpu.dma_semaphore, #tpu.memory_space<semaphore_mem>>)
    %dma_start3A_56 = arith.constant 2 : i32
    %dma_start3A_57 = arith.constant 64 : i32
    %dma_start3A_58 = arith.constant 0 : i32
    %dma_start3A_59 = tpu.memref_slice %arg10[%dma_start3A_57, %dma_start3A_58] : memref<128x128xf32, #tpu.memory_space<vmem>> -> memref<64x128xf32, #tpu.memory_space<vmem>>
    %dma_start3A_60 = arith.constant 64 : i32
    %dma_start3A_61 = tpu.memref_slice %arg6[%dma_start3A_56, %dma_start3A_60] : memref<4x128xi32, #tpu.memory_space<vmem>> -> memref<1x64xi32, #tpu.memory_space<vmem>>
    %dma_start3A_62 = tpu.memref_squeeze %dma_start3A_61 : memref<1x64xi32, #tpu.memory_space<vmem>> -> memref<64xi32, #tpu.memory_space<vmem>>
    %dma_start3A_63 = arith.constant 0 : i32
    %dma_start3A_64 = arith.constant 0 : i32
    %dma_start3A_65 = tpu.memref_slice %arg4[%dma_start3A_63, %dma_start3A_64] : memref<1000000x128xf32, #tpu.memory_space<hbm>> -> memref<1000000x128xf32, #tpu.memory_space<hbm>>
    tpu.enqueue_indirect_dma source(%dma_start3A_65 : memref<1000000x128xf32, #tpu.memory_space<hbm>>) target(%dma_start3A_59 : memref<64x128xf32, #tpu.memory_space<vmem>>) offsets(%dma_start3A_62 : memref<64xi32, #tpu.memory_space<vmem>>) semaphore(%arg17 : memref<!tpu.dma_semaphore, #tpu.memory_space<semaphore_mem>>)
    %dma_start3A_66 = arith.constant 3 : i32
    %dma_start3A_67 = arith.constant 0 : i32
    %dma_start3A_68 = arith.constant 0 : i32
    %dma_start3A_69 = tpu.memref_slice %arg11[%dma_start3A_67, %dma_start3A_68] : memref<128x128xf32, #tpu.memory_space<vmem>> -> memref<64x128xf32, #tpu.memory_space<vmem>>
    %dma_start3A_70 = arith.constant 0 : i32
    %dma_start3A_71 = tpu.memref_slice %arg6[%dma_start3A_66, %dma_start3A_70] : memref<4x128xi32, #tpu.memory_space<vmem>> -> memref<1x64xi32, #tpu.memory_space<vmem>>
    %dma_start3A_72 = tpu.memref_squeeze %dma_start3A_71 : memref<1x64xi32, #tpu.memory_space<vmem>> -> memref<64xi32, #tpu.memory_space<vmem>>
    %dma_start3A_73 = arith.constant 0 : i32
    %dma_start3A_74 = arith.constant 0 : i32
    %dma_start3A_75 = tpu.memref_slice %arg4[%dma_start3A_73, %dma_start3A_74] : memref<1000000x128xf32, #tpu.memory_space<hbm>> -> memref<1000000x128xf32, #tpu.memory_space<hbm>>
    tpu.enqueue_indirect_dma source(%dma_start3A_75 : memref<1000000x128xf32, #tpu.memory_space<hbm>>) target(%dma_start3A_69 : memref<64x128xf32, #tpu.memory_space<vmem>>) offsets(%dma_start3A_72 : memref<64xi32, #tpu.memory_space<vmem>>) semaphore(%arg18 : memref<!tpu.dma_semaphore, #tpu.memory_space<semaphore_mem>>)
    %dma_start3A_76 = arith.constant 3 : i32
    %dma_start3A_77 = arith.constant 64 : i32
    %dma_start3A_78 = arith.constant 0 : i32
    %dma_start3A_79 = tpu.memref_slice %arg11[%dma_start3A_77, %dma_start3A_78] : memref<128x128xf32, #tpu.memory_space<vmem>> -> memref<64x128xf32, #tpu.memory_space<vmem>>
    %dma_start3A_80 = arith.constant 64 : i32
    %dma_start3A_81 = tpu.memref_slice %arg6[%dma_start3A_76, %dma_start3A_80] : memref<4x128xi32, #tpu.memory_space<vmem>> -> memref<1x64xi32, #tpu.memory_space<vmem>>
    %dma_start3A_82 = tpu.memref_squeeze %dma_start3A_81 : memref<1x64xi32, #tpu.memory_space<vmem>> -> memref<64xi32, #tpu.memory_space<vmem>>
    %dma_start3A_83 = arith.constant 0 : i32
    %dma_start3A_84 = arith.constant 0 : i32
    %dma_start3A_85 = tpu.memref_slice %arg4[%dma_start3A_83, %dma_start3A_84] : memref<1000000x128xf32, #tpu.memory_space<hbm>> -> memref<1000000x128xf32, #tpu.memory_space<hbm>>
    tpu.enqueue_indirect_dma source(%dma_start3A_85 : memref<1000000x128xf32, #tpu.memory_space<hbm>>) target(%dma_start3A_79 : memref<64x128xf32, #tpu.memory_space<vmem>>) offsets(%dma_start3A_82 : memref<64xi32, #tpu.memory_space<vmem>>) semaphore(%arg19 : memref<!tpu.dma_semaphore, #tpu.memory_space<semaphore_mem>>)
    %dma_wait3A = arith.constant 0 : i32
    %dma_wait3A_86 = tpu.memref_slice %arg3[%mul3A_2, %dma_wait3A] : memref<4096x128xf32, #tpu.memory_space<hbm>> -> memref<128x128xf32, #tpu.memory_space<hbm>>
    %dma_wait3A_87 = arith.constant 0 : i32
    %dma_wait3A_88 = tpu.memref_slice %arg3[%mul3A_2, %dma_wait3A_87] : memref<4096x128xf32, #tpu.memory_space<hbm>> -> memref<128x128xf32, #tpu.memory_space<hbm>>
    tpu.wait_dma2 semaphore(%arg20 : memref<!tpu.dma_semaphore, #tpu.memory_space<semaphore_mem>>) src(%dma_wait3A_88 : memref<128x128xf32, #tpu.memory_space<hbm>>) dst(%arg7 : memref<128x128xf32, #tpu.memory_space<vmem>>)
    %dma_wait3A_89 = arith.constant 0 : i32
    %dma_wait3A_90 = arith.constant 0 : i32
    %dma_wait3A_91 = arith.constant 0 : i32
    %dma_wait3A_92 = tpu.memref_slice %arg8[%dma_wait3A_90, %dma_wait3A_91] : memref<128x128xf32, #tpu.memory_space<vmem>> -> memref<64x128xf32, #tpu.memory_space<vmem>>
    %dma_wait3A_93 = arith.constant 0 : i32
    %dma_wait3A_94 = tpu.memref_slice %arg6[%dma_wait3A_89, %dma_wait3A_93] : memref<4x128xi32, #tpu.memory_space<vmem>> -> memref<1x64xi32, #tpu.memory_space<vmem>>
    %dma_wait3A_95 = tpu.memref_squeeze %dma_wait3A_94 : memref<1x64xi32, #tpu.memory_space<vmem>> -> memref<64xi32, #tpu.memory_space<vmem>>
    %dma_wait3A_96 = arith.constant 0 : i32
    %dma_wait3A_97 = arith.constant 0 : i32
    %dma_wait3A_98 = tpu.memref_slice %arg4[%dma_wait3A_96, %dma_wait3A_97] : memref<1000000x128xf32, #tpu.memory_space<hbm>> -> memref<1000000x128xf32, #tpu.memory_space<hbm>>
    tpu.wait_indirect_dma semaphore(%arg12 : memref<!tpu.dma_semaphore, #tpu.memory_space<semaphore_mem>>) src(%dma_wait3A_98 : memref<1000000x128xf32, #tpu.memory_space<hbm>>) dst(%dma_wait3A_92 : memref<64x128xf32, #tpu.memory_space<vmem>>)
    %scan3A = arith.constant 0 : i32
    %scan3A_99 = arith.constant 0 : i32
    %scan3A_100 = arith.constant 64 : i32
    %scan3A_101 = arith.addi %scan3A_99, %scan3A_100 : i32
    %scan3A_102 = arith.constant 1 : i32
    %scan3A_103 = scf.for %scan3A_448 = %scan3A_99 to %scan3A_101 step %scan3A_102 iter_args(%scan3A_449 = %scan3A) -> (i32)  : i32 {
      %add3A_450 = arith.constant 0 : i32
      %add3A_451 = arith.addi %add3A_450, %scan3A_448 : i32
      %get3A = arith.index_cast %add3A_451 : i32 to index
      %get3A_452 = arith.constant 0 : index
      %get3A_453 = tpu.vector_load %arg8[%get3A, %get3A_452] {strides = array<i32>} : memref<128x128xf32, #tpu.memory_space<vmem>>, vector<1x16xf32>,
      %get3A_454 = vector.shape_cast %get3A_453 : vector<1x16xf32> to vector<16xf32>
      %mul3A_455 = arith.constant 11.3137083 : f32
      %mul3A_456 = vector.broadcast %mul3A_455 : f32 to vector<16xf32>
      %mul3A_457 = arith.mulf %get3A_454, %mul3A_456 : vector<16xf32>
      %add3A_458 = arith.constant 0 : i32
      %add3A_459 = arith.addi %add3A_458, %scan3A_448 : i32
      %get3A_460 = arith.index_cast %add3A_459 : i32 to index
      %get3A_461 = arith.constant 0 : index
      %get3A_462 = tpu.vector_load %arg7[%get3A_460, %get3A_461] {strides = array<i32>} : memref<128x128xf32, #tpu.memory_space<vmem>>, vector<1x16xf32>,
      %get3A_463 = vector.shape_cast %get3A_462 : vector<1x16xf32> to vector<16xf32>
      %add3A_464 = arith.addf %mul3A_457, %get3A_463 : vector<16xf32>
      %add3A_465 = arith.constant 0 : i32
      %add3A_466 = arith.addi %add3A_465, %scan3A_448 : i32
      %swap3A = arith.index_cast %add3A_466 : i32 to index
      %swap3A_467 = arith.constant 0 : index
      %swap3A_468 = tpu.vector_load %arg8[%swap3A, %swap3A_467] {strides = array<i32>} : memref<128x128xf32, #tpu.memory_space<vmem>>, vector<1x16xf32>,
      %swap3A_469 = vector.shape_cast %swap3A_468 : vector<1x16xf32> to vector<16xf32>
      %swap3A_470 = vector.shape_cast %add3A_464 : vector<16xf32> to vector<1x16xf32>
      tpu.vector_store %arg8[%swap3A, %swap3A_467], %swap3A_470 {strides = array<i32>} : memref<128x128xf32, #tpu.memory_space<vmem>>, vector<1x16xf32>,
      %add3A_471 = arith.constant 0 : i32
      %add3A_472 = arith.addi %add3A_471, %scan3A_448 : i32
      %get3A_473 = arith.index_cast %add3A_472 : i32 to index
      %get3A_474 = arith.constant 16 : index
      %get3A_475 = tpu.vector_load %arg8[%get3A_473, %get3A_474] {strides = array<i32>} : memref<128x128xf32, #tpu.memory_space<vmem>>, vector<1x16xf32>,
      %get3A_476 = vector.shape_cast %get3A_475 : vector<1x16xf32> to vector<16xf32>
      %mul3A_477 = arith.constant 11.3137083 : f32
      %mul3A_478 = vector.broadcast %mul3A_477 : f32 to vector<16xf32>
      %mul3A_479 = arith.mulf %get3A_476, %mul3A_478 : vector<16xf32>
      %add3A_480 = arith.constant 0 : i32
      %add3A_481 = arith.addi %add3A_480, %scan3A_448 : i32
      %get3A_482 = arith.index_cast %add3A_481 : i32 to index
      %get3A_483 = arith.constant 16 : index
      %get3A_484 = tpu.vector_load %arg7[%get3A_482, %get3A_483] {strides = array<i32>} : memref<128x128xf32, #tpu.memory_space<vmem>>, vector<1x16xf32>,
      %get3A_485 = vector.shape_cast %get3A_484 : vector<1x16xf32> to vector<16xf32>
      %add3A_486 = arith.addf %mul3A_479, %get3A_485 : vector<16xf32>
      %add3A_487 = arith.constant 0 : i32
      %add3A_488 = arith.addi %add3A_487, %scan3A_448 : i32
      %swap3A_489 = arith.index_cast %add3A_488 : i32 to index
      %swap3A_490 = arith.constant 16 : index
      %swap3A_491 = tpu.vector_load %arg8[%swap3A_489, %swap3A_490] {strides = array<i32>} : memref<128x128xf32, #tpu.memory_space<vmem>>, vector<1x16xf32>,
      %swap3A_492 = vector.shape_cast %swap3A_491 : vector<1x16xf32> to vector<16xf32>
      %swap3A_493 = vector.shape_cast %add3A_486 : vector<16xf32> to vector<1x16xf32>
      tpu.vector_store %arg8[%swap3A_489, %swap3A_490], %swap3A_493 {strides = array<i32>} : memref<128x128xf32, #tpu.memory_space<vmem>>, vector<1x16xf32>,
      %add3A_494 = arith.constant 0 : i32
      %add3A_495 = arith.addi %add3A_494, %scan3A_448 : i32
      %get3A_496 = arith.index_cast %add3A_495 : i32 to index
      %get3A_497 = arith.constant 32 : index
      %get3A_498 = tpu.vector_load %arg8[%get3A_496, %get3A_497] {strides = array<i32>} : memref<128x128xf32, #tpu.memory_space<vmem>>, vector<1x16xf32>,
      %get3A_499 = vector.shape_cast %get3A_498 : vector<1x16xf32> to vector<16xf32>
      %mul3A_500 = arith.constant 11.3137083 : f32
      %mul3A_501 = vector.broadcast %mul3A_500 : f32 to vector<16xf32>
      %mul3A_502 = arith.mulf %get3A_499, %mul3A_501 : vector<16xf32>
      %add3A_503 = arith.constant 0 : i32
      %add3A_504 = arith.addi %add3A_503, %scan3A_448 : i32
      %get3A_505 = arith.index_cast %add3A_504 : i32 to index
      %get3A_506 = arith.constant 32 : index
      %get3A_507 = tpu.vector_load %arg7[%get3A_505, %get3A_506] {strides = array<i32>} : memref<128x128xf32, #tpu.memory_space<vmem>>, vector<1x16xf32>,
      %get3A_508 = vector.shape_cast %get3A_507 : vector<1x16xf32> to vector<16xf32>
      %add3A_509 = arith.addf %mul3A_502, %get3A_508 : vector<16xf32>
      %add3A_510 = arith.constant 0 : i32
      %add3A_511 = arith.addi %add3A_510, %scan3A_448 : i32
      %swap3A_512 = arith.index_cast %add3A_511 : i32 to index
      %swap3A_513 = arith.constant 32 : index
      %swap3A_514 = tpu.vector_load %arg8[%swap3A_512, %swap3A_513] {strides = array<i32>} : memref<128x128xf32, #tpu.memory_space<vmem>>, vector<1x16xf32>,
      %swap3A_515 = vector.shape_cast %swap3A_514 : vector<1x16xf32> to vector<16xf32>
      %swap3A_516 = vector.shape_cast %add3A_509 : vector<16xf32> to vector<1x16xf32>
      tpu.vector_store %arg8[%swap3A_512, %swap3A_513], %swap3A_516 {strides = array<i32>} : memref<128x128xf32, #tpu.memory_space<vmem>>, vector<1x16xf32>,
      %add3A_517 = arith.constant 0 : i32
      %add3A_518 = arith.addi %add3A_517, %scan3A_448 : i32
      %get3A_519 = arith.index_cast %add3A_518 : i32 to index
      %get3A_520 = arith.constant 48 : index
      %get3A_521 = tpu.vector_load %arg8[%get3A_519, %get3A_520] {strides = array<i32>} : memref<128x128xf32, #tpu.memory_space<vmem>>, vector<1x16xf32>,
      %get3A_522 = vector.shape_cast %get3A_521 : vector<1x16xf32> to vector<16xf32>
      %mul3A_523 = arith.constant 11.3137083 : f32
      %mul3A_524 = vector.broadcast %mul3A_523 : f32 to vector<16xf32>
      %mul3A_525 = arith.mulf %get3A_522, %mul3A_524 : vector<16xf32>
      %add3A_526 = arith.constant 0 : i32
      %add3A_527 = arith.addi %add3A_526, %scan3A_448 : i32
      %get3A_528 = arith.index_cast %add3A_527 : i32 to index
      %get3A_529 = arith.constant 48 : index
      %get3A_530 = tpu.vector_load %arg7[%get3A_528, %get3A_529] {strides = array<i32>} : memref<128x128xf32, #tpu.memory_space<vmem>>, vector<1x16xf32>,
      %get3A_531 = vector.shape_cast %get3A_530 : vector<1x16xf32> to vector<16xf32>
      %add3A_532 = arith.addf %mul3A_525, %get3A_531 : vector<16xf32>
      %add3A_533 = arith.constant 0 : i32
      %add3A_534 = arith.addi %add3A_533, %scan3A_448 : i32
      %swap3A_535 = arith.index_cast %add3A_534 : i32 to index
      %swap3A_536 = arith.constant 48 : index
      %swap3A_537 = tpu.vector_load %arg8[%swap3A_535, %swap3A_536] {strides = array<i32>} : memref<128x128xf32, #tpu.memory_space<vmem>>, vector<1x16xf32>,
      %swap3A_538 = vector.shape_cast %swap3A_537 : vector<1x16xf32> to vector<16xf32>
      %swap3A_539 = vector.shape_cast %add3A_532 : vector<16xf32> to vector<1x16xf32>
      tpu.vector_store %arg8[%swap3A_535, %swap3A_536], %swap3A_539 {strides = array<i32>} : memref<128x128xf32, #tpu.memory_space<vmem>>, vector<1x16xf32>,
      %add3A_540 = arith.constant 0 : i32
      %add3A_541 = arith.addi %add3A_540, %scan3A_448 : i32
      %get3A_542 = arith.index_cast %add3A_541 : i32 to index
      %get3A_543 = arith.constant 64 : index
      %get3A_544 = tpu.vector_load %arg8[%get3A_542, %get3A_543] {strides = array<i32>} : memref<128x128xf32, #tpu.memory_space<vmem>>, vector<1x16xf32>,
      %get3A_545 = vector.shape_cast %get3A_544 : vector<1x16xf32> to vector<16xf32>
      %mul3A_546 = arith.constant 11.3137083 : f32
      %mul3A_547 = vector.broadcast %mul3A_546 : f32 to vector<16xf32>
      %mul3A_548 = arith.mulf %get3A_545, %mul3A_547 : vector<16xf32>
      %add3A_549 = arith.constant 0 : i32
      %add3A_550 = arith.addi %add3A_549, %scan3A_448 : i32
      %get3A_551 = arith.index_cast %add3A_550 : i32 to index
      %get3A_552 = arith.constant 64 : index
      %get3A_553 = tpu.vector_load %arg7[%get3A_551, %get3A_552] {strides = array<i32>} : memref<128x128xf32, #tpu.memory_space<vmem>>, vector<1x16xf32>,
      %get3A_554 = vector.shape_cast %get3A_553 : vector<1x16xf32> to vector<16xf32>
      %add3A_555 = arith.addf %mul3A_548, %get3A_554 : vector<16xf32>
      %add3A_556 = arith.constant 0 : i32
      %add3A_557 = arith.addi %add3A_556, %scan3A_448 : i32
      %swap3A_558 = arith.index_cast %add3A_557 : i32 to index
      %swap3A_559 = arith.constant 64 : index
      %swap3A_560 = tpu.vector_load %arg8[%swap3A_558, %swap3A_559] {strides = array<i32>} : memref<128x128xf32, #tpu.memory_space<vmem>>, vector<1x16xf32>,
      %swap3A_561 = vector.shape_cast %swap3A_560 : vector<1x16xf32> to vector<16xf32>
      %swap3A_562 = vector.shape_cast %add3A_555 : vector<16xf32> to vector<1x16xf32>
      tpu.vector_store %arg8[%swap3A_558, %swap3A_559], %swap3A_562 {strides = array<i32>} : memref<128x128xf32, #tpu.memory_space<vmem>>, vector<1x16xf32>,
      %add3A_563 = arith.constant 0 : i32
      %add3A_564 = arith.addi %add3A_563, %scan3A_448 : i32
      %get3A_565 = arith.index_cast %add3A_564 : i32 to index
      %get3A_566 = arith.constant 80 : index
      %get3A_567 = tpu.vector_load %arg8[%get3A_565, %get3A_566] {strides = array<i32>} : memref<128x128xf32, #tpu.memory_space<vmem>>, vector<1x16xf32>,
      %get3A_568 = vector.shape_cast %get3A_567 : vector<1x16xf32> to vector<16xf32>
      %mul3A_569 = arith.constant 11.3137083 : f32
      %mul3A_570 = vector.broadcast %mul3A_569 : f32 to vector<16xf32>
      %mul3A_571 = arith.mulf %get3A_568, %mul3A_570 : vector<16xf32>
      %add3A_572 = arith.constant 0 : i32
      %add3A_573 = arith.addi %add3A_572, %scan3A_448 : i32
      %get3A_574 = arith.index_cast %add3A_573 : i32 to index
      %get3A_575 = arith.constant 80 : index
      %get3A_576 = tpu.vector_load %arg7[%get3A_574, %get3A_575] {strides = array<i32>} : memref<128x128xf32, #tpu.memory_space<vmem>>, vector<1x16xf32>,
      %get3A_577 = vector.shape_cast %get3A_576 : vector<1x16xf32> to vector<16xf32>
      %add3A_578 = arith.addf %mul3A_571, %get3A_577 : vector<16xf32>
      %add3A_579 = arith.constant 0 : i32
      %add3A_580 = arith.addi %add3A_579, %scan3A_448 : i32
      %swap3A_581 = arith.index_cast %add3A_580 : i32 to index
      %swap3A_582 = arith.constant 80 : index
      %swap3A_583 = tpu.vector_load %arg8[%swap3A_581, %swap3A_582] {strides = array<i32>} : memref<128x128xf32, #tpu.memory_space<vmem>>, vector<1x16xf32>,
      %swap3A_584 = vector.shape_cast %swap3A_583 : vector<1x16xf32> to vector<16xf32>
      %swap3A_585 = vector.shape_cast %add3A_578 : vector<16xf32> to vector<1x16xf32>
      tpu.vector_store %arg8[%swap3A_581, %swap3A_582], %swap3A_585 {strides = array<i32>} : memref<128x128xf32, #tpu.memory_space<vmem>>, vector<1x16xf32>,
      %add3A_586 = arith.constant 0 : i32
      %add3A_587 = arith.addi %add3A_586, %scan3A_448 : i32
      %get3A_588 = arith.index_cast %add3A_587 : i32 to index
      %get3A_589 = arith.constant 96 : index
      %get3A_590 = tpu.vector_load %arg8[%get3A_588, %get3A_589] {strides = array<i32>} : memref<128x128xf32, #tpu.memory_space<vmem>>, vector<1x16xf32>,
      %get3A_591 = vector.shape_cast %get3A_590 : vector<1x16xf32> to vector<16xf32>
      %mul3A_592 = arith.constant 11.3137083 : f32
      %mul3A_593 = vector.broadcast %mul3A_592 : f32 to vector<16xf32>
      %mul3A_594 = arith.mulf %get3A_591, %mul3A_593 : vector<16xf32>
      %add3A_595 = arith.constant 0 : i32
      %add3A_596 = arith.addi %add3A_595, %scan3A_448 : i32
      %get3A_597 = arith.index_cast %add3A_596 : i32 to index
      %get3A_598 = arith.constant 96 : index
      %get3A_599 = tpu.vector_load %arg7[%get3A_597, %get3A_598] {strides = array<i32>} : memref<128x128xf32, #tpu.memory_space<vmem>>, vector<1x16xf32>,
      %get3A_600 = vector.shape_cast %get3A_599 : vector<1x16xf32> to vector<16xf32>
      %add3A_601 = arith.addf %mul3A_594, %get3A_600 : vector<16xf32>
      %add3A_602 = arith.constant 0 : i32
      %add3A_603 = arith.addi %add3A_602, %scan3A_448 : i32
      %swap3A_604 = arith.index_cast %add3A_603 : i32 to index
      %swap3A_605 = arith.constant 96 : index
      %swap3A_606 = tpu.vector_load %arg8[%swap3A_604, %swap3A_605] {strides = array<i32>} : memref<128x128xf32, #tpu.memory_space<vmem>>, vector<1x16xf32>,
      %swap3A_607 = vector.shape_cast %swap3A_606 : vector<1x16xf32> to vector<16xf32>
      %swap3A_608 = vector.shape_cast %add3A_601 : vector<16xf32> to vector<1x16xf32>
      tpu.vector_store %arg8[%swap3A_604, %swap3A_605], %swap3A_608 {strides = array<i32>} : memref<128x128xf32, #tpu.memory_space<vmem>>, vector<1x16xf32>,
      %add3A_609 = arith.constant 0 : i32
      %add3A_610 = arith.addi %add3A_609, %scan3A_448 : i32
      %get3A_611 = arith.index_cast %add3A_610 : i32 to index
      %get3A_612 = arith.constant 112 : index
      %get3A_613 = tpu.vector_load %arg8[%get3A_611, %get3A_612] {strides = array<i32>} : memref<128x128xf32, #tpu.memory_space<vmem>>, vector<1x16xf32>,
      %get3A_614 = vector.shape_cast %get3A_613 : vector<1x16xf32> to vector<16xf32>
      %mul3A_615 = arith.constant 11.3137083 : f32
      %mul3A_616 = vector.broadcast %mul3A_615 : f32 to vector<16xf32>
      %mul3A_617 = arith.mulf %get3A_614, %mul3A_616 : vector<16xf32>
      %add3A_618 = arith.constant 0 : i32
      %add3A_619 = arith.addi %add3A_618, %scan3A_448 : i32
      %get3A_620 = arith.index_cast %add3A_619 : i32 to index
      %get3A_621 = arith.constant 112 : index
      %get3A_622 = tpu.vector_load %arg7[%get3A_620, %get3A_621] {strides = array<i32>} : memref<128x128xf32, #tpu.memory_space<vmem>>, vector<1x16xf32>,
      %get3A_623 = vector.shape_cast %get3A_622 : vector<1x16xf32> to vector<16xf32>
      %add3A_624 = arith.addf %mul3A_617, %get3A_623 : vector<16xf32>
      %add3A_625 = arith.constant 0 : i32
      %add3A_626 = arith.addi %add3A_625, %scan3A_448 : i32
      %swap3A_627 = arith.index_cast %add3A_626 : i32 to index
      %swap3A_628 = arith.constant 112 : index
      %swap3A_629 = tpu.vector_load %arg8[%swap3A_627, %swap3A_628] {strides = array<i32>} : memref<128x128xf32, #tpu.memory_space<vmem>>, vector<1x16xf32>,
      %swap3A_630 = vector.shape_cast %swap3A_629 : vector<1x16xf32> to vector<16xf32>
      %swap3A_631 = vector.shape_cast %add3A_624 : vector<16xf32> to vector<1x16xf32>
      tpu.vector_store %arg8[%swap3A_627, %swap3A_628], %swap3A_631 {strides = array<i32>} : memref<128x128xf32, #tpu.memory_space<vmem>>, vector<1x16xf32>,
      %scan3A_632 = arith.constant 0 : i32
      scf.yield %scan3A_632 : i32
    }
    %scan3A_104 = arith.constant 64 : i32
    %add3A_105 = arith.constant 0 : i32
    %add3A_106 = arith.addi %mul3A_2, %add3A_105 : i32
    %dma_start3A_107 = arith.constant 0 : i32
    %dma_start3A_108 = arith.constant 0 : i32
    %dma_start3A_109 = arith.constant 0 : i32
    %dma_start3A_110 = tpu.memref_slice %arg8[%dma_start3A_108, %dma_start3A_109] : memref<128x128xf32, #tpu.memory_space<vmem>> -> memref<64x128xf32, #tpu.memory_space<vmem>>
    %dma_start3A_111 = arith.constant 0 : i32
    %dma_start3A_112 = tpu.memref_slice %arg5[%dma_start3A_107, %add3A_106, %dma_start3A_111] : memref<4x4096x128xf32, #tpu.memory_space<hbm>> -> memref<1x64x128xf32, #tpu.memory_space<hbm>>
    %dma_start3A_113 = tpu.memref_squeeze %dma_start3A_112 : memref<1x64x128xf32, #tpu.memory_space<hbm>> -> memref<64x128xf32, #tpu.memory_space<hbm>>
    %dma_start3A_114 = arith.constant 0 : i32
    %dma_start3A_115 = tpu.memref_slice %arg5[%dma_start3A_107, %add3A_106, %dma_start3A_114] : memref<4x4096x128xf32, #tpu.memory_space<hbm>> -> memref<1x64x128xf32, #tpu.memory_space<hbm>>
    %dma_start3A_116 = tpu.memref_squeeze %dma_start3A_115 : memref<1x64x128xf32, #tpu.memory_space<hbm>> -> memref<64x128xf32, #tpu.memory_space<hbm>>
    %dma_start3A_117 = arith.constant 0 : i32
    %dma_start3A_118 = arith.constant 0 : i32
    %dma_start3A_119 = tpu.memref_slice %arg8[%dma_start3A_117, %dma_start3A_118] : memref<128x128xf32, #tpu.memory_space<vmem>> -> memref<64x128xf32, #tpu.memory_space<vmem>>
    tpu.enqueue_dma source(%dma_start3A_119 : memref<64x128xf32, #tpu.memory_space<vmem>>) target(%dma_start3A_116 : memref<64x128xf32, #tpu.memory_space<hbm>>) target_semaphore(%arg21 : memref<!tpu.dma_semaphore, #tpu.memory_space<semaphore_mem>>)
    %dma_wait3A_120 = arith.constant 0 : i32
    %dma_wait3A_121 = arith.constant 64 : i32
    %dma_wait3A_122 = arith.constant 0 : i32
    %dma_wait3A_123 = tpu.memref_slice %arg8[%dma_wait3A_121, %dma_wait3A_122] : memref<128x128xf32, #tpu.memory_space<vmem>> -> memref<64x128xf32, #tpu.memory_space<vmem>>
    %dma_wait3A_124 = arith.constant 64 : i32
    %dma_wait3A_125 = tpu.memref_slice %arg6[%dma_wait3A_120, %dma_wait3A_124] : memref<4x128xi32, #tpu.memory_space<vmem>> -> memref<1x64xi32, #tpu.memory_space<vmem>>
    %dma_wait3A_126 = tpu.memref_squeeze %dma_wait3A_125 : memref<1x64xi32, #tpu.memory_space<vmem>> -> memref<64xi32, #tpu.memory_space<vmem>>
    %dma_wait3A_127 = arith.constant 0 : i32
    %dma_wait3A_128 = arith.constant 0 : i32
    %dma_wait3A_129 = tpu.memref_slice %arg4[%dma_wait3A_127, %dma_wait3A_128] : memref<1000000x128xf32, #tpu.memory_space<hbm>> -> memref<1000000x128xf32, #tpu.memory_space<hbm>>
    tpu.wait_indirect_dma semaphore(%arg13 : memref<!tpu.dma_semaphore, #tpu.memory_space<semaphore_mem>>) src(%dma_wait3A_129 : memref<1000000x128xf32, #tpu.memory_space<hbm>>) dst(%dma_wait3A_123 : memref<64x128xf32, #tpu.memory_space<vmem>>)
    %scan3A_130 = arith.constant 0 : i32
    %scan3A_131 = arith.constant 0 : i32
    %scan3A_132 = arith.constant 64 : i32
    %scan3A_133 = arith.addi %scan3A_131, %scan3A_132 : i32
    %scan3A_134 = arith.constant 1 : i32
    %scan3A_135 = scf.for %scan3A_448 = %scan3A_131 to %scan3A_133 step %scan3A_134 iter_args(%scan3A_449 = %scan3A_130) -> (i32)  : i32 {
      %add3A_450 = arith.constant 64 : i32
      %add3A_451 = arith.addi %add3A_450, %scan3A_448 : i32
      %get3A = arith.index_cast %add3A_451 : i32 to index
      %get3A_452 = arith.constant 0 : index
      %get3A_453 = tpu.vector_load %arg8[%get3A, %get3A_452] {strides = array<i32>} : memref<128x128xf32, #tpu.memory_space<vmem>>, vector<1x16xf32>,
      %get3A_454 = vector.shape_cast %get3A_453 : vector<1x16xf32> to vector<16xf32>
      %mul3A_455 = arith.constant 11.3137083 : f32
      %mul3A_456 = vector.broadcast %mul3A_455 : f32 to vector<16xf32>
      %mul3A_457 = arith.mulf %get3A_454, %mul3A_456 : vector<16xf32>
      %add3A_458 = arith.constant 64 : i32
      %add3A_459 = arith.addi %add3A_458, %scan3A_448 : i32
      %get3A_460 = arith.index_cast %add3A_459 : i32 to index
      %get3A_461 = arith.constant 0 : index
      %get3A_462 = tpu.vector_load %arg7[%get3A_460, %get3A_461] {strides = array<i32>} : memref<128x128xf32, #tpu.memory_space<vmem>>, vector<1x16xf32>,
      %get3A_463 = vector.shape_cast %get3A_462 : vector<1x16xf32> to vector<16xf32>
      %add3A_464 = arith.addf %mul3A_457, %get3A_463 : vector<16xf32>
      %add3A_465 = arith.constant 64 : i32
      %add3A_466 = arith.addi %add3A_465, %scan3A_448 : i32
      %swap3A = arith.index_cast %add3A_466 : i32 to index
      %swap3A_467 = arith.constant 0 : index
      %swap3A_468 = tpu.vector_load %arg8[%swap3A, %swap3A_467] {strides = array<i32>} : memref<128x128xf32, #tpu.memory_space<vmem>>, vector<1x16xf32>,
      %swap3A_469 = vector.shape_cast %swap3A_468 : vector<1x16xf32> to vector<16xf32>
      %swap3A_470 = vector.shape_cast %add3A_464 : vector<16xf32> to vector<1x16xf32>
      tpu.vector_store %arg8[%swap3A, %swap3A_467], %swap3A_470 {strides = array<i32>} : memref<128x128xf32, #tpu.memory_space<vmem>>, vector<1x16xf32>,
      %add3A_471 = arith.constant 64 : i32
      %add3A_472 = arith.addi %add3A_471, %scan3A_448 : i32
      %get3A_473 = arith.index_cast %add3A_472 : i32 to index
      %get3A_474 = arith.constant 16 : index
      %get3A_475 = tpu.vector_load %arg8[%get3A_473, %get3A_474] {strides = array<i32>} : memref<128x128xf32, #tpu.memory_space<vmem>>, vector<1x16xf32>,
      %get3A_476 = vector.shape_cast %get3A_475 : vector<1x16xf32> to vector<16xf32>
      %mul3A_477 = arith.constant 11.3137083 : f32
      %mul3A_478 = vector.broadcast %mul3A_477 : f32 to vector<16xf32>
      %mul3A_479 = arith.mulf %get3A_476, %mul3A_478 : vector<16xf32>
      %add3A_480 = arith.constant 64 : i32
      %add3A_481 = arith.addi %add3A_480, %scan3A_448 : i32
      %get3A_482 = arith.index_cast %add3A_481 : i32 to index
      %get3A_483 = arith.constant 16 : index
      %get3A_484 = tpu.vector_load %arg7[%get3A_482, %get3A_483] {strides = array<i32>} : memref<128x128xf32, #tpu.memory_space<vmem>>, vector<1x16xf32>,
      %get3A_485 = vector.shape_cast %get3A_484 : vector<1x16xf32> to vector<16xf32>
      %add3A_486 = arith.addf %mul3A_479, %get3A_485 : vector<16xf32>
      %add3A_487 = arith.constant 64 : i32
      %add3A_488 = arith.addi %add3A_487, %scan3A_448 : i32
      %swap3A_489 = arith.index_cast %add3A_488 : i32 to index
      %swap3A_490 = arith.constant 16 : index
      %swap3A_491 = tpu.vector_load %arg8[%swap3A_489, %swap3A_490] {strides = array<i32>} : memref<128x128xf32, #tpu.memory_space<vmem>>, vector<1x16xf32>,
      %swap3A_492 = vector.shape_cast %swap3A_491 : vector<1x16xf32> to vector<16xf32>
      %swap3A_493 = vector.shape_cast %add3A_486 : vector<16xf32> to vector<1x16xf32>
      tpu.vector_store %arg8[%swap3A_489, %swap3A_490], %swap3A_493 {strides = array<i32>} : memref<128x128xf32, #tpu.memory_space<vmem>>, vector<1x16xf32>,
      %add3A_494 = arith.constant 64 : i32
      %add3A_495 = arith.addi %add3A_494, %scan3A_448 : i32
      %get3A_496 = arith.index_cast %add3A_495 : i32 to index
      %get3A_497 = arith.constant 32 : index
      %get3A_498 = tpu.vector_load %arg8[%get3A_496, %get3A_497] {strides = array<i32>} : memref<128x128xf32, #tpu.memory_space<vmem>>, vector<1x16xf32>,
      %get3A_499 = vector.shape_cast %get3A_498 : vector<1x16xf32> to vector<16xf32>
      %mul3A_500 = arith.constant 11.3137083 : f32
      %mul3A_501 = vector.broadcast %mul3A_500 : f32 to vector<16xf32>
      %mul3A_502 = arith.mulf %get3A_499, %mul3A_501 : vector<16xf32>
      %add3A_503 = arith.constant 64 : i32
      %add3A_504 = arith.addi %add3A_503, %scan3A_448 : i32
      %get3A_505 = arith.index_cast %add3A_504 : i32 to index
      %get3A_506 = arith.constant 32 : index
      %get3A_507 = tpu.vector_load %arg7[%get3A_505, %get3A_506] {strides = array<i32>} : memref<128x128xf32, #tpu.memory_space<vmem>>, vector<1x16xf32>,
      %get3A_508 = vector.shape_cast %get3A_507 : vector<1x16xf32> to vector<16xf32>
      %add3A_509 = arith.addf %mul3A_502, %get3A_508 : vector<16xf32>
      %add3A_510 = arith.constant 64 : i32
      %add3A_511 = arith.addi %add3A_510, %scan3A_448 : i32
      %swap3A_512 = arith.index_cast %add3A_511 : i32 to index
      %swap3A_513 = arith.constant 32 : index
      %swap3A_514 = tpu.vector_load %arg8[%swap3A_512, %swap3A_513] {strides = array<i32>} : memref<128x128xf32, #tpu.memory_space<vmem>>, vector<1x16xf32>,
      %swap3A_515 = vector.shape_cast %swap3A_514 : vector<1x16xf32> to vector<16xf32>
      %swap3A_516 = vector.shape_cast %add3A_509 : vector<16xf32> to vector<1x16xf32>
      tpu.vector_store %arg8[%swap3A_512, %swap3A_513], %swap3A_516 {strides = array<i32>} : memref<128x128xf32, #tpu.memory_space<vmem>>, vector<1x16xf32>,
      %add3A_517 = arith.constant 64 : i32
      %add3A_518 = arith.addi %add3A_517, %scan3A_448 : i32
      %get3A_519 = arith.index_cast %add3A_518 : i32 to index
      %get3A_520 = arith.constant 48 : index
      %get3A_521 = tpu.vector_load %arg8[%get3A_519, %get3A_520] {strides = array<i32>} : memref<128x128xf32, #tpu.memory_space<vmem>>, vector<1x16xf32>,
      %get3A_522 = vector.shape_cast %get3A_521 : vector<1x16xf32> to vector<16xf32>
      %mul3A_523 = arith.constant 11.3137083 : f32
      %mul3A_524 = vector.broadcast %mul3A_523 : f32 to vector<16xf32>
      %mul3A_525 = arith.mulf %get3A_522, %mul3A_524 : vector<16xf32>
      %add3A_526 = arith.constant 64 : i32
      %add3A_527 = arith.addi %add3A_526, %scan3A_448 : i32
      %get3A_528 = arith.index_cast %add3A_527 : i32 to index
      %get3A_529 = arith.constant 48 : index
      %get3A_530 = tpu.vector_load %arg7[%get3A_528, %get3A_529] {strides = array<i32>} : memref<128x128xf32, #tpu.memory_space<vmem>>, vector<1x16xf32>,
      %get3A_531 = vector.shape_cast %get3A_530 : vector<1x16xf32> to vector<16xf32>
      %add3A_532 = arith.addf %mul3A_525, %get3A_531 : vector<16xf32>
      %add3A_533 = arith.constant 64 : i32
      %add3A_534 = arith.addi %add3A_533, %scan3A_448 : i32
      %swap3A_535 = arith.index_cast %add3A_534 : i32 to index
      %swap3A_536 = arith.constant 48 : index
      %swap3A_537 = tpu.vector_load %arg8[%swap3A_535, %swap3A_536] {strides = array<i32>} : memref<128x128xf32, #tpu.memory_space<vmem>>, vector<1x16xf32>,
      %swap3A_538 = vector.shape_cast %swap3A_537 : vector<1x16xf32> to vector<16xf32>
      %swap3A_539 = vector.shape_cast %add3A_532 : vector<16xf32> to vector<1x16xf32>
      tpu.vector_store %arg8[%swap3A_535, %swap3A_536], %swap3A_539 {strides = array<i32>} : memref<128x128xf32, #tpu.memory_space<vmem>>, vector<1x16xf32>,
      %add3A_540 = arith.constant 64 : i32
      %add3A_541 = arith.addi %add3A_540, %scan3A_448 : i32
      %get3A_542 = arith.index_cast %add3A_541 : i32 to index
      %get3A_543 = arith.constant 64 : index
      %get3A_544 = tpu.vector_load %arg8[%get3A_542, %get3A_543] {strides = array<i32>} : memref<128x128xf32, #tpu.memory_space<vmem>>, vector<1x16xf32>,
      %get3A_545 = vector.shape_cast %get3A_544 : vector<1x16xf32> to vector<16xf32>
      %mul3A_546 = arith.constant 11.3137083 : f32
      %mul3A_547 = vector.broadcast %mul3A_546 : f32 to vector<16xf32>
      %mul3A_548 = arith.mulf %get3A_545, %mul3A_547 : vector<16xf32>
      %add3A_549 = arith.constant 64 : i32
      %add3A_550 = arith.addi %add3A_549, %scan3A_448 : i32
      %get3A_551 = arith.index_cast %add3A_550 : i32 to index
      %get3A_552 = arith.constant 64 : index
      %get3A_553 = tpu.vector_load %arg7[%get3A_551, %get3A_552] {strides = array<i32>} : memref<128x128xf32, #tpu.memory_space<vmem>>, vector<1x16xf32>,
      %get3A_554 = vector.shape_cast %get3A_553 : vector<1x16xf32> to vector<16xf32>
      %add3A_555 = arith.addf %mul3A_548, %get3A_554 : vector<16xf32>
      %add3A_556 = arith.constant 64 : i32
      %add3A_557 = arith.addi %add3A_556, %scan3A_448 : i32
      %swap3A_558 = arith.index_cast %add3A_557 : i32 to index
      %swap3A_559 = arith.constant 64 : index
      %swap3A_560 = tpu.vector_load %arg8[%swap3A_558, %swap3A_559] {strides = array<i32>} : memref<128x128xf32, #tpu.memory_space<vmem>>, vector<1x16xf32>,
      %swap3A_561 = vector.shape_cast %swap3A_560 : vector<1x16xf32> to vector<16xf32>
      %swap3A_562 = vector.shape_cast %add3A_555 : vector<16xf32> to vector<1x16xf32>
      tpu.vector_store %arg8[%swap3A_558, %swap3A_559], %swap3A_562 {strides = array<i32>} : memref<128x128xf32, #tpu.memory_space<vmem>>, vector<1x16xf32>,
      %add3A_563 = arith.constant 64 : i32
      %add3A_564 = arith.addi %add3A_563, %scan3A_448 : i32
      %get3A_565 = arith.index_cast %add3A_564 : i32 to index
      %get3A_566 = arith.constant 80 : index
      %get3A_567 = tpu.vector_load %arg8[%get3A_565, %get3A_566] {strides = array<i32>} : memref<128x128xf32, #tpu.memory_space<vmem>>, vector<1x16xf32>,
      %get3A_568 = vector.shape_cast %get3A_567 : vector<1x16xf32> to vector<16xf32>
      %mul3A_569 = arith.constant 11.3137083 : f32
      %mul3A_570 = vector.broadcast %mul3A_569 : f32 to vector<16xf32>
      %mul3A_571 = arith.mulf %get3A_568, %mul3A_570 : vector<16xf32>
      %add3A_572 = arith.constant 64 : i32
      %add3A_573 = arith.addi %add3A_572, %scan3A_448 : i32
      %get3A_574 = arith.index_cast %add3A_573 : i32 to index
      %get3A_575 = arith.constant 80 : index
      %get3A_576 = tpu.vector_load %arg7[%get3A_574, %get3A_575] {strides = array<i32>} : memref<128x128xf32, #tpu.memory_space<vmem>>, vector<1x16xf32>,
      %get3A_577 = vector.shape_cast %get3A_576 : vector<1x16xf32> to vector<16xf32>
      %add3A_578 = arith.addf %mul3A_571, %get3A_577 : vector<16xf32>
      %add3A_579 = arith.constant 64 : i32
      %add3A_580 = arith.addi %add3A_579, %scan3A_448 : i32
      %swap3A_581 = arith.index_cast %add3A_580 : i32 to index
      %swap3A_582 = arith.constant 80 : index
      %swap3A_583 = tpu.vector_load %arg8[%swap3A_581, %swap3A_582] {strides = array<i32>} : memref<128x128xf32, #tpu.memory_space<vmem>>, vector<1x16xf32>,
      %swap3A_584 = vector.shape_cast %swap3A_583 : vector<1x16xf32> to vector<16xf32>
      %swap3A_585 = vector.shape_cast %add3A_578 : vector<16xf32> to vector<1x16xf32>
      tpu.vector_store %arg8[%swap3A_581, %swap3A_582], %swap3A_585 {strides = array<i32>} : memref<128x128xf32, #tpu.memory_space<vmem>>, vector<1x16xf32>,
      %add3A_586 = arith.constant 64 : i32
      %add3A_587 = arith.addi %add3A_586, %scan3A_448 : i32
      %get3A_588 = arith.index_cast %add3A_587 : i32 to index
      %get3A_589 = arith.constant 96 : index
      %get3A_590 = tpu.vector_load %arg8[%get3A_588, %get3A_589] {strides = array<i32>} : memref<128x128xf32, #tpu.memory_space<vmem>>, vector<1x16xf32>,
      %get3A_591 = vector.shape_cast %get3A_590 : vector<1x16xf32> to vector<16xf32>
      %mul3A_592 = arith.constant 11.3137083 : f32
      %mul3A_593 = vector.broadcast %mul3A_592 : f32 to vector<16xf32>
      %mul3A_594 = arith.mulf %get3A_591, %mul3A_593 : vector<16xf32>
      %add3A_595 = arith.constant 64 : i32
      %add3A_596 = arith.addi %add3A_595, %scan3A_448 : i32
      %get3A_597 = arith.index_cast %add3A_596 : i32 to index
      %get3A_598 = arith.constant 96 : index
      %get3A_599 = tpu.vector_load %arg7[%get3A_597, %get3A_598] {strides = array<i32>} : memref<128x128xf32, #tpu.memory_space<vmem>>, vector<1x16xf32>,
      %get3A_600 = vector.shape_cast %get3A_599 : vector<1x16xf32> to vector<16xf32>
      %add3A_601 = arith.addf %mul3A_594, %get3A_600 : vector<16xf32>
      %add3A_602 = arith.constant 64 : i32
      %add3A_603 = arith.addi %add3A_602, %scan3A_448 : i32
      %swap3A_604 = arith.index_cast %add3A_603 : i32 to index
      %swap3A_605 = arith.constant 96 : index
      %swap3A_606 = tpu.vector_load %arg8[%swap3A_604, %swap3A_605] {strides = array<i32>} : memref<128x128xf32, #tpu.memory_space<vmem>>, vector<1x16xf32>,
      %swap3A_607 = vector.shape_cast %swap3A_606 : vector<1x16xf32> to vector<16xf32>
      %swap3A_608 = vector.shape_cast %add3A_601 : vector<16xf32> to vector<1x16xf32>
      tpu.vector_store %arg8[%swap3A_604, %swap3A_605], %swap3A_608 {strides = array<i32>} : memref<128x128xf32, #tpu.memory_space<vmem>>, vector<1x16xf32>,
      %add3A_609 = arith.constant 64 : i32
      %add3A_610 = arith.addi %add3A_609, %scan3A_448 : i32
      %get3A_611 = arith.index_cast %add3A_610 : i32 to index
      %get3A_612 = arith.constant 112 : index
      %get3A_613 = tpu.vector_load %arg8[%get3A_611, %get3A_612] {strides = array<i32>} : memref<128x128xf32, #tpu.memory_space<vmem>>, vector<1x16xf32>,
      %get3A_614 = vector.shape_cast %get3A_613 : vector<1x16xf32> to vector<16xf32>
      %mul3A_615 = arith.constant 11.3137083 : f32
      %mul3A_616 = vector.broadcast %mul3A_615 : f32 to vector<16xf32>
      %mul3A_617 = arith.mulf %get3A_614, %mul3A_616 : vector<16xf32>
      %add3A_618 = arith.constant 64 : i32
      %add3A_619 = arith.addi %add3A_618, %scan3A_448 : i32
      %get3A_620 = arith.index_cast %add3A_619 : i32 to index
      %get3A_621 = arith.constant 112 : index
      %get3A_622 = tpu.vector_load %arg7[%get3A_620, %get3A_621] {strides = array<i32>} : memref<128x128xf32, #tpu.memory_space<vmem>>, vector<1x16xf32>,
      %get3A_623 = vector.shape_cast %get3A_622 : vector<1x16xf32> to vector<16xf32>
      %add3A_624 = arith.addf %mul3A_617, %get3A_623 : vector<16xf32>
      %add3A_625 = arith.constant 64 : i32
      %add3A_626 = arith.addi %add3A_625, %scan3A_448 : i32
      %swap3A_627 = arith.index_cast %add3A_626 : i32 to index
      %swap3A_628 = arith.constant 112 : index
      %swap3A_629 = tpu.vector_load %arg8[%swap3A_627, %swap3A_628] {strides = array<i32>} : memref<128x128xf32, #tpu.memory_space<vmem>>, vector<1x16xf32>,
      %swap3A_630 = vector.shape_cast %swap3A_629 : vector<1x16xf32> to vector<16xf32>
      %swap3A_631 = vector.shape_cast %add3A_624 : vector<16xf32> to vector<1x16xf32>
      tpu.vector_store %arg8[%swap3A_627, %swap3A_628], %swap3A_631 {strides = array<i32>} : memref<128x128xf32, #tpu.memory_space<vmem>>, vector<1x16xf32>,
      %scan3A_632 = arith.constant 0 : i32
      scf.yield %scan3A_632 : i32
    }
    %scan3A_136 = arith.constant 64 : i32
    %add3A_137 = arith.constant 64 : i32
    %add3A_138 = arith.addi %mul3A_2, %add3A_137 : i32
    %dma_start3A_139 = arith.constant 0 : i32
    %dma_start3A_140 = arith.constant 64 : i32
    %dma_start3A_141 = arith.constant 0 : i32
    %dma_start3A_142 = tpu.memref_slice %arg8[%dma_start3A_140, %dma_start3A_141] : memref<128x128xf32, #tpu.memory_space<vmem>> -> memref<64x128xf32, #tpu.memory_space<vmem>>
    %dma_start3A_143 = arith.constant 0 : i32
    %dma_start3A_144 = tpu.memref_slice %arg5[%dma_start3A_139, %add3A_138, %dma_start3A_143] : memref<4x4096x128xf32, #tpu.memory_space<hbm>> -> memref<1x64x128xf32, #tpu.memory_space<hbm>>
    %dma_start3A_145 = tpu.memref_squeeze %dma_start3A_144 : memref<1x64x128xf32, #tpu.memory_space<hbm>> -> memref<64x128xf32, #tpu.memory_space<hbm>>
    %dma_start3A_146 = arith.constant 0 : i32
    %dma_start3A_147 = tpu.memref_slice %arg5[%dma_start3A_139, %add3A_138, %dma_start3A_146] : memref<4x4096x128xf32, #tpu.memory_space<hbm>> -> memref<1x64x128xf32, #tpu.memory_space<hbm>>
    %dma_start3A_148 = tpu.memref_squeeze %dma_start3A_147 : memref<1x64x128xf32, #tpu.memory_space<hbm>> -> memref<64x128xf32, #tpu.memory_space<hbm>>
    %dma_start3A_149 = arith.constant 64 : i32
    %dma_start3A_150 = arith.constant 0 : i32
    %dma_start3A_151 = tpu.memref_slice %arg8[%dma_start3A_149, %dma_start3A_150] : memref<128x128xf32, #tpu.memory_space<vmem>> -> memref<64x128xf32, #tpu.memory_space<vmem>>
    tpu.enqueue_dma source(%dma_start3A_151 : memref<64x128xf32, #tpu.memory_space<vmem>>) target(%dma_start3A_148 : memref<64x128xf32, #tpu.memory_space<hbm>>) target_semaphore(%arg21 : memref<!tpu.dma_semaphore, #tpu.memory_space<semaphore_mem>>)
    %dma_wait3A_152 = arith.constant 1 : i32
    %dma_wait3A_153 = arith.constant 0 : i32
    %dma_wait3A_154 = arith.constant 0 : i32
    %dma_wait3A_155 = tpu.memref_slice %arg9[%dma_wait3A_153, %dma_wait3A_154] : memref<128x128xf32, #tpu.memory_space<vmem>> -> memref<64x128xf32, #tpu.memory_space<vmem>>
    %dma_wait3A_156 = arith.constant 0 : i32
    %dma_wait3A_157 = tpu.memref_slice %arg6[%dma_wait3A_152, %dma_wait3A_156] : memref<4x128xi32, #tpu.memory_space<vmem>> -> memref<1x64xi32, #tpu.memory_space<vmem>>
    %dma_wait3A_158 = tpu.memref_squeeze %dma_wait3A_157 : memref<1x64xi32, #tpu.memory_space<vmem>> -> memref<64xi32, #tpu.memory_space<vmem>>
    %dma_wait3A_159 = arith.constant 0 : i32
    %dma_wait3A_160 = arith.constant 0 : i32
    %dma_wait3A_161 = tpu.memref_slice %arg4[%dma_wait3A_159, %dma_wait3A_160] : memref<1000000x128xf32, #tpu.memory_space<hbm>> -> memref<1000000x128xf32, #tpu.memory_space<hbm>>
    tpu.wait_indirect_dma semaphore(%arg14 : memref<!tpu.dma_semaphore, #tpu.memory_space<semaphore_mem>>) src(%dma_wait3A_161 : memref<1000000x128xf32, #tpu.memory_space<hbm>>) dst(%dma_wait3A_155 : memref<64x128xf32, #tpu.memory_space<vmem>>)
    %scan3A_162 = arith.constant 0 : i32
    %scan3A_163 = arith.constant 0 : i32
    %scan3A_164 = arith.constant 64 : i32
    %scan3A_165 = arith.addi %scan3A_163, %scan3A_164 : i32
    %scan3A_166 = arith.constant 1 : i32
    %scan3A_167 = scf.for %scan3A_448 = %scan3A_163 to %scan3A_165 step %scan3A_166 iter_args(%scan3A_449 = %scan3A_162) -> (i32)  : i32 {
      %add3A_450 = arith.constant 0 : i32
      %add3A_451 = arith.addi %add3A_450, %scan3A_448 : i32
      %get3A = arith.index_cast %add3A_451 : i32 to index
      %get3A_452 = arith.constant 0 : index
      %get3A_453 = tpu.vector_load %arg9[%get3A, %get3A_452] {strides = array<i32>} : memref<128x128xf32, #tpu.memory_space<vmem>>, vector<1x16xf32>,
      %get3A_454 = vector.shape_cast %get3A_453 : vector<1x16xf32> to vector<16xf32>
      %mul3A_455 = arith.constant 11.3137083 : f32
      %mul3A_456 = vector.broadcast %mul3A_455 : f32 to vector<16xf32>
      %mul3A_457 = arith.mulf %get3A_454, %mul3A_456 : vector<16xf32>
      %add3A_458 = arith.constant 0 : i32
      %add3A_459 = arith.addi %add3A_458, %scan3A_448 : i32
      %get3A_460 = arith.index_cast %add3A_459 : i32 to index
      %get3A_461 = arith.constant 0 : index
      %get3A_462 = tpu.vector_load %arg7[%get3A_460, %get3A_461] {strides = array<i32>} : memref<128x128xf32, #tpu.memory_space<vmem>>, vector<1x16xf32>,
      %get3A_463 = vector.shape_cast %get3A_462 : vector<1x16xf32> to vector<16xf32>
      %add3A_464 = arith.addf %mul3A_457, %get3A_463 : vector<16xf32>
      %add3A_465 = arith.constant 0 : i32
      %add3A_466 = arith.addi %add3A_465, %scan3A_448 : i32
      %swap3A = arith.index_cast %add3A_466 : i32 to index
      %swap3A_467 = arith.constant 0 : index
      %swap3A_468 = tpu.vector_load %arg9[%swap3A, %swap3A_467] {strides = array<i32>} : memref<128x128xf32, #tpu.memory_space<vmem>>, vector<1x16xf32>,
      %swap3A_469 = vector.shape_cast %swap3A_468 : vector<1x16xf32> to vector<16xf32>
      %swap3A_470 = vector.shape_cast %add3A_464 : vector<16xf32> to vector<1x16xf32>
      tpu.vector_store %arg9[%swap3A, %swap3A_467], %swap3A_470 {strides = array<i32>} : memref<128x128xf32, #tpu.memory_space<vmem>>, vector<1x16xf32>,
      %add3A_471 = arith.constant 0 : i32
      %add3A_472 = arith.addi %add3A_471, %scan3A_448 : i32
      %get3A_473 = arith.index_cast %add3A_472 : i32 to index
      %get3A_474 = arith.constant 16 : index
      %get3A_475 = tpu.vector_load %arg9[%get3A_473, %get3A_474] {strides = array<i32>} : memref<128x128xf32, #tpu.memory_space<vmem>>, vector<1x16xf32>,
      %get3A_476 = vector.shape_cast %get3A_475 : vector<1x16xf32> to vector<16xf32>
      %mul3A_477 = arith.constant 11.3137083 : f32
      %mul3A_478 = vector.broadcast %mul3A_477 : f32 to vector<16xf32>
      %mul3A_479 = arith.mulf %get3A_476, %mul3A_478 : vector<16xf32>
      %add3A_480 = arith.constant 0 : i32
      %add3A_481 = arith.addi %add3A_480, %scan3A_448 : i32
      %get3A_482 = arith.index_cast %add3A_481 : i32 to index
      %get3A_483 = arith.constant 16 : index
      %get3A_484 = tpu.vector_load %arg7[%get3A_482, %get3A_483] {strides = array<i32>} : memref<128x128xf32, #tpu.memory_space<vmem>>, vector<1x16xf32>,
      %get3A_485 = vector.shape_cast %get3A_484 : vector<1x16xf32> to vector<16xf32>
      %add3A_486 = arith.addf %mul3A_479, %get3A_485 : vector<16xf32>
      %add3A_487 = arith.constant 0 : i32
      %add3A_488 = arith.addi %add3A_487, %scan3A_448 : i32
      %swap3A_489 = arith.index_cast %add3A_488 : i32 to index
      %swap3A_490 = arith.constant 16 : index
      %swap3A_491 = tpu.vector_load %arg9[%swap3A_489, %swap3A_490] {strides = array<i32>} : memref<128x128xf32, #tpu.memory_space<vmem>>, vector<1x16xf32>,
      %swap3A_492 = vector.shape_cast %swap3A_491 : vector<1x16xf32> to vector<16xf32>
      %swap3A_493 = vector.shape_cast %add3A_486 : vector<16xf32> to vector<1x16xf32>
      tpu.vector_store %arg9[%swap3A_489, %swap3A_490], %swap3A_493 {strides = array<i32>} : memref<128x128xf32, #tpu.memory_space<vmem>>, vector<1x16xf32>,
      %add3A_494 = arith.constant 0 : i32
      %add3A_495 = arith.addi %add3A_494, %scan3A_448 : i32
      %get3A_496 = arith.index_cast %add3A_495 : i32 to index
      %get3A_497 = arith.constant 32 : index
      %get3A_498 = tpu.vector_load %arg9[%get3A_496, %get3A_497] {strides = array<i32>} : memref<128x128xf32, #tpu.memory_space<vmem>>, vector<1x16xf32>,
      %get3A_499 = vector.shape_cast %get3A_498 : vector<1x16xf32> to vector<16xf32>
      %mul3A_500 = arith.constant 11.3137083 : f32
      %mul3A_501 = vector.broadcast %mul3A_500 : f32 to vector<16xf32>
      %mul3A_502 = arith.mulf %get3A_499, %mul3A_501 : vector<16xf32>
      %add3A_503 = arith.constant 0 : i32
      %add3A_504 = arith.addi %add3A_503, %scan3A_448 : i32
      %get3A_505 = arith.index_cast %add3A_504 : i32 to index
      %get3A_506 = arith.constant 32 : index
      %get3A_507 = tpu.vector_load %arg7[%get3A_505, %get3A_506] {strides = array<i32>} : memref<128x128xf32, #tpu.memory_space<vmem>>, vector<1x16xf32>,
      %get3A_508 = vector.shape_cast %get3A_507 : vector<1x16xf32> to vector<16xf32>
      %add3A_509 = arith.addf %mul3A_502, %get3A_508 : vector<16xf32>
      %add3A_510 = arith.constant 0 : i32
      %add3A_511 = arith.addi %add3A_510, %scan3A_448 : i32
      %swap3A_512 = arith.index_cast %add3A_511 : i32 to index
      %swap3A_513 = arith.constant 32 : index
      %swap3A_514 = tpu.vector_load %arg9[%swap3A_512, %swap3A_513] {strides = array<i32>} : memref<128x128xf32, #tpu.memory_space<vmem>>, vector<1x16xf32>,
      %swap3A_515 = vector.shape_cast %swap3A_514 : vector<1x16xf32> to vector<16xf32>
      %swap3A_516 = vector.shape_cast %add3A_509 : vector<16xf32> to vector<1x16xf32>
      tpu.vector_store %arg9[%swap3A_512, %swap3A_513], %swap3A_516 {strides = array<i32>} : memref<128x128xf32, #tpu.memory_space<vmem>>, vector<1x16xf32>,
      %add3A_517 = arith.constant 0 : i32
      %add3A_518 = arith.addi %add3A_517, %scan3A_448 : i32
      %get3A_519 = arith.index_cast %add3A_518 : i32 to index
      %get3A_520 = arith.constant 48 : index
      %get3A_521 = tpu.vector_load %arg9[%get3A_519, %get3A_520] {strides = array<i32>} : memref<128x128xf32, #tpu.memory_space<vmem>>, vector<1x16xf32>,
      %get3A_522 = vector.shape_cast %get3A_521 : vector<1x16xf32> to vector<16xf32>
      %mul3A_523 = arith.constant 11.3137083 : f32
      %mul3A_524 = vector.broadcast %mul3A_523 : f32 to vector<16xf32>
      %mul3A_525 = arith.mulf %get3A_522, %mul3A_524 : vector<16xf32>
      %add3A_526 = arith.constant 0 : i32
      %add3A_527 = arith.addi %add3A_526, %scan3A_448 : i32
      %get3A_528 = arith.index_cast %add3A_527 : i32 to index
      %get3A_529 = arith.constant 48 : index
      %get3A_530 = tpu.vector_load %arg7[%get3A_528, %get3A_529] {strides = array<i32>} : memref<128x128xf32, #tpu.memory_space<vmem>>, vector<1x16xf32>,
      %get3A_531 = vector.shape_cast %get3A_530 : vector<1x16xf32> to vector<16xf32>
      %add3A_532 = arith.addf %mul3A_525, %get3A_531 : vector<16xf32>
      %add3A_533 = arith.constant 0 : i32
      %add3A_534 = arith.addi %add3A_533, %scan3A_448 : i32
      %swap3A_535 = arith.index_cast %add3A_534 : i32 to index
      %swap3A_536 = arith.constant 48 : index
      %swap3A_537 = tpu.vector_load %arg9[%swap3A_535, %swap3A_536] {strides = array<i32>} : memref<128x128xf32, #tpu.memory_space<vmem>>, vector<1x16xf32>,
      %swap3A_538 = vector.shape_cast %swap3A_537 : vector<1x16xf32> to vector<16xf32>
      %swap3A_539 = vector.shape_cast %add3A_532 : vector<16xf32> to vector<1x16xf32>
      tpu.vector_store %arg9[%swap3A_535, %swap3A_536], %swap3A_539 {strides = array<i32>} : memref<128x128xf32, #tpu.memory_space<vmem>>, vector<1x16xf32>,
      %add3A_540 = arith.constant 0 : i32
      %add3A_541 = arith.addi %add3A_540, %scan3A_448 : i32
      %get3A_542 = arith.index_cast %add3A_541 : i32 to index
      %get3A_543 = arith.constant 64 : index
      %get3A_544 = tpu.vector_load %arg9[%get3A_542, %get3A_543] {strides = array<i32>} : memref<128x128xf32, #tpu.memory_space<vmem>>, vector<1x16xf32>,
      %get3A_545 = vector.shape_cast %get3A_544 : vector<1x16xf32> to vector<16xf32>
      %mul3A_546 = arith.constant 11.3137083 : f32
      %mul3A_547 = vector.broadcast %mul3A_546 : f32 to vector<16xf32>
      %mul3A_548 = arith.mulf %get3A_545, %mul3A_547 : vector<16xf32>
      %add3A_549 = arith.constant 0 : i32
      %add3A_550 = arith.addi %add3A_549, %scan3A_448 : i32
      %get3A_551 = arith.index_cast %add3A_550 : i32 to index
      %get3A_552 = arith.constant 64 : index
      %get3A_553 = tpu.vector_load %arg7[%get3A_551, %get3A_552] {strides = array<i32>} : memref<128x128xf32, #tpu.memory_space<vmem>>, vector<1x16xf32>,
      %get3A_554 = vector.shape_cast %get3A_553 : vector<1x16xf32> to vector<16xf32>
      %add3A_555 = arith.addf %mul3A_548, %get3A_554 : vector<16xf32>
      %add3A_556 = arith.constant 0 : i32
      %add3A_557 = arith.addi %add3A_556, %scan3A_448 : i32
      %swap3A_558 = arith.index_cast %add3A_557 : i32 to index
      %swap3A_559 = arith.constant 64 : index
      %swap3A_560 = tpu.vector_load %arg9[%swap3A_558, %swap3A_559] {strides = array<i32>} : memref<128x128xf32, #tpu.memory_space<vmem>>, vector<1x16xf32>,
      %swap3A_561 = vector.shape_cast %swap3A_560 : vector<1x16xf32> to vector<16xf32>
      %swap3A_562 = vector.shape_cast %add3A_555 : vector<16xf32> to vector<1x16xf32>
      tpu.vector_store %arg9[%swap3A_558, %swap3A_559], %swap3A_562 {strides = array<i32>} : memref<128x128xf32, #tpu.memory_space<vmem>>, vector<1x16xf32>,
      %add3A_563 = arith.constant 0 : i32
      %add3A_564 = arith.addi %add3A_563, %scan3A_448 : i32
      %get3A_565 = arith.index_cast %add3A_564 : i32 to index
      %get3A_566 = arith.constant 80 : index
      %get3A_567 = tpu.vector_load %arg9[%get3A_565, %get3A_566] {strides = array<i32>} : memref<128x128xf32, #tpu.memory_space<vmem>>, vector<1x16xf32>,
      %get3A_568 = vector.shape_cast %get3A_567 : vector<1x16xf32> to vector<16xf32>
      %mul3A_569 = arith.constant 11.3137083 : f32
      %mul3A_570 = vector.broadcast %mul3A_569 : f32 to vector<16xf32>
      %mul3A_571 = arith.mulf %get3A_568, %mul3A_570 : vector<16xf32>
      %add3A_572 = arith.constant 0 : i32
      %add3A_573 = arith.addi %add3A_572, %scan3A_448 : i32
      %get3A_574 = arith.index_cast %add3A_573 : i32 to index
      %get3A_575 = arith.constant 80 : index
      %get3A_576 = tpu.vector_load %arg7[%get3A_574, %get3A_575] {strides = array<i32>} : memref<128x128xf32, #tpu.memory_space<vmem>>, vector<1x16xf32>,
      %get3A_577 = vector.shape_cast %get3A_576 : vector<1x16xf32> to vector<16xf32>
      %add3A_578 = arith.addf %mul3A_571, %get3A_577 : vector<16xf32>
      %add3A_579 = arith.constant 0 : i32
      %add3A_580 = arith.addi %add3A_579, %scan3A_448 : i32
      %swap3A_581 = arith.index_cast %add3A_580 : i32 to index
      %swap3A_582 = arith.constant 80 : index
      %swap3A_583 = tpu.vector_load %arg9[%swap3A_581, %swap3A_582] {strides = array<i32>} : memref<128x128xf32, #tpu.memory_space<vmem>>, vector<1x16xf32>,
      %swap3A_584 = vector.shape_cast %swap3A_583 : vector<1x16xf32> to vector<16xf32>
      %swap3A_585 = vector.shape_cast %add3A_578 : vector<16xf32> to vector<1x16xf32>
      tpu.vector_store %arg9[%swap3A_581, %swap3A_582], %swap3A_585 {strides = array<i32>} : memref<128x128xf32, #tpu.memory_space<vmem>>, vector<1x16xf32>,
      %add3A_586 = arith.constant 0 : i32
      %add3A_587 = arith.addi %add3A_586, %scan3A_448 : i32
      %get3A_588 = arith.index_cast %add3A_587 : i32 to index
      %get3A_589 = arith.constant 96 : index
      %get3A_590 = tpu.vector_load %arg9[%get3A_588, %get3A_589] {strides = array<i32>} : memref<128x128xf32, #tpu.memory_space<vmem>>, vector<1x16xf32>,
      %get3A_591 = vector.shape_cast %get3A_590 : vector<1x16xf32> to vector<16xf32>
      %mul3A_592 = arith.constant 11.3137083 : f32
      %mul3A_593 = vector.broadcast %mul3A_592 : f32 to vector<16xf32>
      %mul3A_594 = arith.mulf %get3A_591, %mul3A_593 : vector<16xf32>
      %add3A_595 = arith.constant 0 : i32
      %add3A_596 = arith.addi %add3A_595, %scan3A_448 : i32
      %get3A_597 = arith.index_cast %add3A_596 : i32 to index
      %get3A_598 = arith.constant 96 : index
      %get3A_599 = tpu.vector_load %arg7[%get3A_597, %get3A_598] {strides = array<i32>} : memref<128x128xf32, #tpu.memory_space<vmem>>, vector<1x16xf32>,
      %get3A_600 = vector.shape_cast %get3A_599 : vector<1x16xf32> to vector<16xf32>
      %add3A_601 = arith.addf %mul3A_594, %get3A_600 : vector<16xf32>
      %add3A_602 = arith.constant 0 : i32
      %add3A_603 = arith.addi %add3A_602, %scan3A_448 : i32
      %swap3A_604 = arith.index_cast %add3A_603 : i32 to index
      %swap3A_605 = arith.constant 96 : index
      %swap3A_606 = tpu.vector_load %arg9[%swap3A_604, %swap3A_605] {strides = array<i32>} : memref<128x128xf32, #tpu.memory_space<vmem>>, vector<1x16xf32>,
      %swap3A_607 = vector.shape_cast %swap3A_606 : vector<1x16xf32> to vector<16xf32>
      %swap3A_608 = vector.shape_cast %add3A_601 : vector<16xf32> to vector<1x16xf32>
      tpu.vector_store %arg9[%swap3A_604, %swap3A_605], %swap3A_608 {strides = array<i32>} : memref<128x128xf32, #tpu.memory_space<vmem>>, vector<1x16xf32>,
      %add3A_609 = arith.constant 0 : i32
      %add3A_610 = arith.addi %add3A_609, %scan3A_448 : i32
      %get3A_611 = arith.index_cast %add3A_610 : i32 to index
      %get3A_612 = arith.constant 112 : index
      %get3A_613 = tpu.vector_load %arg9[%get3A_611, %get3A_612] {strides = array<i32>} : memref<128x128xf32, #tpu.memory_space<vmem>>, vector<1x16xf32>,
      %get3A_614 = vector.shape_cast %get3A_613 : vector<1x16xf32> to vector<16xf32>
      %mul3A_615 = arith.constant 11.3137083 : f32
      %mul3A_616 = vector.broadcast %mul3A_615 : f32 to vector<16xf32>
      %mul3A_617 = arith.mulf %get3A_614, %mul3A_616 : vector<16xf32>
      %add3A_618 = arith.constant 0 : i32
      %add3A_619 = arith.addi %add3A_618, %scan3A_448 : i32
      %get3A_620 = arith.index_cast %add3A_619 : i32 to index
      %get3A_621 = arith.constant 112 : index
      %get3A_622 = tpu.vector_load %arg7[%get3A_620, %get3A_621] {strides = array<i32>} : memref<128x128xf32, #tpu.memory_space<vmem>>, vector<1x16xf32>,
      %get3A_623 = vector.shape_cast %get3A_622 : vector<1x16xf32> to vector<16xf32>
      %add3A_624 = arith.addf %mul3A_617, %get3A_623 : vector<16xf32>
      %add3A_625 = arith.constant 0 : i32
      %add3A_626 = arith.addi %add3A_625, %scan3A_448 : i32
      %swap3A_627 = arith.index_cast %add3A_626 : i32 to index
      %swap3A_628 = arith.constant 112 : index
      %swap3A_629 = tpu.vector_load %arg9[%swap3A_627, %swap3A_628] {strides = array<i32>} : memref<128x128xf32, #tpu.memory_space<vmem>>, vector<1x16xf32>,
      %swap3A_630 = vector.shape_cast %swap3A_629 : vector<1x16xf32> to vector<16xf32>
      %swap3A_631 = vector.shape_cast %add3A_624 : vector<16xf32> to vector<1x16xf32>
      tpu.vector_store %arg9[%swap3A_627, %swap3A_628], %swap3A_631 {strides = array<i32>} : memref<128x128xf32, #tpu.memory_space<vmem>>, vector<1x16xf32>,
      %scan3A_632 = arith.constant 0 : i32
      scf.yield %scan3A_632 : i32
    }
    %scan3A_168 = arith.constant 64 : i32
    %add3A_169 = arith.constant 0 : i32
    %add3A_170 = arith.addi %mul3A_2, %add3A_169 : i32
    %dma_start3A_171 = arith.constant 1 : i32
    %dma_start3A_172 = arith.constant 0 : i32
    %dma_start3A_173 = arith.constant 0 : i32
    %dma_start3A_174 = tpu.memref_slice %arg9[%dma_start3A_172, %dma_start3A_173] : memref<128x128xf32, #tpu.memory_space<vmem>> -> memref<64x128xf32, #tpu.memory_space<vmem>>
    %dma_start3A_175 = arith.constant 0 : i32
    %dma_start3A_176 = tpu.memref_slice %arg5[%dma_start3A_171, %add3A_170, %dma_start3A_175] : memref<4x4096x128xf32, #tpu.memory_space<hbm>> -> memref<1x64x128xf32, #tpu.memory_space<hbm>>
    %dma_start3A_177 = tpu.memref_squeeze %dma_start3A_176 : memref<1x64x128xf32, #tpu.memory_space<hbm>> -> memref<64x128xf32, #tpu.memory_space<hbm>>
    %dma_start3A_178 = arith.constant 0 : i32
    %dma_start3A_179 = tpu.memref_slice %arg5[%dma_start3A_171, %add3A_170, %dma_start3A_178] : memref<4x4096x128xf32, #tpu.memory_space<hbm>> -> memref<1x64x128xf32, #tpu.memory_space<hbm>>
    %dma_start3A_180 = tpu.memref_squeeze %dma_start3A_179 : memref<1x64x128xf32, #tpu.memory_space<hbm>> -> memref<64x128xf32, #tpu.memory_space<hbm>>
    %dma_start3A_181 = arith.constant 0 : i32
    %dma_start3A_182 = arith.constant 0 : i32
    %dma_start3A_183 = tpu.memref_slice %arg9[%dma_start3A_181, %dma_start3A_182] : memref<128x128xf32, #tpu.memory_space<vmem>> -> memref<64x128xf32, #tpu.memory_space<vmem>>
    tpu.enqueue_dma source(%dma_start3A_183 : memref<64x128xf32, #tpu.memory_space<vmem>>) target(%dma_start3A_180 : memref<64x128xf32, #tpu.memory_space<hbm>>) target_semaphore(%arg21 : memref<!tpu.dma_semaphore, #tpu.memory_space<semaphore_mem>>)
    %dma_wait3A_184 = arith.constant 1 : i32
    %dma_wait3A_185 = arith.constant 64 : i32
    %dma_wait3A_186 = arith.constant 0 : i32
    %dma_wait3A_187 = tpu.memref_slice %arg9[%dma_wait3A_185, %dma_wait3A_186] : memref<128x128xf32, #tpu.memory_space<vmem>> -> memref<64x128xf32, #tpu.memory_space<vmem>>
    %dma_wait3A_188 = arith.constant 64 : i32
    %dma_wait3A_189 = tpu.memref_slice %arg6[%dma_wait3A_184, %dma_wait3A_188] : memref<4x128xi32, #tpu.memory_space<vmem>> -> memref<1x64xi32, #tpu.memory_space<vmem>>
    %dma_wait3A_190 = tpu.memref_squeeze %dma_wait3A_189 : memref<1x64xi32, #tpu.memory_space<vmem>> -> memref<64xi32, #tpu.memory_space<vmem>>
    %dma_wait3A_191 = arith.constant 0 : i32
    %dma_wait3A_192 = arith.constant 0 : i32
    %dma_wait3A_193 = tpu.memref_slice %arg4[%dma_wait3A_191, %dma_wait3A_192] : memref<1000000x128xf32, #tpu.memory_space<hbm>> -> memref<1000000x128xf32, #tpu.memory_space<hbm>>
    tpu.wait_indirect_dma semaphore(%arg15 : memref<!tpu.dma_semaphore, #tpu.memory_space<semaphore_mem>>) src(%dma_wait3A_193 : memref<1000000x128xf32, #tpu.memory_space<hbm>>) dst(%dma_wait3A_187 : memref<64x128xf32, #tpu.memory_space<vmem>>)
    %scan3A_194 = arith.constant 0 : i32
    %scan3A_195 = arith.constant 0 : i32
    %scan3A_196 = arith.constant 64 : i32
    %scan3A_197 = arith.addi %scan3A_195, %scan3A_196 : i32
    %scan3A_198 = arith.constant 1 : i32
    %scan3A_199 = scf.for %scan3A_448 = %scan3A_195 to %scan3A_197 step %scan3A_198 iter_args(%scan3A_449 = %scan3A_194) -> (i32)  : i32 {
      %add3A_450 = arith.constant 64 : i32
      %add3A_451 = arith.addi %add3A_450, %scan3A_448 : i32
      %get3A = arith.index_cast %add3A_451 : i32 to index
      %get3A_452 = arith.constant 0 : index
      %get3A_453 = tpu.vector_load %arg9[%get3A, %get3A_452] {strides = array<i32>} : memref<128x128xf32, #tpu.memory_space<vmem>>, vector<1x16xf32>,
      %get3A_454 = vector.shape_cast %get3A_453 : vector<1x16xf32> to vector<16xf32>
      %mul3A_455 = arith.constant 11.3137083 : f32
      %mul3A_456 = vector.broadcast %mul3A_455 : f32 to vector<16xf32>
      %mul3A_457 = arith.mulf %get3A_454, %mul3A_456 : vector<16xf32>
      %add3A_458 = arith.constant 64 : i32
      %add3A_459 = arith.addi %add3A_458, %scan3A_448 : i32
      %get3A_460 = arith.index_cast %add3A_459 : i32 to index
      %get3A_461 = arith.constant 0 : index
      %get3A_462 = tpu.vector_load %arg7[%get3A_460, %get3A_461] {strides = array<i32>} : memref<128x128xf32, #tpu.memory_space<vmem>>, vector<1x16xf32>,
      %get3A_463 = vector.shape_cast %get3A_462 : vector<1x16xf32> to vector<16xf32>
      %add3A_464 = arith.addf %mul3A_457, %get3A_463 : vector<16xf32>
      %add3A_465 = arith.constant 64 : i32
      %add3A_466 = arith.addi %add3A_465, %scan3A_448 : i32
      %swap3A = arith.index_cast %add3A_466 : i32 to index
      %swap3A_467 = arith.constant 0 : index
      %swap3A_468 = tpu.vector_load %arg9[%swap3A, %swap3A_467] {strides = array<i32>} : memref<128x128xf32, #tpu.memory_space<vmem>>, vector<1x16xf32>,
      %swap3A_469 = vector.shape_cast %swap3A_468 : vector<1x16xf32> to vector<16xf32>
      %swap3A_470 = vector.shape_cast %add3A_464 : vector<16xf32> to vector<1x16xf32>
      tpu.vector_store %arg9[%swap3A, %swap3A_467], %swap3A_470 {strides = array<i32>} : memref<128x128xf32, #tpu.memory_space<vmem>>, vector<1x16xf32>,
      %add3A_471 = arith.constant 64 : i32
      %add3A_472 = arith.addi %add3A_471, %scan3A_448 : i32
      %get3A_473 = arith.index_cast %add3A_472 : i32 to index
      %get3A_474 = arith.constant 16 : index
      %get3A_475 = tpu.vector_load %arg9[%get3A_473, %get3A_474] {strides = array<i32>} : memref<128x128xf32, #tpu.memory_space<vmem>>, vector<1x16xf32>,
      %get3A_476 = vector.shape_cast %get3A_475 : vector<1x16xf32> to vector<16xf32>
      %mul3A_477 = arith.constant 11.3137083 : f32
      %mul3A_478 = vector.broadcast %mul3A_477 : f32 to vector<16xf32>
      %mul3A_479 = arith.mulf %get3A_476, %mul3A_478 : vector<16xf32>
      %add3A_480 = arith.constant 64 : i32
      %add3A_481 = arith.addi %add3A_480, %scan3A_448 : i32
      %get3A_482 = arith.index_cast %add3A_481 : i32 to index
      %get3A_483 = arith.constant 16 : index
      %get3A_484 = tpu.vector_load %arg7[%get3A_482, %get3A_483] {strides = array<i32>} : memref<128x128xf32, #tpu.memory_space<vmem>>, vector<1x16xf32>,
      %get3A_485 = vector.shape_cast %get3A_484 : vector<1x16xf32> to vector<16xf32>
      %add3A_486 = arith.addf %mul3A_479, %get3A_485 : vector<16xf32>
      %add3A_487 = arith.constant 64 : i32
      %add3A_488 = arith.addi %add3A_487, %scan3A_448 : i32
      %swap3A_489 = arith.index_cast %add3A_488 : i32 to index
      %swap3A_490 = arith.constant 16 : index
      %swap3A_491 = tpu.vector_load %arg9[%swap3A_489, %swap3A_490] {strides = array<i32>} : memref<128x128xf32, #tpu.memory_space<vmem>>, vector<1x16xf32>,
      %swap3A_492 = vector.shape_cast %swap3A_491 : vector<1x16xf32> to vector<16xf32>
      %swap3A_493 = vector.shape_cast %add3A_486 : vector<16xf32> to vector<1x16xf32>
      tpu.vector_store %arg9[%swap3A_489, %swap3A_490], %swap3A_493 {strides = array<i32>} : memref<128x128xf32, #tpu.memory_space<vmem>>, vector<1x16xf32>,
      %add3A_494 = arith.constant 64 : i32
      %add3A_495 = arith.addi %add3A_494, %scan3A_448 : i32
      %get3A_496 = arith.index_cast %add3A_495 : i32 to index
      %get3A_497 = arith.constant 32 : index
      %get3A_498 = tpu.vector_load %arg9[%get3A_496, %get3A_497] {strides = array<i32>} : memref<128x128xf32, #tpu.memory_space<vmem>>, vector<1x16xf32>,
      %get3A_499 = vector.shape_cast %get3A_498 : vector<1x16xf32> to vector<16xf32>
      %mul3A_500 = arith.constant 11.3137083 : f32
      %mul3A_501 = vector.broadcast %mul3A_500 : f32 to vector<16xf32>
      %mul3A_502 = arith.mulf %get3A_499, %mul3A_501 : vector<16xf32>
      %add3A_503 = arith.constant 64 : i32
      %add3A_504 = arith.addi %add3A_503, %scan3A_448 : i32
      %get3A_505 = arith.index_cast %add3A_504 : i32 to index
      %get3A_506 = arith.constant 32 : index
      %get3A_507 = tpu.vector_load %arg7[%get3A_505, %get3A_506] {strides = array<i32>} : memref<128x128xf32, #tpu.memory_space<vmem>>, vector<1x16xf32>,
      %get3A_508 = vector.shape_cast %get3A_507 : vector<1x16xf32> to vector<16xf32>
      %add3A_509 = arith.addf %mul3A_502, %get3A_508 : vector<16xf32>
      %add3A_510 = arith.constant 64 : i32
      %add3A_511 = arith.addi %add3A_510, %scan3A_448 : i32
      %swap3A_512 = arith.index_cast %add3A_511 : i32 to index
      %swap3A_513 = arith.constant 32 : index
      %swap3A_514 = tpu.vector_load %arg9[%swap3A_512, %swap3A_513] {strides = array<i32>} : memref<128x128xf32, #tpu.memory_space<vmem>>, vector<1x16xf32>,
      %swap3A_515 = vector.shape_cast %swap3A_514 : vector<1x16xf32> to vector<16xf32>
      %swap3A_516 = vector.shape_cast %add3A_509 : vector<16xf32> to vector<1x16xf32>
      tpu.vector_store %arg9[%swap3A_512, %swap3A_513], %swap3A_516 {strides = array<i32>} : memref<128x128xf32, #tpu.memory_space<vmem>>, vector<1x16xf32>,
      %add3A_517 = arith.constant 64 : i32
      %add3A_518 = arith.addi %add3A_517, %scan3A_448 : i32
      %get3A_519 = arith.index_cast %add3A_518 : i32 to index
      %get3A_520 = arith.constant 48 : index
      %get3A_521 = tpu.vector_load %arg9[%get3A_519, %get3A_520] {strides = array<i32>} : memref<128x128xf32, #tpu.memory_space<vmem>>, vector<1x16xf32>,
      %get3A_522 = vector.shape_cast %get3A_521 : vector<1x16xf32> to vector<16xf32>
      %mul3A_523 = arith.constant 11.3137083 : f32
      %mul3A_524 = vector.broadcast %mul3A_523 : f32 to vector<16xf32>
      %mul3A_525 = arith.mulf %get3A_522, %mul3A_524 : vector<16xf32>
      %add3A_526 = arith.constant 64 : i32
      %add3A_527 = arith.addi %add3A_526, %scan3A_448 : i32
      %get3A_528 = arith.index_cast %add3A_527 : i32 to index
      %get3A_529 = arith.constant 48 : index
      %get3A_530 = tpu.vector_load %arg7[%get3A_528, %get3A_529] {strides = array<i32>} : memref<128x128xf32, #tpu.memory_space<vmem>>, vector<1x16xf32>,
      %get3A_531 = vector.shape_cast %get3A_530 : vector<1x16xf32> to vector<16xf32>
      %add3A_532 = arith.addf %mul3A_525, %get3A_531 : vector<16xf32>
      %add3A_533 = arith.constant 64 : i32
      %add3A_534 = arith.addi %add3A_533, %scan3A_448 : i32
      %swap3A_535 = arith.index_cast %add3A_534 : i32 to index
      %swap3A_536 = arith.constant 48 : index
      %swap3A_537 = tpu.vector_load %arg9[%swap3A_535, %swap3A_536] {strides = array<i32>} : memref<128x128xf32, #tpu.memory_space<vmem>>, vector<1x16xf32>,
      %swap3A_538 = vector.shape_cast %swap3A_537 : vector<1x16xf32> to vector<16xf32>
      %swap3A_539 = vector.shape_cast %add3A_532 : vector<16xf32> to vector<1x16xf32>
      tpu.vector_store %arg9[%swap3A_535, %swap3A_536], %swap3A_539 {strides = array<i32>} : memref<128x128xf32, #tpu.memory_space<vmem>>, vector<1x16xf32>,
      %add3A_540 = arith.constant 64 : i32
      %add3A_541 = arith.addi %add3A_540, %scan3A_448 : i32
      %get3A_542 = arith.index_cast %add3A_541 : i32 to index
      %get3A_543 = arith.constant 64 : index
      %get3A_544 = tpu.vector_load %arg9[%get3A_542, %get3A_543] {strides = array<i32>} : memref<128x128xf32, #tpu.memory_space<vmem>>, vector<1x16xf32>,
      %get3A_545 = vector.shape_cast %get3A_544 : vector<1x16xf32> to vector<16xf32>
      %mul3A_546 = arith.constant 11.3137083 : f32
      %mul3A_547 = vector.broadcast %mul3A_546 : f32 to vector<16xf32>
      %mul3A_548 = arith.mulf %get3A_545, %mul3A_547 : vector<16xf32>
      %add3A_549 = arith.constant 64 : i32
      %add3A_550 = arith.addi %add3A_549, %scan3A_448 : i32
      %get3A_551 = arith.index_cast %add3A_550 : i32 to index
      %get3A_552 = arith.constant 64 : index
      %get3A_553 = tpu.vector_load %arg7[%get3A_551, %get3A_552] {strides = array<i32>} : memref<128x128xf32, #tpu.memory_space<vmem>>, vector<1x16xf32>,
      %get3A_554 = vector.shape_cast %get3A_553 : vector<1x16xf32> to vector<16xf32>
      %add3A_555 = arith.addf %mul3A_548, %get3A_554 : vector<16xf32>
      %add3A_556 = arith.constant 64 : i32
      %add3A_557 = arith.addi %add3A_556, %scan3A_448 : i32
      %swap3A_558 = arith.index_cast %add3A_557 : i32 to index
      %swap3A_559 = arith.constant 64 : index
      %swap3A_560 = tpu.vector_load %arg9[%swap3A_558, %swap3A_559] {strides = array<i32>} : memref<128x128xf32, #tpu.memory_space<vmem>>, vector<1x16xf32>,
      %swap3A_561 = vector.shape_cast %swap3A_560 : vector<1x16xf32> to vector<16xf32>
      %swap3A_562 = vector.shape_cast %add3A_555 : vector<16xf32> to vector<1x16xf32>
      tpu.vector_store %arg9[%swap3A_558, %swap3A_559], %swap3A_562 {strides = array<i32>} : memref<128x128xf32, #tpu.memory_space<vmem>>, vector<1x16xf32>,
      %add3A_563 = arith.constant 64 : i32
      %add3A_564 = arith.addi %add3A_563, %scan3A_448 : i32
      %get3A_565 = arith.index_cast %add3A_564 : i32 to index
      %get3A_566 = arith.constant 80 : index
      %get3A_567 = tpu.vector_load %arg9[%get3A_565, %get3A_566] {strides = array<i32>} : memref<128x128xf32, #tpu.memory_space<vmem>>, vector<1x16xf32>,
      %get3A_568 = vector.shape_cast %get3A_567 : vector<1x16xf32> to vector<16xf32>
      %mul3A_569 = arith.constant 11.3137083 : f32
      %mul3A_570 = vector.broadcast %mul3A_569 : f32 to vector<16xf32>
      %mul3A_571 = arith.mulf %get3A_568, %mul3A_570 : vector<16xf32>
      %add3A_572 = arith.constant 64 : i32
      %add3A_573 = arith.addi %add3A_572, %scan3A_448 : i32
      %get3A_574 = arith.index_cast %add3A_573 : i32 to index
      %get3A_575 = arith.constant 80 : index
      %get3A_576 = tpu.vector_load %arg7[%get3A_574, %get3A_575] {strides = array<i32>} : memref<128x128xf32, #tpu.memory_space<vmem>>, vector<1x16xf32>,
      %get3A_577 = vector.shape_cast %get3A_576 : vector<1x16xf32> to vector<16xf32>
      %add3A_578 = arith.addf %mul3A_571, %get3A_577 : vector<16xf32>
      %add3A_579 = arith.constant 64 : i32
      %add3A_580 = arith.addi %add3A_579, %scan3A_448 : i32
      %swap3A_581 = arith.index_cast %add3A_580 : i32 to index
      %swap3A_582 = arith.constant 80 : index
      %swap3A_583 = tpu.vector_load %arg9[%swap3A_581, %swap3A_582] {strides = array<i32>} : memref<128x128xf32, #tpu.memory_space<vmem>>, vector<1x16xf32>,
      %swap3A_584 = vector.shape_cast %swap3A_583 : vector<1x16xf32> to vector<16xf32>
      %swap3A_585 = vector.shape_cast %add3A_578 : vector<16xf32> to vector<1x16xf32>
      tpu.vector_store %arg9[%swap3A_581, %swap3A_582], %swap3A_585 {strides = array<i32>} : memref<128x128xf32, #tpu.memory_space<vmem>>, vector<1x16xf32>,
      %add3A_586 = arith.constant 64 : i32
      %add3A_587 = arith.addi %add3A_586, %scan3A_448 : i32
      %get3A_588 = arith.index_cast %add3A_587 : i32 to index
      %get3A_589 = arith.constant 96 : index
      %get3A_590 = tpu.vector_load %arg9[%get3A_588, %get3A_589] {strides = array<i32>} : memref<128x128xf32, #tpu.memory_space<vmem>>, vector<1x16xf32>,
      %get3A_591 = vector.shape_cast %get3A_590 : vector<1x16xf32> to vector<16xf32>
      %mul3A_592 = arith.constant 11.3137083 : f32
      %mul3A_593 = vector.broadcast %mul3A_592 : f32 to vector<16xf32>
      %mul3A_594 = arith.mulf %get3A_591, %mul3A_593 : vector<16xf32>
      %add3A_595 = arith.constant 64 : i32
      %add3A_596 = arith.addi %add3A_595, %scan3A_448 : i32
      %get3A_597 = arith.index_cast %add3A_596 : i32 to index
      %get3A_598 = arith.constant 96 : index
      %get3A_599 = tpu.vector_load %arg7[%get3A_597, %get3A_598] {strides = array<i32>} : memref<128x128xf32, #tpu.memory_space<vmem>>, vector<1x16xf32>,
      %get3A_600 = vector.shape_cast %get3A_599 : vector<1x16xf32> to vector<16xf32>
      %add3A_601 = arith.addf %mul3A_594, %get3A_600 : vector<16xf32>
      %add3A_602 = arith.constant 64 : i32
      %add3A_603 = arith.addi %add3A_602, %scan3A_448 : i32
      %swap3A_604 = arith.index_cast %add3A_603 : i32 to index
      %swap3A_605 = arith.constant 96 : index
      %swap3A_606 = tpu.vector_load %arg9[%swap3A_604, %swap3A_605] {strides = array<i32>} : memref<128x128xf32, #tpu.memory_space<vmem>>, vector<1x16xf32>,
      %swap3A_607 = vector.shape_cast %swap3A_606 : vector<1x16xf32> to vector<16xf32>
      %swap3A_608 = vector.shape_cast %add3A_601 : vector<16xf32> to vector<1x16xf32>
      tpu.vector_store %arg9[%swap3A_604, %swap3A_605], %swap3A_608 {strides = array<i32>} : memref<128x128xf32, #tpu.memory_space<vmem>>, vector<1x16xf32>,
      %add3A_609 = arith.constant 64 : i32
      %add3A_610 = arith.addi %add3A_609, %scan3A_448 : i32
      %get3A_611 = arith.index_cast %add3A_610 : i32 to index
      %get3A_612 = arith.constant 112 : index
      %get3A_613 = tpu.vector_load %arg9[%get3A_611, %get3A_612] {strides = array<i32>} : memref<128x128xf32, #tpu.memory_space<vmem>>, vector<1x16xf32>,
      %get3A_614 = vector.shape_cast %get3A_613 : vector<1x16xf32> to vector<16xf32>
      %mul3A_615 = arith.constant 11.3137083 : f32
      %mul3A_616 = vector.broadcast %mul3A_615 : f32 to vector<16xf32>
      %mul3A_617 = arith.mulf %get3A_614, %mul3A_616 : vector<16xf32>
      %add3A_618 = arith.constant 64 : i32
      %add3A_619 = arith.addi %add3A_618, %scan3A_448 : i32
      %get3A_620 = arith.index_cast %add3A_619 : i32 to index
      %get3A_621 = arith.constant 112 : index
      %get3A_622 = tpu.vector_load %arg7[%get3A_620, %get3A_621] {strides = array<i32>} : memref<128x128xf32, #tpu.memory_space<vmem>>, vector<1x16xf32>,
      %get3A_623 = vector.shape_cast %get3A_622 : vector<1x16xf32> to vector<16xf32>
      %add3A_624 = arith.addf %mul3A_617, %get3A_623 : vector<16xf32>
      %add3A_625 = arith.constant 64 : i32
      %add3A_626 = arith.addi %add3A_625, %scan3A_448 : i32
      %swap3A_627 = arith.index_cast %add3A_626 : i32 to index
      %swap3A_628 = arith.constant 112 : index
      %swap3A_629 = tpu.vector_load %arg9[%swap3A_627, %swap3A_628] {strides = array<i32>} : memref<128x128xf32, #tpu.memory_space<vmem>>, vector<1x16xf32>,
      %swap3A_630 = vector.shape_cast %swap3A_629 : vector<1x16xf32> to vector<16xf32>
      %swap3A_631 = vector.shape_cast %add3A_624 : vector<16xf32> to vector<1x16xf32>
      tpu.vector_store %arg9[%swap3A_627, %swap3A_628], %swap3A_631 {strides = array<i32>} : memref<128x128xf32, #tpu.memory_space<vmem>>, vector<1x16xf32>,
      %scan3A_632 = arith.constant 0 : i32
      scf.yield %scan3A_632 : i32
    }
    %scan3A_200 = arith.constant 64 : i32
    %add3A_201 = arith.constant 64 : i32
    %add3A_202 = arith.addi %mul3A_2, %add3A_201 : i32
    %dma_start3A_203 = arith.constant 1 : i32
    %dma_start3A_204 = arith.constant 64 : i32
    %dma_start3A_205 = arith.constant 0 : i32
    %dma_start3A_206 = tpu.memref_slice %arg9[%dma_start3A_204, %dma_start3A_205] : memref<128x128xf32, #tpu.memory_space<vmem>> -> memref<64x128xf32, #tpu.memory_space<vmem>>
    %dma_start3A_207 = arith.constant 0 : i32
    %dma_start3A_208 = tpu.memref_slice %arg5[%dma_start3A_203, %add3A_202, %dma_start3A_207] : memref<4x4096x128xf32, #tpu.memory_space<hbm>> -> memref<1x64x128xf32, #tpu.memory_space<hbm>>
    %dma_start3A_209 = tpu.memref_squeeze %dma_start3A_208 : memref<1x64x128xf32, #tpu.memory_space<hbm>> -> memref<64x128xf32, #tpu.memory_space<hbm>>
    %dma_start3A_210 = arith.constant 0 : i32
    %dma_start3A_211 = tpu.memref_slice %arg5[%dma_start3A_203, %add3A_202, %dma_start3A_210] : memref<4x4096x128xf32, #tpu.memory_space<hbm>> -> memref<1x64x128xf32, #tpu.memory_space<hbm>>
    %dma_start3A_212 = tpu.memref_squeeze %dma_start3A_211 : memref<1x64x128xf32, #tpu.memory_space<hbm>> -> memref<64x128xf32, #tpu.memory_space<hbm>>
    %dma_start3A_213 = arith.constant 64 : i32
    %dma_start3A_214 = arith.constant 0 : i32
    %dma_start3A_215 = tpu.memref_slice %arg9[%dma_start3A_213, %dma_start3A_214] : memref<128x128xf32, #tpu.memory_space<vmem>> -> memref<64x128xf32, #tpu.memory_space<vmem>>
    tpu.enqueue_dma source(%dma_start3A_215 : memref<64x128xf32, #tpu.memory_space<vmem>>) target(%dma_start3A_212 : memref<64x128xf32, #tpu.memory_space<hbm>>) target_semaphore(%arg21 : memref<!tpu.dma_semaphore, #tpu.memory_space<semaphore_mem>>)
    %dma_wait3A_216 = arith.constant 2 : i32
    %dma_wait3A_217 = arith.constant 0 : i32
    %dma_wait3A_218 = arith.constant 0 : i32
    %dma_wait3A_219 = tpu.memref_slice %arg10[%dma_wait3A_217, %dma_wait3A_218] : memref<128x128xf32, #tpu.memory_space<vmem>> -> memref<64x128xf32, #tpu.memory_space<vmem>>
    %dma_wait3A_220 = arith.constant 0 : i32
    %dma_wait3A_221 = tpu.memref_slice %arg6[%dma_wait3A_216, %dma_wait3A_220] : memref<4x128xi32, #tpu.memory_space<vmem>> -> memref<1x64xi32, #tpu.memory_space<vmem>>
    %dma_wait3A_222 = tpu.memref_squeeze %dma_wait3A_221 : memref<1x64xi32, #tpu.memory_space<vmem>> -> memref<64xi32, #tpu.memory_space<vmem>>
    %dma_wait3A_223 = arith.constant 0 : i32
    %dma_wait3A_224 = arith.constant 0 : i32
    %dma_wait3A_225 = tpu.memref_slice %arg4[%dma_wait3A_223, %dma_wait3A_224] : memref<1000000x128xf32, #tpu.memory_space<hbm>> -> memref<1000000x128xf32, #tpu.memory_space<hbm>>
    tpu.wait_indirect_dma semaphore(%arg16 : memref<!tpu.dma_semaphore, #tpu.memory_space<semaphore_mem>>) src(%dma_wait3A_225 : memref<1000000x128xf32, #tpu.memory_space<hbm>>) dst(%dma_wait3A_219 : memref<64x128xf32, #tpu.memory_space<vmem>>)
    %scan3A_226 = arith.constant 0 : i32
    %scan3A_227 = arith.constant 0 : i32
    %scan3A_228 = arith.constant 64 : i32
    %scan3A_229 = arith.addi %scan3A_227, %scan3A_228 : i32
    %scan3A_230 = arith.constant 1 : i32
    %scan3A_231 = scf.for %scan3A_448 = %scan3A_227 to %scan3A_229 step %scan3A_230 iter_args(%scan3A_449 = %scan3A_226) -> (i32)  : i32 {
      %add3A_450 = arith.constant 0 : i32
      %add3A_451 = arith.addi %add3A_450, %scan3A_448 : i32
      %get3A = arith.index_cast %add3A_451 : i32 to index
      %get3A_452 = arith.constant 0 : index
      %get3A_453 = tpu.vector_load %arg10[%get3A, %get3A_452] {strides = array<i32>} : memref<128x128xf32, #tpu.memory_space<vmem>>, vector<1x16xf32>,
      %get3A_454 = vector.shape_cast %get3A_453 : vector<1x16xf32> to vector<16xf32>
      %mul3A_455 = arith.constant 11.3137083 : f32
      %mul3A_456 = vector.broadcast %mul3A_455 : f32 to vector<16xf32>
      %mul3A_457 = arith.mulf %get3A_454, %mul3A_456 : vector<16xf32>
      %add3A_458 = arith.constant 0 : i32
      %add3A_459 = arith.addi %add3A_458, %scan3A_448 : i32
      %get3A_460 = arith.index_cast %add3A_459 : i32 to index
      %get3A_461 = arith.constant 0 : index
      %get3A_462 = tpu.vector_load %arg7[%get3A_460, %get3A_461] {strides = array<i32>} : memref<128x128xf32, #tpu.memory_space<vmem>>, vector<1x16xf32>,
      %get3A_463 = vector.shape_cast %get3A_462 : vector<1x16xf32> to vector<16xf32>
      %add3A_464 = arith.addf %mul3A_457, %get3A_463 : vector<16xf32>
      %add3A_465 = arith.constant 0 : i32
      %add3A_466 = arith.addi %add3A_465, %scan3A_448 : i32
      %swap3A = arith.index_cast %add3A_466 : i32 to index
      %swap3A_467 = arith.constant 0 : index
      %swap3A_468 = tpu.vector_load %arg10[%swap3A, %swap3A_467] {strides = array<i32>} : memref<128x128xf32, #tpu.memory_space<vmem>>, vector<1x16xf32>,
      %swap3A_469 = vector.shape_cast %swap3A_468 : vector<1x16xf32> to vector<16xf32>
      %swap3A_470 = vector.shape_cast %add3A_464 : vector<16xf32> to vector<1x16xf32>
      tpu.vector_store %arg10[%swap3A, %swap3A_467], %swap3A_470 {strides = array<i32>} : memref<128x128xf32, #tpu.memory_space<vmem>>, vector<1x16xf32>,
      %add3A_471 = arith.constant 0 : i32
      %add3A_472 = arith.addi %add3A_471, %scan3A_448 : i32
      %get3A_473 = arith.index_cast %add3A_472 : i32 to index
      %get3A_474 = arith.constant 16 : index
      %get3A_475 = tpu.vector_load %arg10[%get3A_473, %get3A_474] {strides = array<i32>} : memref<128x128xf32, #tpu.memory_space<vmem>>, vector<1x16xf32>,
      %get3A_476 = vector.shape_cast %get3A_475 : vector<1x16xf32> to vector<16xf32>
      %mul3A_477 = arith.constant 11.3137083 : f32
      %mul3A_478 = vector.broadcast %mul3A_477 : f32 to vector<16xf32>
      %mul3A_479 = arith.mulf %get3A_476, %mul3A_478 : vector<16xf32>
      %add3A_480 = arith.constant 0 : i32
      %add3A_481 = arith.addi %add3A_480, %scan3A_448 : i32
      %get3A_482 = arith.index_cast %add3A_481 : i32 to index
      %get3A_483 = arith.constant 16 : index
      %get3A_484 = tpu.vector_load %arg7[%get3A_482, %get3A_483] {strides = array<i32>} : memref<128x128xf32, #tpu.memory_space<vmem>>, vector<1x16xf32>,
      %get3A_485 = vector.shape_cast %get3A_484 : vector<1x16xf32> to vector<16xf32>
      %add3A_486 = arith.addf %mul3A_479, %get3A_485 : vector<16xf32>
      %add3A_487 = arith.constant 0 : i32
      %add3A_488 = arith.addi %add3A_487, %scan3A_448 : i32
      %swap3A_489 = arith.index_cast %add3A_488 : i32 to index
      %swap3A_490 = arith.constant 16 : index
      %swap3A_491 = tpu.vector_load %arg10[%swap3A_489, %swap3A_490] {strides = array<i32>} : memref<128x128xf32, #tpu.memory_space<vmem>>, vector<1x16xf32>,
      %swap3A_492 = vector.shape_cast %swap3A_491 : vector<1x16xf32> to vector<16xf32>
      %swap3A_493 = vector.shape_cast %add3A_486 : vector<16xf32> to vector<1x16xf32>
      tpu.vector_store %arg10[%swap3A_489, %swap3A_490], %swap3A_493 {strides = array<i32>} : memref<128x128xf32, #tpu.memory_space<vmem>>, vector<1x16xf32>,
      %add3A_494 = arith.constant 0 : i32
      %add3A_495 = arith.addi %add3A_494, %scan3A_448 : i32
      %get3A_496 = arith.index_cast %add3A_495 : i32 to index
      %get3A_497 = arith.constant 32 : index
      %get3A_498 = tpu.vector_load %arg10[%get3A_496, %get3A_497] {strides = array<i32>} : memref<128x128xf32, #tpu.memory_space<vmem>>, vector<1x16xf32>,
      %get3A_499 = vector.shape_cast %get3A_498 : vector<1x16xf32> to vector<16xf32>
      %mul3A_500 = arith.constant 11.3137083 : f32
      %mul3A_501 = vector.broadcast %mul3A_500 : f32 to vector<16xf32>
      %mul3A_502 = arith.mulf %get3A_499, %mul3A_501 : vector<16xf32>
      %add3A_503 = arith.constant 0 : i32
      %add3A_504 = arith.addi %add3A_503, %scan3A_448 : i32
      %get3A_505 = arith.index_cast %add3A_504 : i32 to index
      %get3A_506 = arith.constant 32 : index
      %get3A_507 = tpu.vector_load %arg7[%get3A_505, %get3A_506] {strides = array<i32>} : memref<128x128xf32, #tpu.memory_space<vmem>>, vector<1x16xf32>,
      %get3A_508 = vector.shape_cast %get3A_507 : vector<1x16xf32> to vector<16xf32>
      %add3A_509 = arith.addf %mul3A_502, %get3A_508 : vector<16xf32>
      %add3A_510 = arith.constant 0 : i32
      %add3A_511 = arith.addi %add3A_510, %scan3A_448 : i32
      %swap3A_512 = arith.index_cast %add3A_511 : i32 to index
      %swap3A_513 = arith.constant 32 : index
      %swap3A_514 = tpu.vector_load %arg10[%swap3A_512, %swap3A_513] {strides = array<i32>} : memref<128x128xf32, #tpu.memory_space<vmem>>, vector<1x16xf32>,
      %swap3A_515 = vector.shape_cast %swap3A_514 : vector<1x16xf32> to vector<16xf32>
      %swap3A_516 = vector.shape_cast %add3A_509 : vector<16xf32> to vector<1x16xf32>
      tpu.vector_store %arg10[%swap3A_512, %swap3A_513], %swap3A_516 {strides = array<i32>} : memref<128x128xf32, #tpu.memory_space<vmem>>, vector<1x16xf32>,
      %add3A_517 = arith.constant 0 : i32
      %add3A_518 = arith.addi %add3A_517, %scan3A_448 : i32
      %get3A_519 = arith.index_cast %add3A_518 : i32 to index
      %get3A_520 = arith.constant 48 : index
      %get3A_521 = tpu.vector_load %arg10[%get3A_519, %get3A_520] {strides = array<i32>} : memref<128x128xf32, #tpu.memory_space<vmem>>, vector<1x16xf32>,
      %get3A_522 = vector.shape_cast %get3A_521 : vector<1x16xf32> to vector<16xf32>
      %mul3A_523 = arith.constant 11.3137083 : f32
      %mul3A_524 = vector.broadcast %mul3A_523 : f32 to vector<16xf32>
      %mul3A_525 = arith.mulf %get3A_522, %mul3A_524 : vector<16xf32>
      %add3A_526 = arith.constant 0 : i32
      %add3A_527 = arith.addi %add3A_526, %scan3A_448 : i32
      %get3A_528 = arith.index_cast %add3A_527 : i32 to index
      %get3A_529 = arith.constant 48 : index
      %get3A_530 = tpu.vector_load %arg7[%get3A_528, %get3A_529] {strides = array<i32>} : memref<128x128xf32, #tpu.memory_space<vmem>>, vector<1x16xf32>,
      %get3A_531 = vector.shape_cast %get3A_530 : vector<1x16xf32> to vector<16xf32>
      %add3A_532 = arith.addf %mul3A_525, %get3A_531 : vector<16xf32>
      %add3A_533 = arith.constant 0 : i32
      %add3A_534 = arith.addi %add3A_533, %scan3A_448 : i32
      %swap3A_535 = arith.index_cast %add3A_534 : i32 to index
      %swap3A_536 = arith.constant 48 : index
      %swap3A_537 = tpu.vector_load %arg10[%swap3A_535, %swap3A_536] {strides = array<i32>} : memref<128x128xf32, #tpu.memory_space<vmem>>, vector<1x16xf32>,
      %swap3A_538 = vector.shape_cast %swap3A_537 : vector<1x16xf32> to vector<16xf32>
      %swap3A_539 = vector.shape_cast %add3A_532 : vector<16xf32> to vector<1x16xf32>
      tpu.vector_store %arg10[%swap3A_535, %swap3A_536], %swap3A_539 {strides = array<i32>} : memref<128x128xf32, #tpu.memory_space<vmem>>, vector<1x16xf32>,
      %add3A_540 = arith.constant 0 : i32
      %add3A_541 = arith.addi %add3A_540, %scan3A_448 : i32
      %get3A_542 = arith.index_cast %add3A_541 : i32 to index
      %get3A_543 = arith.constant 64 : index
      %get3A_544 = tpu.vector_load %arg10[%get3A_542, %get3A_543] {strides = array<i32>} : memref<128x128xf32, #tpu.memory_space<vmem>>, vector<1x16xf32>,
      %get3A_545 = vector.shape_cast %get3A_544 : vector<1x16xf32> to vector<16xf32>
      %mul3A_546 = arith.constant 11.3137083 : f32
      %mul3A_547 = vector.broadcast %mul3A_546 : f32 to vector<16xf32>
      %mul3A_548 = arith.mulf %get3A_545, %mul3A_547 : vector<16xf32>
      %add3A_549 = arith.constant 0 : i32
      %add3A_550 = arith.addi %add3A_549, %scan3A_448 : i32
      %get3A_551 = arith.index_cast %add3A_550 : i32 to index
      %get3A_552 = arith.constant 64 : index
      %get3A_553 = tpu.vector_load %arg7[%get3A_551, %get3A_552] {strides = array<i32>} : memref<128x128xf32, #tpu.memory_space<vmem>>, vector<1x16xf32>,
      %get3A_554 = vector.shape_cast %get3A_553 : vector<1x16xf32> to vector<16xf32>
      %add3A_555 = arith.addf %mul3A_548, %get3A_554 : vector<16xf32>
      %add3A_556 = arith.constant 0 : i32
      %add3A_557 = arith.addi %add3A_556, %scan3A_448 : i32
      %swap3A_558 = arith.index_cast %add3A_557 : i32 to index
      %swap3A_559 = arith.constant 64 : index
      %swap3A_560 = tpu.vector_load %arg10[%swap3A_558, %swap3A_559] {strides = array<i32>} : memref<128x128xf32, #tpu.memory_space<vmem>>, vector<1x16xf32>,
      %swap3A_561 = vector.shape_cast %swap3A_560 : vector<1x16xf32> to vector<16xf32>
      %swap3A_562 = vector.shape_cast %add3A_555 : vector<16xf32> to vector<1x16xf32>
      tpu.vector_store %arg10[%swap3A_558, %swap3A_559], %swap3A_562 {strides = array<i32>} : memref<128x128xf32, #tpu.memory_space<vmem>>, vector<1x16xf32>,
      %add3A_563 = arith.constant 0 : i32
      %add3A_564 = arith.addi %add3A_563, %scan3A_448 : i32
      %get3A_565 = arith.index_cast %add3A_564 : i32 to index
      %get3A_566 = arith.constant 80 : index
      %get3A_567 = tpu.vector_load %arg10[%get3A_565, %get3A_566] {strides = array<i32>} : memref<128x128xf32, #tpu.memory_space<vmem>>, vector<1x16xf32>,
      %get3A_568 = vector.shape_cast %get3A_567 : vector<1x16xf32> to vector<16xf32>
      %mul3A_569 = arith.constant 11.3137083 : f32
      %mul3A_570 = vector.broadcast %mul3A_569 : f32 to vector<16xf32>
      %mul3A_571 = arith.mulf %get3A_568, %mul3A_570 : vector<16xf32>
      %add3A_572 = arith.constant 0 : i32
      %add3A_573 = arith.addi %add3A_572, %scan3A_448 : i32
      %get3A_574 = arith.index_cast %add3A_573 : i32 to index
      %get3A_575 = arith.constant 80 : index
      %get3A_576 = tpu.vector_load %arg7[%get3A_574, %get3A_575] {strides = array<i32>} : memref<128x128xf32, #tpu.memory_space<vmem>>, vector<1x16xf32>,
      %get3A_577 = vector.shape_cast %get3A_576 : vector<1x16xf32> to vector<16xf32>
      %add3A_578 = arith.addf %mul3A_571, %get3A_577 : vector<16xf32>
      %add3A_579 = arith.constant 0 : i32
      %add3A_580 = arith.addi %add3A_579, %scan3A_448 : i32
      %swap3A_581 = arith.index_cast %add3A_580 : i32 to index
      %swap3A_582 = arith.constant 80 : index
      %swap3A_583 = tpu.vector_load %arg10[%swap3A_581, %swap3A_582] {strides = array<i32>} : memref<128x128xf32, #tpu.memory_space<vmem>>, vector<1x16xf32>,
      %swap3A_584 = vector.shape_cast %swap3A_583 : vector<1x16xf32> to vector<16xf32>
      %swap3A_585 = vector.shape_cast %add3A_578 : vector<16xf32> to vector<1x16xf32>
      tpu.vector_store %arg10[%swap3A_581, %swap3A_582], %swap3A_585 {strides = array<i32>} : memref<128x128xf32, #tpu.memory_space<vmem>>, vector<1x16xf32>,
      %add3A_586 = arith.constant 0 : i32
      %add3A_587 = arith.addi %add3A_586, %scan3A_448 : i32
      %get3A_588 = arith.index_cast %add3A_587 : i32 to index
      %get3A_589 = arith.constant 96 : index
      %get3A_590 = tpu.vector_load %arg10[%get3A_588, %get3A_589] {strides = array<i32>} : memref<128x128xf32, #tpu.memory_space<vmem>>, vector<1x16xf32>,
      %get3A_591 = vector.shape_cast %get3A_590 : vector<1x16xf32> to vector<16xf32>
      %mul3A_592 = arith.constant 11.3137083 : f32
      %mul3A_593 = vector.broadcast %mul3A_592 : f32 to vector<16xf32>
      %mul3A_594 = arith.mulf %get3A_591, %mul3A_593 : vector<16xf32>
      %add3A_595 = arith.constant 0 : i32
      %add3A_596 = arith.addi %add3A_595, %scan3A_448 : i32
      %get3A_597 = arith.index_cast %add3A_596 : i32 to index
      %get3A_598 = arith.constant 96 : index
      %get3A_599 = tpu.vector_load %arg7[%get3A_597, %get3A_598] {strides = array<i32>} : memref<128x128xf32, #tpu.memory_space<vmem>>, vector<1x16xf32>,
      %get3A_600 = vector.shape_cast %get3A_599 : vector<1x16xf32> to vector<16xf32>
      %add3A_601 = arith.addf %mul3A_594, %get3A_600 : vector<16xf32>
      %add3A_602 = arith.constant 0 : i32
      %add3A_603 = arith.addi %add3A_602, %scan3A_448 : i32
      %swap3A_604 = arith.index_cast %add3A_603 : i32 to index
      %swap3A_605 = arith.constant 96 : index
      %swap3A_606 = tpu.vector_load %arg10[%swap3A_604, %swap3A_605] {strides = array<i32>} : memref<128x128xf32, #tpu.memory_space<vmem>>, vector<1x16xf32>,
      %swap3A_607 = vector.shape_cast %swap3A_606 : vector<1x16xf32> to vector<16xf32>
      %swap3A_608 = vector.shape_cast %add3A_601 : vector<16xf32> to vector<1x16xf32>
      tpu.vector_store %arg10[%swap3A_604, %swap3A_605], %swap3A_608 {strides = array<i32>} : memref<128x128xf32, #tpu.memory_space<vmem>>, vector<1x16xf32>,
      %add3A_609 = arith.constant 0 : i32
      %add3A_610 = arith.addi %add3A_609, %scan3A_448 : i32
      %get3A_611 = arith.index_cast %add3A_610 : i32 to index
      %get3A_612 = arith.constant 112 : index
      %get3A_613 = tpu.vector_load %arg10[%get3A_611, %get3A_612] {strides = array<i32>} : memref<128x128xf32, #tpu.memory_space<vmem>>, vector<1x16xf32>,
      %get3A_614 = vector.shape_cast %get3A_613 : vector<1x16xf32> to vector<16xf32>
      %mul3A_615 = arith.constant 11.3137083 : f32
      %mul3A_616 = vector.broadcast %mul3A_615 : f32 to vector<16xf32>
      %mul3A_617 = arith.mulf %get3A_614, %mul3A_616 : vector<16xf32>
      %add3A_618 = arith.constant 0 : i32
      %add3A_619 = arith.addi %add3A_618, %scan3A_448 : i32
      %get3A_620 = arith.index_cast %add3A_619 : i32 to index
      %get3A_621 = arith.constant 112 : index
      %get3A_622 = tpu.vector_load %arg7[%get3A_620, %get3A_621] {strides = array<i32>} : memref<128x128xf32, #tpu.memory_space<vmem>>, vector<1x16xf32>,
      %get3A_623 = vector.shape_cast %get3A_622 : vector<1x16xf32> to vector<16xf32>
      %add3A_624 = arith.addf %mul3A_617, %get3A_623 : vector<16xf32>
      %add3A_625 = arith.constant 0 : i32
      %add3A_626 = arith.addi %add3A_625, %scan3A_448 : i32
      %swap3A_627 = arith.index_cast %add3A_626 : i32 to index
      %swap3A_628 = arith.constant 112 : index
      %swap3A_629 = tpu.vector_load %arg10[%swap3A_627, %swap3A_628] {strides = array<i32>} : memref<128x128xf32, #tpu.memory_space<vmem>>, vector<1x16xf32>,
      %swap3A_630 = vector.shape_cast %swap3A_629 : vector<1x16xf32> to vector<16xf32>
      %swap3A_631 = vector.shape_cast %add3A_624 : vector<16xf32> to vector<1x16xf32>
      tpu.vector_store %arg10[%swap3A_627, %swap3A_628], %swap3A_631 {strides = array<i32>} : memref<128x128xf32, #tpu.memory_space<vmem>>, vector<1x16xf32>,
      %scan3A_632 = arith.constant 0 : i32
      scf.yield %scan3A_632 : i32
    }
    %scan3A_232 = arith.constant 64 : i32
    %add3A_233 = arith.constant 0 : i32
    %add3A_234 = arith.addi %mul3A_2, %add3A_233 : i32
    %dma_start3A_235 = arith.constant 2 : i32
    %dma_start3A_236 = arith.constant 0 : i32
    %dma_start3A_237 = arith.constant 0 : i32
    %dma_start3A_238 = tpu.memref_slice %arg10[%dma_start3A_236, %dma_start3A_237] : memref<128x128xf32, #tpu.memory_space<vmem>> -> memref<64x128xf32, #tpu.memory_space<vmem>>
    %dma_start3A_239 = arith.constant 0 : i32
    %dma_start3A_240 = tpu.memref_slice %arg5[%dma_start3A_235, %add3A_234, %dma_start3A_239] : memref<4x4096x128xf32, #tpu.memory_space<hbm>> -> memref<1x64x128xf32, #tpu.memory_space<hbm>>
    %dma_start3A_241 = tpu.memref_squeeze %dma_start3A_240 : memref<1x64x128xf32, #tpu.memory_space<hbm>> -> memref<64x128xf32, #tpu.memory_space<hbm>>
    %dma_start3A_242 = arith.constant 0 : i32
    %dma_start3A_243 = tpu.memref_slice %arg5[%dma_start3A_235, %add3A_234, %dma_start3A_242] : memref<4x4096x128xf32, #tpu.memory_space<hbm>> -> memref<1x64x128xf32, #tpu.memory_space<hbm>>
    %dma_start3A_244 = tpu.memref_squeeze %dma_start3A_243 : memref<1x64x128xf32, #tpu.memory_space<hbm>> -> memref<64x128xf32, #tpu.memory_space<hbm>>
    %dma_start3A_245 = arith.constant 0 : i32
    %dma_start3A_246 = arith.constant 0 : i32
    %dma_start3A_247 = tpu.memref_slice %arg10[%dma_start3A_245, %dma_start3A_246] : memref<128x128xf32, #tpu.memory_space<vmem>> -> memref<64x128xf32, #tpu.memory_space<vmem>>
    tpu.enqueue_dma source(%dma_start3A_247 : memref<64x128xf32, #tpu.memory_space<vmem>>) target(%dma_start3A_244 : memref<64x128xf32, #tpu.memory_space<hbm>>) target_semaphore(%arg21 : memref<!tpu.dma_semaphore, #tpu.memory_space<semaphore_mem>>)
    %dma_wait3A_248 = arith.constant 2 : i32
    %dma_wait3A_249 = arith.constant 64 : i32
    %dma_wait3A_250 = arith.constant 0 : i32
    %dma_wait3A_251 = tpu.memref_slice %arg10[%dma_wait3A_249, %dma_wait3A_250] : memref<128x128xf32, #tpu.memory_space<vmem>> -> memref<64x128xf32, #tpu.memory_space<vmem>>
    %dma_wait3A_252 = arith.constant 64 : i32
    %dma_wait3A_253 = tpu.memref_slice %arg6[%dma_wait3A_248, %dma_wait3A_252] : memref<4x128xi32, #tpu.memory_space<vmem>> -> memref<1x64xi32, #tpu.memory_space<vmem>>
    %dma_wait3A_254 = tpu.memref_squeeze %dma_wait3A_253 : memref<1x64xi32, #tpu.memory_space<vmem>> -> memref<64xi32, #tpu.memory_space<vmem>>
    %dma_wait3A_255 = arith.constant 0 : i32
    %dma_wait3A_256 = arith.constant 0 : i32
    %dma_wait3A_257 = tpu.memref_slice %arg4[%dma_wait3A_255, %dma_wait3A_256] : memref<1000000x128xf32, #tpu.memory_space<hbm>> -> memref<1000000x128xf32, #tpu.memory_space<hbm>>
    tpu.wait_indirect_dma semaphore(%arg17 : memref<!tpu.dma_semaphore, #tpu.memory_space<semaphore_mem>>) src(%dma_wait3A_257 : memref<1000000x128xf32, #tpu.memory_space<hbm>>) dst(%dma_wait3A_251 : memref<64x128xf32, #tpu.memory_space<vmem>>)
    %scan3A_258 = arith.constant 0 : i32
    %scan3A_259 = arith.constant 0 : i32
    %scan3A_260 = arith.constant 64 : i32
    %scan3A_261 = arith.addi %scan3A_259, %scan3A_260 : i32
    %scan3A_262 = arith.constant 1 : i32
    %scan3A_263 = scf.for %scan3A_448 = %scan3A_259 to %scan3A_261 step %scan3A_262 iter_args(%scan3A_449 = %scan3A_258) -> (i32)  : i32 {
      %add3A_450 = arith.constant 64 : i32
      %add3A_451 = arith.addi %add3A_450, %scan3A_448 : i32
      %get3A = arith.index_cast %add3A_451 : i32 to index
      %get3A_452 = arith.constant 0 : index
      %get3A_453 = tpu.vector_load %arg10[%get3A, %get3A_452] {strides = array<i32>} : memref<128x128xf32, #tpu.memory_space<vmem>>, vector<1x16xf32>,
      %get3A_454 = vector.shape_cast %get3A_453 : vector<1x16xf32> to vector<16xf32>
      %mul3A_455 = arith.constant 11.3137083 : f32
      %mul3A_456 = vector.broadcast %mul3A_455 : f32 to vector<16xf32>
      %mul3A_457 = arith.mulf %get3A_454, %mul3A_456 : vector<16xf32>
      %add3A_458 = arith.constant 64 : i32
      %add3A_459 = arith.addi %add3A_458, %scan3A_448 : i32
      %get3A_460 = arith.index_cast %add3A_459 : i32 to index
      %get3A_461 = arith.constant 0 : index
      %get3A_462 = tpu.vector_load %arg7[%get3A_460, %get3A_461] {strides = array<i32>} : memref<128x128xf32, #tpu.memory_space<vmem>>, vector<1x16xf32>,
      %get3A_463 = vector.shape_cast %get3A_462 : vector<1x16xf32> to vector<16xf32>
      %add3A_464 = arith.addf %mul3A_457, %get3A_463 : vector<16xf32>
      %add3A_465 = arith.constant 64 : i32
      %add3A_466 = arith.addi %add3A_465, %scan3A_448 : i32
      %swap3A = arith.index_cast %add3A_466 : i32 to index
      %swap3A_467 = arith.constant 0 : index
      %swap3A_468 = tpu.vector_load %arg10[%swap3A, %swap3A_467] {strides = array<i32>} : memref<128x128xf32, #tpu.memory_space<vmem>>, vector<1x16xf32>,
      %swap3A_469 = vector.shape_cast %swap3A_468 : vector<1x16xf32> to vector<16xf32>
      %swap3A_470 = vector.shape_cast %add3A_464 : vector<16xf32> to vector<1x16xf32>
      tpu.vector_store %arg10[%swap3A, %swap3A_467], %swap3A_470 {strides = array<i32>} : memref<128x128xf32, #tpu.memory_space<vmem>>, vector<1x16xf32>,
      %add3A_471 = arith.constant 64 : i32
      %add3A_472 = arith.addi %add3A_471, %scan3A_448 : i32
      %get3A_473 = arith.index_cast %add3A_472 : i32 to index
      %get3A_474 = arith.constant 16 : index
      %get3A_475 = tpu.vector_load %arg10[%get3A_473, %get3A_474] {strides = array<i32>} : memref<128x128xf32, #tpu.memory_space<vmem>>, vector<1x16xf32>,
      %get3A_476 = vector.shape_cast %get3A_475 : vector<1x16xf32> to vector<16xf32>
      %mul3A_477 = arith.constant 11.3137083 : f32
      %mul3A_478 = vector.broadcast %mul3A_477 : f32 to vector<16xf32>
      %mul3A_479 = arith.mulf %get3A_476, %mul3A_478 : vector<16xf32>
      %add3A_480 = arith.constant 64 : i32
      %add3A_481 = arith.addi %add3A_480, %scan3A_448 : i32
      %get3A_482 = arith.index_cast %add3A_481 : i32 to index
      %get3A_483 = arith.constant 16 : index
      %get3A_484 = tpu.vector_load %arg7[%get3A_482, %get3A_483] {strides = array<i32>} : memref<128x128xf32, #tpu.memory_space<vmem>>, vector<1x16xf32>,
      %get3A_485 = vector.shape_cast %get3A_484 : vector<1x16xf32> to vector<16xf32>
      %add3A_486 = arith.addf %mul3A_479, %get3A_485 : vector<16xf32>
      %add3A_487 = arith.constant 64 : i32
      %add3A_488 = arith.addi %add3A_487, %scan3A_448 : i32
      %swap3A_489 = arith.index_cast %add3A_488 : i32 to index
      %swap3A_490 = arith.constant 16 : index
      %swap3A_491 = tpu.vector_load %arg10[%swap3A_489, %swap3A_490] {strides = array<i32>} : memref<128x128xf32, #tpu.memory_space<vmem>>, vector<1x16xf32>,
      %swap3A_492 = vector.shape_cast %swap3A_491 : vector<1x16xf32> to vector<16xf32>
      %swap3A_493 = vector.shape_cast %add3A_486 : vector<16xf32> to vector<1x16xf32>
      tpu.vector_store %arg10[%swap3A_489, %swap3A_490], %swap3A_493 {strides = array<i32>} : memref<128x128xf32, #tpu.memory_space<vmem>>, vector<1x16xf32>,
      %add3A_494 = arith.constant 64 : i32
      %add3A_495 = arith.addi %add3A_494, %scan3A_448 : i32
      %get3A_496 = arith.index_cast %add3A_495 : i32 to index
      %get3A_497 = arith.constant 32 : index
      %get3A_498 = tpu.vector_load %arg10[%get3A_496, %get3A_497] {strides = array<i32>} : memref<128x128xf32, #tpu.memory_space<vmem>>, vector<1x16xf32>,
      %get3A_499 = vector.shape_cast %get3A_498 : vector<1x16xf32> to vector<16xf32>
      %mul3A_500 = arith.constant 11.3137083 : f32
      %mul3A_501 = vector.broadcast %mul3A_500 : f32 to vector<16xf32>
      %mul3A_502 = arith.mulf %get3A_499, %mul3A_501 : vector<16xf32>
      %add3A_503 = arith.constant 64 : i32
      %add3A_504 = arith.addi %add3A_503, %scan3A_448 : i32
      %get3A_505 = arith.index_cast %add3A_504 : i32 to index
      %get3A_506 = arith.constant 32 : index
      %get3A_507 = tpu.vector_load %arg7[%get3A_505, %get3A_506] {strides = array<i32>} : memref<128x128xf32, #tpu.memory_space<vmem>>, vector<1x16xf32>,
      %get3A_508 = vector.shape_cast %get3A_507 : vector<1x16xf32> to vector<16xf32>
      %add3A_509 = arith.addf %mul3A_502, %get3A_508 : vector<16xf32>
      %add3A_510 = arith.constant 64 : i32
      %add3A_511 = arith.addi %add3A_510, %scan3A_448 : i32
      %swap3A_512 = arith.index_cast %add3A_511 : i32 to index
      %swap3A_513 = arith.constant 32 : index
      %swap3A_514 = tpu.vector_load %arg10[%swap3A_512, %swap3A_513] {strides = array<i32>} : memref<128x128xf32, #tpu.memory_space<vmem>>, vector<1x16xf32>,
      %swap3A_515 = vector.shape_cast %swap3A_514 : vector<1x16xf32> to vector<16xf32>
      %swap3A_516 = vector.shape_cast %add3A_509 : vector<16xf32> to vector<1x16xf32>
      tpu.vector_store %arg10[%swap3A_512, %swap3A_513], %swap3A_516 {strides = array<i32>} : memref<128x128xf32, #tpu.memory_space<vmem>>, vector<1x16xf32>,
      %add3A_517 = arith.constant 64 : i32
      %add3A_518 = arith.addi %add3A_517, %scan3A_448 : i32
      %get3A_519 = arith.index_cast %add3A_518 : i32 to index
      %get3A_520 = arith.constant 48 : index
      %get3A_521 = tpu.vector_load %arg10[%get3A_519, %get3A_520] {strides = array<i32>} : memref<128x128xf32, #tpu.memory_space<vmem>>, vector<1x16xf32>,
      %get3A_522 = vector.shape_cast %get3A_521 : vector<1x16xf32> to vector<16xf32>
      %mul3A_523 = arith.constant 11.3137083 : f32
      %mul3A_524 = vector.broadcast %mul3A_523 : f32 to vector<16xf32>
      %mul3A_525 = arith.mulf %get3A_522, %mul3A_524 : vector<16xf32>
      %add3A_526 = arith.constant 64 : i32
      %add3A_527 = arith.addi %add3A_526, %scan3A_448 : i32
      %get3A_528 = arith.index_cast %add3A_527 : i32 to index
      %get3A_529 = arith.constant 48 : index
      %get3A_530 = tpu.vector_load %arg7[%get3A_528, %get3A_529] {strides = array<i32>} : memref<128x128xf32, #tpu.memory_space<vmem>>, vector<1x16xf32>,
      %get3A_531 = vector.shape_cast %get3A_530 : vector<1x16xf32> to vector<16xf32>
      %add3A_532 = arith.addf %mul3A_525, %get3A_531 : vector<16xf32>
      %add3A_533 = arith.constant 64 : i32
      %add3A_534 = arith.addi %add3A_533, %scan3A_448 : i32
      %swap3A_535 = arith.index_cast %add3A_534 : i32 to index
      %swap3A_536 = arith.constant 48 : index
      %swap3A_537 = tpu.vector_load %arg10[%swap3A_535, %swap3A_536] {strides = array<i32>} : memref<128x128xf32, #tpu.memory_space<vmem>>, vector<1x16xf32>,
      %swap3A_538 = vector.shape_cast %swap3A_537 : vector<1x16xf32> to vector<16xf32>
      %swap3A_539 = vector.shape_cast %add3A_532 : vector<16xf32> to vector<1x16xf32>
      tpu.vector_store %arg10[%swap3A_535, %swap3A_536], %swap3A_539 {strides = array<i32>} : memref<128x128xf32, #tpu.memory_space<vmem>>, vector<1x16xf32>,
      %add3A_540 = arith.constant 64 : i32
      %add3A_541 = arith.addi %add3A_540, %scan3A_448 : i32
      %get3A_542 = arith.index_cast %add3A_541 : i32 to index
      %get3A_543 = arith.constant 64 : index
      %get3A_544 = tpu.vector_load %arg10[%get3A_542, %get3A_543] {strides = array<i32>} : memref<128x128xf32, #tpu.memory_space<vmem>>, vector<1x16xf32>,
      %get3A_545 = vector.shape_cast %get3A_544 : vector<1x16xf32> to vector<16xf32>
      %mul3A_546 = arith.constant 11.3137083 : f32
      %mul3A_547 = vector.broadcast %mul3A_546 : f32 to vector<16xf32>
      %mul3A_548 = arith.mulf %get3A_545, %mul3A_547 : vector<16xf32>
      %add3A_549 = arith.constant 64 : i32
      %add3A_550 = arith.addi %add3A_549, %scan3A_448 : i32
      %get3A_551 = arith.index_cast %add3A_550 : i32 to index
      %get3A_552 = arith.constant 64 : index
      %get3A_553 = tpu.vector_load %arg7[%get3A_551, %get3A_552] {strides = array<i32>} : memref<128x128xf32, #tpu.memory_space<vmem>>, vector<1x16xf32>,
      %get3A_554 = vector.shape_cast %get3A_553 : vector<1x16xf32> to vector<16xf32>
      %add3A_555 = arith.addf %mul3A_548, %get3A_554 : vector<16xf32>
      %add3A_556 = arith.constant 64 : i32
      %add3A_557 = arith.addi %add3A_556, %scan3A_448 : i32
      %swap3A_558 = arith.index_cast %add3A_557 : i32 to index
      %swap3A_559 = arith.constant 64 : index
      %swap3A_560 = tpu.vector_load %arg10[%swap3A_558, %swap3A_559] {strides = array<i32>} : memref<128x128xf32, #tpu.memory_space<vmem>>, vector<1x16xf32>,
      %swap3A_561 = vector.shape_cast %swap3A_560 : vector<1x16xf32> to vector<16xf32>
      %swap3A_562 = vector.shape_cast %add3A_555 : vector<16xf32> to vector<1x16xf32>
      tpu.vector_store %arg10[%swap3A_558, %swap3A_559], %swap3A_562 {strides = array<i32>} : memref<128x128xf32, #tpu.memory_space<vmem>>, vector<1x16xf32>,
      %add3A_563 = arith.constant 64 : i32
      %add3A_564 = arith.addi %add3A_563, %scan3A_448 : i32
      %get3A_565 = arith.index_cast %add3A_564 : i32 to index
      %get3A_566 = arith.constant 80 : index
      %get3A_567 = tpu.vector_load %arg10[%get3A_565, %get3A_566] {strides = array<i32>} : memref<128x128xf32, #tpu.memory_space<vmem>>, vector<1x16xf32>,
      %get3A_568 = vector.shape_cast %get3A_567 : vector<1x16xf32> to vector<16xf32>
      %mul3A_569 = arith.constant 11.3137083 : f32
      %mul3A_570 = vector.broadcast %mul3A_569 : f32 to vector<16xf32>
      %mul3A_571 = arith.mulf %get3A_568, %mul3A_570 : vector<16xf32>
      %add3A_572 = arith.constant 64 : i32
      %add3A_573 = arith.addi %add3A_572, %scan3A_448 : i32
      %get3A_574 = arith.index_cast %add3A_573 : i32 to index
      %get3A_575 = arith.constant 80 : index
      %get3A_576 = tpu.vector_load %arg7[%get3A_574, %get3A_575] {strides = array<i32>} : memref<128x128xf32, #tpu.memory_space<vmem>>, vector<1x16xf32>,
      %get3A_577 = vector.shape_cast %get3A_576 : vector<1x16xf32> to vector<16xf32>
      %add3A_578 = arith.addf %mul3A_571, %get3A_577 : vector<16xf32>
      %add3A_579 = arith.constant 64 : i32
      %add3A_580 = arith.addi %add3A_579, %scan3A_448 : i32
      %swap3A_581 = arith.index_cast %add3A_580 : i32 to index
      %swap3A_582 = arith.constant 80 : index
      %swap3A_583 = tpu.vector_load %arg10[%swap3A_581, %swap3A_582] {strides = array<i32>} : memref<128x128xf32, #tpu.memory_space<vmem>>, vector<1x16xf32>,
      %swap3A_584 = vector.shape_cast %swap3A_583 : vector<1x16xf32> to vector<16xf32>
      %swap3A_585 = vector.shape_cast %add3A_578 : vector<16xf32> to vector<1x16xf32>
      tpu.vector_store %arg10[%swap3A_581, %swap3A_582], %swap3A_585 {strides = array<i32>} : memref<128x128xf32, #tpu.memory_space<vmem>>, vector<1x16xf32>,
      %add3A_586 = arith.constant 64 : i32
      %add3A_587 = arith.addi %add3A_586, %scan3A_448 : i32
      %get3A_588 = arith.index_cast %add3A_587 : i32 to index
      %get3A_589 = arith.constant 96 : index
      %get3A_590 = tpu.vector_load %arg10[%get3A_588, %get3A_589] {strides = array<i32>} : memref<128x128xf32, #tpu.memory_space<vmem>>, vector<1x16xf32>,
      %get3A_591 = vector.shape_cast %get3A_590 : vector<1x16xf32> to vector<16xf32>
      %mul3A_592 = arith.constant 11.3137083 : f32
      %mul3A_593 = vector.broadcast %mul3A_592 : f32 to vector<16xf32>
      %mul3A_594 = arith.mulf %get3A_591, %mul3A_593 : vector<16xf32>
      %add3A_595 = arith.constant 64 : i32
      %add3A_596 = arith.addi %add3A_595, %scan3A_448 : i32
      %get3A_597 = arith.index_cast %add3A_596 : i32 to index
      %get3A_598 = arith.constant 96 : index
      %get3A_599 = tpu.vector_load %arg7[%get3A_597, %get3A_598] {strides = array<i32>} : memref<128x128xf32, #tpu.memory_space<vmem>>, vector<1x16xf32>,
      %get3A_600 = vector.shape_cast %get3A_599 : vector<1x16xf32> to vector<16xf32>
      %add3A_601 = arith.addf %mul3A_594, %get3A_600 : vector<16xf32>
      %add3A_602 = arith.constant 64 : i32
      %add3A_603 = arith.addi %add3A_602, %scan3A_448 : i32
      %swap3A_604 = arith.index_cast %add3A_603 : i32 to index
      %swap3A_605 = arith.constant 96 : index
      %swap3A_606 = tpu.vector_load %arg10[%swap3A_604, %swap3A_605] {strides = array<i32>} : memref<128x128xf32, #tpu.memory_space<vmem>>, vector<1x16xf32>,
      %swap3A_607 = vector.shape_cast %swap3A_606 : vector<1x16xf32> to vector<16xf32>
      %swap3A_608 = vector.shape_cast %add3A_601 : vector<16xf32> to vector<1x16xf32>
      tpu.vector_store %arg10[%swap3A_604, %swap3A_605], %swap3A_608 {strides = array<i32>} : memref<128x128xf32, #tpu.memory_space<vmem>>, vector<1x16xf32>,
      %add3A_609 = arith.constant 64 : i32
      %add3A_610 = arith.addi %add3A_609, %scan3A_448 : i32
      %get3A_611 = arith.index_cast %add3A_610 : i32 to index
      %get3A_612 = arith.constant 112 : index
      %get3A_613 = tpu.vector_load %arg10[%get3A_611, %get3A_612] {strides = array<i32>} : memref<128x128xf32, #tpu.memory_space<vmem>>, vector<1x16xf32>,
      %get3A_614 = vector.shape_cast %get3A_613 : vector<1x16xf32> to vector<16xf32>
      %mul3A_615 = arith.constant 11.3137083 : f32
      %mul3A_616 = vector.broadcast %mul3A_615 : f32 to vector<16xf32>
      %mul3A_617 = arith.mulf %get3A_614, %mul3A_616 : vector<16xf32>
      %add3A_618 = arith.constant 64 : i32
      %add3A_619 = arith.addi %add3A_618, %scan3A_448 : i32
      %get3A_620 = arith.index_cast %add3A_619 : i32 to index
      %get3A_621 = arith.constant 112 : index
      %get3A_622 = tpu.vector_load %arg7[%get3A_620, %get3A_621] {strides = array<i32>} : memref<128x128xf32, #tpu.memory_space<vmem>>, vector<1x16xf32>,
      %get3A_623 = vector.shape_cast %get3A_622 : vector<1x16xf32> to vector<16xf32>
      %add3A_624 = arith.addf %mul3A_617, %get3A_623 : vector<16xf32>
      %add3A_625 = arith.constant 64 : i32
      %add3A_626 = arith.addi %add3A_625, %scan3A_448 : i32
      %swap3A_627 = arith.index_cast %add3A_626 : i32 to index
      %swap3A_628 = arith.constant 112 : index
      %swap3A_629 = tpu.vector_load %arg10[%swap3A_627, %swap3A_628] {strides = array<i32>} : memref<128x128xf32, #tpu.memory_space<vmem>>, vector<1x16xf32>,
      %swap3A_630 = vector.shape_cast %swap3A_629 : vector<1x16xf32> to vector<16xf32>
      %swap3A_631 = vector.shape_cast %add3A_624 : vector<16xf32> to vector<1x16xf32>
      tpu.vector_store %arg10[%swap3A_627, %swap3A_628], %swap3A_631 {strides = array<i32>} : memref<128x128xf32, #tpu.memory_space<vmem>>, vector<1x16xf32>,
      %scan3A_632 = arith.constant 0 : i32
      scf.yield %scan3A_632 : i32
    }
    %scan3A_264 = arith.constant 64 : i32
    %add3A_265 = arith.constant 64 : i32
    %add3A_266 = arith.addi %mul3A_2, %add3A_265 : i32
    %dma_start3A_267 = arith.constant 2 : i32
    %dma_start3A_268 = arith.constant 64 : i32
    %dma_start3A_269 = arith.constant 0 : i32
    %dma_start3A_270 = tpu.memref_slice %arg10[%dma_start3A_268, %dma_start3A_269] : memref<128x128xf32, #tpu.memory_space<vmem>> -> memref<64x128xf32, #tpu.memory_space<vmem>>
    %dma_start3A_271 = arith.constant 0 : i32
    %dma_start3A_272 = tpu.memref_slice %arg5[%dma_start3A_267, %add3A_266, %dma_start3A_271] : memref<4x4096x128xf32, #tpu.memory_space<hbm>> -> memref<1x64x128xf32, #tpu.memory_space<hbm>>
    %dma_start3A_273 = tpu.memref_squeeze %dma_start3A_272 : memref<1x64x128xf32, #tpu.memory_space<hbm>> -> memref<64x128xf32, #tpu.memory_space<hbm>>
    %dma_start3A_274 = arith.constant 0 : i32
    %dma_start3A_275 = tpu.memref_slice %arg5[%dma_start3A_267, %add3A_266, %dma_start3A_274] : memref<4x4096x128xf32, #tpu.memory_space<hbm>> -> memref<1x64x128xf32, #tpu.memory_space<hbm>>
    %dma_start3A_276 = tpu.memref_squeeze %dma_start3A_275 : memref<1x64x128xf32, #tpu.memory_space<hbm>> -> memref<64x128xf32, #tpu.memory_space<hbm>>
    %dma_start3A_277 = arith.constant 64 : i32
    %dma_start3A_278 = arith.constant 0 : i32
    %dma_start3A_279 = tpu.memref_slice %arg10[%dma_start3A_277, %dma_start3A_278] : memref<128x128xf32, #tpu.memory_space<vmem>> -> memref<64x128xf32, #tpu.memory_space<vmem>>
    tpu.enqueue_dma source(%dma_start3A_279 : memref<64x128xf32, #tpu.memory_space<vmem>>) target(%dma_start3A_276 : memref<64x128xf32, #tpu.memory_space<hbm>>) target_semaphore(%arg21 : memref<!tpu.dma_semaphore, #tpu.memory_space<semaphore_mem>>)
    %dma_wait3A_280 = arith.constant 3 : i32
    %dma_wait3A_281 = arith.constant 0 : i32
    %dma_wait3A_282 = arith.constant 0 : i32
    %dma_wait3A_283 = tpu.memref_slice %arg11[%dma_wait3A_281, %dma_wait3A_282] : memref<128x128xf32, #tpu.memory_space<vmem>> -> memref<64x128xf32, #tpu.memory_space<vmem>>
    %dma_wait3A_284 = arith.constant 0 : i32
    %dma_wait3A_285 = tpu.memref_slice %arg6[%dma_wait3A_280, %dma_wait3A_284] : memref<4x128xi32, #tpu.memory_space<vmem>> -> memref<1x64xi32, #tpu.memory_space<vmem>>
    %dma_wait3A_286 = tpu.memref_squeeze %dma_wait3A_285 : memref<1x64xi32, #tpu.memory_space<vmem>> -> memref<64xi32, #tpu.memory_space<vmem>>
    %dma_wait3A_287 = arith.constant 0 : i32
    %dma_wait3A_288 = arith.constant 0 : i32
    %dma_wait3A_289 = tpu.memref_slice %arg4[%dma_wait3A_287, %dma_wait3A_288] : memref<1000000x128xf32, #tpu.memory_space<hbm>> -> memref<1000000x128xf32, #tpu.memory_space<hbm>>
    tpu.wait_indirect_dma semaphore(%arg18 : memref<!tpu.dma_semaphore, #tpu.memory_space<semaphore_mem>>) src(%dma_wait3A_289 : memref<1000000x128xf32, #tpu.memory_space<hbm>>) dst(%dma_wait3A_283 : memref<64x128xf32, #tpu.memory_space<vmem>>)
    %scan3A_290 = arith.constant 0 : i32
    %scan3A_291 = arith.constant 0 : i32
    %scan3A_292 = arith.constant 64 : i32
    %scan3A_293 = arith.addi %scan3A_291, %scan3A_292 : i32
    %scan3A_294 = arith.constant 1 : i32
    %scan3A_295 = scf.for %scan3A_448 = %scan3A_291 to %scan3A_293 step %scan3A_294 iter_args(%scan3A_449 = %scan3A_290) -> (i32)  : i32 {
      %add3A_450 = arith.constant 0 : i32
      %add3A_451 = arith.addi %add3A_450, %scan3A_448 : i32
      %get3A = arith.index_cast %add3A_451 : i32 to index
      %get3A_452 = arith.constant 0 : index
      %get3A_453 = tpu.vector_load %arg11[%get3A, %get3A_452] {strides = array<i32>} : memref<128x128xf32, #tpu.memory_space<vmem>>, vector<1x16xf32>,
      %get3A_454 = vector.shape_cast %get3A_453 : vector<1x16xf32> to vector<16xf32>
      %mul3A_455 = arith.constant 11.3137083 : f32
      %mul3A_456 = vector.broadcast %mul3A_455 : f32 to vector<16xf32>
      %mul3A_457 = arith.mulf %get3A_454, %mul3A_456 : vector<16xf32>
      %add3A_458 = arith.constant 0 : i32
      %add3A_459 = arith.addi %add3A_458, %scan3A_448 : i32
      %get3A_460 = arith.index_cast %add3A_459 : i32 to index
      %get3A_461 = arith.constant 0 : index
      %get3A_462 = tpu.vector_load %arg7[%get3A_460, %get3A_461] {strides = array<i32>} : memref<128x128xf32, #tpu.memory_space<vmem>>, vector<1x16xf32>,
      %get3A_463 = vector.shape_cast %get3A_462 : vector<1x16xf32> to vector<16xf32>
      %add3A_464 = arith.addf %mul3A_457, %get3A_463 : vector<16xf32>
      %add3A_465 = arith.constant 0 : i32
      %add3A_466 = arith.addi %add3A_465, %scan3A_448 : i32
      %swap3A = arith.index_cast %add3A_466 : i32 to index
      %swap3A_467 = arith.constant 0 : index
      %swap3A_468 = tpu.vector_load %arg11[%swap3A, %swap3A_467] {strides = array<i32>} : memref<128x128xf32, #tpu.memory_space<vmem>>, vector<1x16xf32>,
      %swap3A_469 = vector.shape_cast %swap3A_468 : vector<1x16xf32> to vector<16xf32>
      %swap3A_470 = vector.shape_cast %add3A_464 : vector<16xf32> to vector<1x16xf32>
      tpu.vector_store %arg11[%swap3A, %swap3A_467], %swap3A_470 {strides = array<i32>} : memref<128x128xf32, #tpu.memory_space<vmem>>, vector<1x16xf32>,
      %add3A_471 = arith.constant 0 : i32
      %add3A_472 = arith.addi %add3A_471, %scan3A_448 : i32
      %get3A_473 = arith.index_cast %add3A_472 : i32 to index
      %get3A_474 = arith.constant 16 : index
      %get3A_475 = tpu.vector_load %arg11[%get3A_473, %get3A_474] {strides = array<i32>} : memref<128x128xf32, #tpu.memory_space<vmem>>, vector<1x16xf32>,
      %get3A_476 = vector.shape_cast %get3A_475 : vector<1x16xf32> to vector<16xf32>
      %mul3A_477 = arith.constant 11.3137083 : f32
      %mul3A_478 = vector.broadcast %mul3A_477 : f32 to vector<16xf32>
      %mul3A_479 = arith.mulf %get3A_476, %mul3A_478 : vector<16xf32>
      %add3A_480 = arith.constant 0 : i32
      %add3A_481 = arith.addi %add3A_480, %scan3A_448 : i32
      %get3A_482 = arith.index_cast %add3A_481 : i32 to index
      %get3A_483 = arith.constant 16 : index
      %get3A_484 = tpu.vector_load %arg7[%get3A_482, %get3A_483] {strides = array<i32>} : memref<128x128xf32, #tpu.memory_space<vmem>>, vector<1x16xf32>,
      %get3A_485 = vector.shape_cast %get3A_484 : vector<1x16xf32> to vector<16xf32>
      %add3A_486 = arith.addf %mul3A_479, %get3A_485 : vector<16xf32>
      %add3A_487 = arith.constant 0 : i32
      %add3A_488 = arith.addi %add3A_487, %scan3A_448 : i32
      %swap3A_489 = arith.index_cast %add3A_488 : i32 to index
      %swap3A_490 = arith.constant 16 : index
      %swap3A_491 = tpu.vector_load %arg11[%swap3A_489, %swap3A_490] {strides = array<i32>} : memref<128x128xf32, #tpu.memory_space<vmem>>, vector<1x16xf32>,
      %swap3A_492 = vector.shape_cast %swap3A_491 : vector<1x16xf32> to vector<16xf32>
      %swap3A_493 = vector.shape_cast %add3A_486 : vector<16xf32> to vector<1x16xf32>
      tpu.vector_store %arg11[%swap3A_489, %swap3A_490], %swap3A_493 {strides = array<i32>} : memref<128x128xf32, #tpu.memory_space<vmem>>, vector<1x16xf32>,
      %add3A_494 = arith.constant 0 : i32
      %add3A_495 = arith.addi %add3A_494, %scan3A_448 : i32
      %get3A_496 = arith.index_cast %add3A_495 : i32 to index
      %get3A_497 = arith.constant 32 : index
      %get3A_498 = tpu.vector_load %arg11[%get3A_496, %get3A_497] {strides = array<i32>} : memref<128x128xf32, #tpu.memory_space<vmem>>, vector<1x16xf32>,
      %get3A_499 = vector.shape_cast %get3A_498 : vector<1x16xf32> to vector<16xf32>
      %mul3A_500 = arith.constant 11.3137083 : f32
      %mul3A_501 = vector.broadcast %mul3A_500 : f32 to vector<16xf32>
      %mul3A_502 = arith.mulf %get3A_499, %mul3A_501 : vector<16xf32>
      %add3A_503 = arith.constant 0 : i32
      %add3A_504 = arith.addi %add3A_503, %scan3A_448 : i32
      %get3A_505 = arith.index_cast %add3A_504 : i32 to index
      %get3A_506 = arith.constant 32 : index
      %get3A_507 = tpu.vector_load %arg7[%get3A_505, %get3A_506] {strides = array<i32>} : memref<128x128xf32, #tpu.memory_space<vmem>>, vector<1x16xf32>,
      %get3A_508 = vector.shape_cast %get3A_507 : vector<1x16xf32> to vector<16xf32>
      %add3A_509 = arith.addf %mul3A_502, %get3A_508 : vector<16xf32>
      %add3A_510 = arith.constant 0 : i32
      %add3A_511 = arith.addi %add3A_510, %scan3A_448 : i32
      %swap3A_512 = arith.index_cast %add3A_511 : i32 to index
      %swap3A_513 = arith.constant 32 : index
      %swap3A_514 = tpu.vector_load %arg11[%swap3A_512, %swap3A_513] {strides = array<i32>} : memref<128x128xf32, #tpu.memory_space<vmem>>, vector<1x16xf32>,
      %swap3A_515 = vector.shape_cast %swap3A_514 : vector<1x16xf32> to vector<16xf32>
      %swap3A_516 = vector.shape_cast %add3A_509 : vector<16xf32> to vector<1x16xf32>
      tpu.vector_store %arg11[%swap3A_512, %swap3A_513], %swap3A_516 {strides = array<i32>} : memref<128x128xf32, #tpu.memory_space<vmem>>, vector<1x16xf32>,
      %add3A_517 = arith.constant 0 : i32
      %add3A_518 = arith.addi %add3A_517, %scan3A_448 : i32
      %get3A_519 = arith.index_cast %add3A_518 : i32 to index
      %get3A_520 = arith.constant 48 : index
      %get3A_521 = tpu.vector_load %arg11[%get3A_519, %get3A_520] {strides = array<i32>} : memref<128x128xf32, #tpu.memory_space<vmem>>, vector<1x16xf32>,
      %get3A_522 = vector.shape_cast %get3A_521 : vector<1x16xf32> to vector<16xf32>
      %mul3A_523 = arith.constant 11.3137083 : f32
      %mul3A_524 = vector.broadcast %mul3A_523 : f32 to vector<16xf32>
      %mul3A_525 = arith.mulf %get3A_522, %mul3A_524 : vector<16xf32>
      %add3A_526 = arith.constant 0 : i32
      %add3A_527 = arith.addi %add3A_526, %scan3A_448 : i32
      %get3A_528 = arith.index_cast %add3A_527 : i32 to index
      %get3A_529 = arith.constant 48 : index
      %get3A_530 = tpu.vector_load %arg7[%get3A_528, %get3A_529] {strides = array<i32>} : memref<128x128xf32, #tpu.memory_space<vmem>>, vector<1x16xf32>,
      %get3A_531 = vector.shape_cast %get3A_530 : vector<1x16xf32> to vector<16xf32>
      %add3A_532 = arith.addf %mul3A_525, %get3A_531 : vector<16xf32>
      %add3A_533 = arith.constant 0 : i32
      %add3A_534 = arith.addi %add3A_533, %scan3A_448 : i32
      %swap3A_535 = arith.index_cast %add3A_534 : i32 to index
      %swap3A_536 = arith.constant 48 : index
      %swap3A_537 = tpu.vector_load %arg11[%swap3A_535, %swap3A_536] {strides = array<i32>} : memref<128x128xf32, #tpu.memory_space<vmem>>, vector<1x16xf32>,
      %swap3A_538 = vector.shape_cast %swap3A_537 : vector<1x16xf32> to vector<16xf32>
      %swap3A_539 = vector.shape_cast %add3A_532 : vector<16xf32> to vector<1x16xf32>
      tpu.vector_store %arg11[%swap3A_535, %swap3A_536], %swap3A_539 {strides = array<i32>} : memref<128x128xf32, #tpu.memory_space<vmem>>, vector<1x16xf32>,
      %add3A_540 = arith.constant 0 : i32
      %add3A_541 = arith.addi %add3A_540, %scan3A_448 : i32
      %get3A_542 = arith.index_cast %add3A_541 : i32 to index
      %get3A_543 = arith.constant 64 : index
      %get3A_544 = tpu.vector_load %arg11[%get3A_542, %get3A_543] {strides = array<i32>} : memref<128x128xf32, #tpu.memory_space<vmem>>, vector<1x16xf32>,
      %get3A_545 = vector.shape_cast %get3A_544 : vector<1x16xf32> to vector<16xf32>
      %mul3A_546 = arith.constant 11.3137083 : f32
      %mul3A_547 = vector.broadcast %mul3A_546 : f32 to vector<16xf32>
      %mul3A_548 = arith.mulf %get3A_545, %mul3A_547 : vector<16xf32>
      %add3A_549 = arith.constant 0 : i32
      %add3A_550 = arith.addi %add3A_549, %scan3A_448 : i32
      %get3A_551 = arith.index_cast %add3A_550 : i32 to index
      %get3A_552 = arith.constant 64 : index
      %get3A_553 = tpu.vector_load %arg7[%get3A_551, %get3A_552] {strides = array<i32>} : memref<128x128xf32, #tpu.memory_space<vmem>>, vector<1x16xf32>,
      %get3A_554 = vector.shape_cast %get3A_553 : vector<1x16xf32> to vector<16xf32>
      %add3A_555 = arith.addf %mul3A_548, %get3A_554 : vector<16xf32>
      %add3A_556 = arith.constant 0 : i32
      %add3A_557 = arith.addi %add3A_556, %scan3A_448 : i32
      %swap3A_558 = arith.index_cast %add3A_557 : i32 to index
      %swap3A_559 = arith.constant 64 : index
      %swap3A_560 = tpu.vector_load %arg11[%swap3A_558, %swap3A_559] {strides = array<i32>} : memref<128x128xf32, #tpu.memory_space<vmem>>, vector<1x16xf32>,
      %swap3A_561 = vector.shape_cast %swap3A_560 : vector<1x16xf32> to vector<16xf32>
      %swap3A_562 = vector.shape_cast %add3A_555 : vector<16xf32> to vector<1x16xf32>
      tpu.vector_store %arg11[%swap3A_558, %swap3A_559], %swap3A_562 {strides = array<i32>} : memref<128x128xf32, #tpu.memory_space<vmem>>, vector<1x16xf32>,
      %add3A_563 = arith.constant 0 : i32
      %add3A_564 = arith.addi %add3A_563, %scan3A_448 : i32
      %get3A_565 = arith.index_cast %add3A_564 : i32 to index
      %get3A_566 = arith.constant 80 : index
      %get3A_567 = tpu.vector_load %arg11[%get3A_565, %get3A_566] {strides = array<i32>} : memref<128x128xf32, #tpu.memory_space<vmem>>, vector<1x16xf32>,
      %get3A_568 = vector.shape_cast %get3A_567 : vector<1x16xf32> to vector<16xf32>
      %mul3A_569 = arith.constant 11.3137083 : f32
      %mul3A_570 = vector.broadcast %mul3A_569 : f32 to vector<16xf32>
      %mul3A_571 = arith.mulf %get3A_568, %mul3A_570 : vector<16xf32>
      %add3A_572 = arith.constant 0 : i32
      %add3A_573 = arith.addi %add3A_572, %scan3A_448 : i32
      %get3A_574 = arith.index_cast %add3A_573 : i32 to index
      %get3A_575 = arith.constant 80 : index
      %get3A_576 = tpu.vector_load %arg7[%get3A_574, %get3A_575] {strides = array<i32>} : memref<128x128xf32, #tpu.memory_space<vmem>>, vector<1x16xf32>,
      %get3A_577 = vector.shape_cast %get3A_576 : vector<1x16xf32> to vector<16xf32>
      %add3A_578 = arith.addf %mul3A_571, %get3A_577 : vector<16xf32>
      %add3A_579 = arith.constant 0 : i32
      %add3A_580 = arith.addi %add3A_579, %scan3A_448 : i32
      %swap3A_581 = arith.index_cast %add3A_580 : i32 to index
      %swap3A_582 = arith.constant 80 : index
      %swap3A_583 = tpu.vector_load %arg11[%swap3A_581, %swap3A_582] {strides = array<i32>} : memref<128x128xf32, #tpu.memory_space<vmem>>, vector<1x16xf32>,
      %swap3A_584 = vector.shape_cast %swap3A_583 : vector<1x16xf32> to vector<16xf32>
      %swap3A_585 = vector.shape_cast %add3A_578 : vector<16xf32> to vector<1x16xf32>
      tpu.vector_store %arg11[%swap3A_581, %swap3A_582], %swap3A_585 {strides = array<i32>} : memref<128x128xf32, #tpu.memory_space<vmem>>, vector<1x16xf32>,
      %add3A_586 = arith.constant 0 : i32
      %add3A_587 = arith.addi %add3A_586, %scan3A_448 : i32
      %get3A_588 = arith.index_cast %add3A_587 : i32 to index
      %get3A_589 = arith.constant 96 : index
      %get3A_590 = tpu.vector_load %arg11[%get3A_588, %get3A_589] {strides = array<i32>} : memref<128x128xf32, #tpu.memory_space<vmem>>, vector<1x16xf32>,
      %get3A_591 = vector.shape_cast %get3A_590 : vector<1x16xf32> to vector<16xf32>
      %mul3A_592 = arith.constant 11.3137083 : f32
      %mul3A_593 = vector.broadcast %mul3A_592 : f32 to vector<16xf32>
      %mul3A_594 = arith.mulf %get3A_591, %mul3A_593 : vector<16xf32>
      %add3A_595 = arith.constant 0 : i32
      %add3A_596 = arith.addi %add3A_595, %scan3A_448 : i32
      %get3A_597 = arith.index_cast %add3A_596 : i32 to index
      %get3A_598 = arith.constant 96 : index
      %get3A_599 = tpu.vector_load %arg7[%get3A_597, %get3A_598] {strides = array<i32>} : memref<128x128xf32, #tpu.memory_space<vmem>>, vector<1x16xf32>,
      %get3A_600 = vector.shape_cast %get3A_599 : vector<1x16xf32> to vector<16xf32>
      %add3A_601 = arith.addf %mul3A_594, %get3A_600 : vector<16xf32>
      %add3A_602 = arith.constant 0 : i32
      %add3A_603 = arith.addi %add3A_602, %scan3A_448 : i32
      %swap3A_604 = arith.index_cast %add3A_603 : i32 to index
      %swap3A_605 = arith.constant 96 : index
      %swap3A_606 = tpu.vector_load %arg11[%swap3A_604, %swap3A_605] {strides = array<i32>} : memref<128x128xf32, #tpu.memory_space<vmem>>, vector<1x16xf32>,
      %swap3A_607 = vector.shape_cast %swap3A_606 : vector<1x16xf32> to vector<16xf32>
      %swap3A_608 = vector.shape_cast %add3A_601 : vector<16xf32> to vector<1x16xf32>
      tpu.vector_store %arg11[%swap3A_604, %swap3A_605], %swap3A_608 {strides = array<i32>} : memref<128x128xf32, #tpu.memory_space<vmem>>, vector<1x16xf32>,
      %add3A_609 = arith.constant 0 : i32
      %add3A_610 = arith.addi %add3A_609, %scan3A_448 : i32
      %get3A_611 = arith.index_cast %add3A_610 : i32 to index
      %get3A_612 = arith.constant 112 : index
      %get3A_613 = tpu.vector_load %arg11[%get3A_611, %get3A_612] {strides = array<i32>} : memref<128x128xf32, #tpu.memory_space<vmem>>, vector<1x16xf32>,
      %get3A_614 = vector.shape_cast %get3A_613 : vector<1x16xf32> to vector<16xf32>
      %mul3A_615 = arith.constant 11.3137083 : f32
      %mul3A_616 = vector.broadcast %mul3A_615 : f32 to vector<16xf32>
      %mul3A_617 = arith.mulf %get3A_614, %mul3A_616 : vector<16xf32>
      %add3A_618 = arith.constant 0 : i32
      %add3A_619 = arith.addi %add3A_618, %scan3A_448 : i32
      %get3A_620 = arith.index_cast %add3A_619 : i32 to index
      %get3A_621 = arith.constant 112 : index
      %get3A_622 = tpu.vector_load %arg7[%get3A_620, %get3A_621] {strides = array<i32>} : memref<128x128xf32, #tpu.memory_space<vmem>>, vector<1x16xf32>,
      %get3A_623 = vector.shape_cast %get3A_622 : vector<1x16xf32> to vector<16xf32>
      %add3A_624 = arith.addf %mul3A_617, %get3A_623 : vector<16xf32>
      %add3A_625 = arith.constant 0 : i32
      %add3A_626 = arith.addi %add3A_625, %scan3A_448 : i32
      %swap3A_627 = arith.index_cast %add3A_626 : i32 to index
      %swap3A_628 = arith.constant 112 : index
      %swap3A_629 = tpu.vector_load %arg11[%swap3A_627, %swap3A_628] {strides = array<i32>} : memref<128x128xf32, #tpu.memory_space<vmem>>, vector<1x16xf32>,
      %swap3A_630 = vector.shape_cast %swap3A_629 : vector<1x16xf32> to vector<16xf32>
      %swap3A_631 = vector.shape_cast %add3A_624 : vector<16xf32> to vector<1x16xf32>
      tpu.vector_store %arg11[%swap3A_627, %swap3A_628], %swap3A_631 {strides = array<i32>} : memref<128x128xf32, #tpu.memory_space<vmem>>, vector<1x16xf32>,
      %scan3A_632 = arith.constant 0 : i32
      scf.yield %scan3A_632 : i32
    }
    %scan3A_296 = arith.constant 64 : i32
    %add3A_297 = arith.constant 0 : i32
    %add3A_298 = arith.addi %mul3A_2, %add3A_297 : i32
    %dma_start3A_299 = arith.constant 3 : i32
    %dma_start3A_300 = arith.constant 0 : i32
    %dma_start3A_301 = arith.constant 0 : i32
    %dma_start3A_302 = tpu.memref_slice %arg11[%dma_start3A_300, %dma_start3A_301] : memref<128x128xf32, #tpu.memory_space<vmem>> -> memref<64x128xf32, #tpu.memory_space<vmem>>
    %dma_start3A_303 = arith.constant 0 : i32
    %dma_start3A_304 = tpu.memref_slice %arg5[%dma_start3A_299, %add3A_298, %dma_start3A_303] : memref<4x4096x128xf32, #tpu.memory_space<hbm>> -> memref<1x64x128xf32, #tpu.memory_space<hbm>>
    %dma_start3A_305 = tpu.memref_squeeze %dma_start3A_304 : memref<1x64x128xf32, #tpu.memory_space<hbm>> -> memref<64x128xf32, #tpu.memory_space<hbm>>
    %dma_start3A_306 = arith.constant 0 : i32
    %dma_start3A_307 = tpu.memref_slice %arg5[%dma_start3A_299, %add3A_298, %dma_start3A_306] : memref<4x4096x128xf32, #tpu.memory_space<hbm>> -> memref<1x64x128xf32, #tpu.memory_space<hbm>>
    %dma_start3A_308 = tpu.memref_squeeze %dma_start3A_307 : memref<1x64x128xf32, #tpu.memory_space<hbm>> -> memref<64x128xf32, #tpu.memory_space<hbm>>
    %dma_start3A_309 = arith.constant 0 : i32
    %dma_start3A_310 = arith.constant 0 : i32
    %dma_start3A_311 = tpu.memref_slice %arg11[%dma_start3A_309, %dma_start3A_310] : memref<128x128xf32, #tpu.memory_space<vmem>> -> memref<64x128xf32, #tpu.memory_space<vmem>>
    tpu.enqueue_dma source(%dma_start3A_311 : memref<64x128xf32, #tpu.memory_space<vmem>>) target(%dma_start3A_308 : memref<64x128xf32, #tpu.memory_space<hbm>>) target_semaphore(%arg21 : memref<!tpu.dma_semaphore, #tpu.memory_space<semaphore_mem>>)
    %dma_wait3A_312 = arith.constant 3 : i32
    %dma_wait3A_313 = arith.constant 64 : i32
    %dma_wait3A_314 = arith.constant 0 : i32
    %dma_wait3A_315 = tpu.memref_slice %arg11[%dma_wait3A_313, %dma_wait3A_314] : memref<128x128xf32, #tpu.memory_space<vmem>> -> memref<64x128xf32, #tpu.memory_space<vmem>>
    %dma_wait3A_316 = arith.constant 64 : i32
    %dma_wait3A_317 = tpu.memref_slice %arg6[%dma_wait3A_312, %dma_wait3A_316] : memref<4x128xi32, #tpu.memory_space<vmem>> -> memref<1x64xi32, #tpu.memory_space<vmem>>
    %dma_wait3A_318 = tpu.memref_squeeze %dma_wait3A_317 : memref<1x64xi32, #tpu.memory_space<vmem>> -> memref<64xi32, #tpu.memory_space<vmem>>
    %dma_wait3A_319 = arith.constant 0 : i32
    %dma_wait3A_320 = arith.constant 0 : i32
    %dma_wait3A_321 = tpu.memref_slice %arg4[%dma_wait3A_319, %dma_wait3A_320] : memref<1000000x128xf32, #tpu.memory_space<hbm>> -> memref<1000000x128xf32, #tpu.memory_space<hbm>>
    tpu.wait_indirect_dma semaphore(%arg19 : memref<!tpu.dma_semaphore, #tpu.memory_space<semaphore_mem>>) src(%dma_wait3A_321 : memref<1000000x128xf32, #tpu.memory_space<hbm>>) dst(%dma_wait3A_315 : memref<64x128xf32, #tpu.memory_space<vmem>>)
    %scan3A_322 = arith.constant 0 : i32
    %scan3A_323 = arith.constant 0 : i32
    %scan3A_324 = arith.constant 64 : i32
    %scan3A_325 = arith.addi %scan3A_323, %scan3A_324 : i32
    %scan3A_326 = arith.constant 1 : i32
    %scan3A_327 = scf.for %scan3A_448 = %scan3A_323 to %scan3A_325 step %scan3A_326 iter_args(%scan3A_449 = %scan3A_322) -> (i32)  : i32 {
      %add3A_450 = arith.constant 64 : i32
      %add3A_451 = arith.addi %add3A_450, %scan3A_448 : i32
      %get3A = arith.index_cast %add3A_451 : i32 to index
      %get3A_452 = arith.constant 0 : index
      %get3A_453 = tpu.vector_load %arg11[%get3A, %get3A_452] {strides = array<i32>} : memref<128x128xf32, #tpu.memory_space<vmem>>, vector<1x16xf32>,
      %get3A_454 = vector.shape_cast %get3A_453 : vector<1x16xf32> to vector<16xf32>
      %mul3A_455 = arith.constant 11.3137083 : f32
      %mul3A_456 = vector.broadcast %mul3A_455 : f32 to vector<16xf32>
      %mul3A_457 = arith.mulf %get3A_454, %mul3A_456 : vector<16xf32>
      %add3A_458 = arith.constant 64 : i32
      %add3A_459 = arith.addi %add3A_458, %scan3A_448 : i32
      %get3A_460 = arith.index_cast %add3A_459 : i32 to index
      %get3A_461 = arith.constant 0 : index
      %get3A_462 = tpu.vector_load %arg7[%get3A_460, %get3A_461] {strides = array<i32>} : memref<128x128xf32, #tpu.memory_space<vmem>>, vector<1x16xf32>,
      %get3A_463 = vector.shape_cast %get3A_462 : vector<1x16xf32> to vector<16xf32>
      %add3A_464 = arith.addf %mul3A_457, %get3A_463 : vector<16xf32>
      %add3A_465 = arith.constant 64 : i32
      %add3A_466 = arith.addi %add3A_465, %scan3A_448 : i32
      %swap3A = arith.index_cast %add3A_466 : i32 to index
      %swap3A_467 = arith.constant 0 : index
      %swap3A_468 = tpu.vector_load %arg11[%swap3A, %swap3A_467] {strides = array<i32>} : memref<128x128xf32, #tpu.memory_space<vmem>>, vector<1x16xf32>,
      %swap3A_469 = vector.shape_cast %swap3A_468 : vector<1x16xf32> to vector<16xf32>
      %swap3A_470 = vector.shape_cast %add3A_464 : vector<16xf32> to vector<1x16xf32>
      tpu.vector_store %arg11[%swap3A, %swap3A_467], %swap3A_470 {strides = array<i32>} : memref<128x128xf32, #tpu.memory_space<vmem>>, vector<1x16xf32>,
      %add3A_471 = arith.constant 64 : i32
      %add3A_472 = arith.addi %add3A_471, %scan3A_448 : i32
      %get3A_473 = arith.index_cast %add3A_472 : i32 to index
      %get3A_474 = arith.constant 16 : index
      %get3A_475 = tpu.vector_load %arg11[%get3A_473, %get3A_474] {strides = array<i32>} : memref<128x128xf32, #tpu.memory_space<vmem>>, vector<1x16xf32>,
      %get3A_476 = vector.shape_cast %get3A_475 : vector<1x16xf32> to vector<16xf32>
      %mul3A_477 = arith.constant 11.3137083 : f32
      %mul3A_478 = vector.broadcast %mul3A_477 : f32 to vector<16xf32>
      %mul3A_479 = arith.mulf %get3A_476, %mul3A_478 : vector<16xf32>
      %add3A_480 = arith.constant 64 : i32
      %add3A_481 = arith.addi %add3A_480, %scan3A_448 : i32
      %get3A_482 = arith.index_cast %add3A_481 : i32 to index
      %get3A_483 = arith.constant 16 : index
      %get3A_484 = tpu.vector_load %arg7[%get3A_482, %get3A_483] {strides = array<i32>} : memref<128x128xf32, #tpu.memory_space<vmem>>, vector<1x16xf32>,
      %get3A_485 = vector.shape_cast %get3A_484 : vector<1x16xf32> to vector<16xf32>
      %add3A_486 = arith.addf %mul3A_479, %get3A_485 : vector<16xf32>
      %add3A_487 = arith.constant 64 : i32
      %add3A_488 = arith.addi %add3A_487, %scan3A_448 : i32
      %swap3A_489 = arith.index_cast %add3A_488 : i32 to index
      %swap3A_490 = arith.constant 16 : index
      %swap3A_491 = tpu.vector_load %arg11[%swap3A_489, %swap3A_490] {strides = array<i32>} : memref<128x128xf32, #tpu.memory_space<vmem>>, vector<1x16xf32>,
      %swap3A_492 = vector.shape_cast %swap3A_491 : vector<1x16xf32> to vector<16xf32>
      %swap3A_493 = vector.shape_cast %add3A_486 : vector<16xf32> to vector<1x16xf32>
      tpu.vector_store %arg11[%swap3A_489, %swap3A_490], %swap3A_493 {strides = array<i32>} : memref<128x128xf32, #tpu.memory_space<vmem>>, vector<1x16xf32>,
      %add3A_494 = arith.constant 64 : i32
      %add3A_495 = arith.addi %add3A_494, %scan3A_448 : i32
      %get3A_496 = arith.index_cast %add3A_495 : i32 to index
      %get3A_497 = arith.constant 32 : index
      %get3A_498 = tpu.vector_load %arg11[%get3A_496, %get3A_497] {strides = array<i32>} : memref<128x128xf32, #tpu.memory_space<vmem>>, vector<1x16xf32>,
      %get3A_499 = vector.shape_cast %get3A_498 : vector<1x16xf32> to vector<16xf32>
      %mul3A_500 = arith.constant 11.3137083 : f32
      %mul3A_501 = vector.broadcast %mul3A_500 : f32 to vector<16xf32>
      %mul3A_502 = arith.mulf %get3A_499, %mul3A_501 : vector<16xf32>
      %add3A_503 = arith.constant 64 : i32
      %add3A_504 = arith.addi %add3A_503, %scan3A_448 : i32
      %get3A_505 = arith.index_cast %add3A_504 : i32 to index
      %get3A_506 = arith.constant 32 : index
      %get3A_507 = tpu.vector_load %arg7[%get3A_505, %get3A_506] {strides = array<i32>} : memref<128x128xf32, #tpu.memory_space<vmem>>, vector<1x16xf32>,
      %get3A_508 = vector.shape_cast %get3A_507 : vector<1x16xf32> to vector<16xf32>
      %add3A_509 = arith.addf %mul3A_502, %get3A_508 : vector<16xf32>
      %add3A_510 = arith.constant 64 : i32
      %add3A_511 = arith.addi %add3A_510, %scan3A_448 : i32
      %swap3A_512 = arith.index_cast %add3A_511 : i32 to index
      %swap3A_513 = arith.constant 32 : index
      %swap3A_514 = tpu.vector_load %arg11[%swap3A_512, %swap3A_513] {strides = array<i32>} : memref<128x128xf32, #tpu.memory_space<vmem>>, vector<1x16xf32>,
      %swap3A_515 = vector.shape_cast %swap3A_514 : vector<1x16xf32> to vector<16xf32>
      %swap3A_516 = vector.shape_cast %add3A_509 : vector<16xf32> to vector<1x16xf32>
      tpu.vector_store %arg11[%swap3A_512, %swap3A_513], %swap3A_516 {strides = array<i32>} : memref<128x128xf32, #tpu.memory_space<vmem>>, vector<1x16xf32>,
      %add3A_517 = arith.constant 64 : i32
      %add3A_518 = arith.addi %add3A_517, %scan3A_448 : i32
      %get3A_519 = arith.index_cast %add3A_518 : i32 to index
      %get3A_520 = arith.constant 48 : index
      %get3A_521 = tpu.vector_load %arg11[%get3A_519, %get3A_520] {strides = array<i32>} : memref<128x128xf32, #tpu.memory_space<vmem>>, vector<1x16xf32>,
      %get3A_522 = vector.shape_cast %get3A_521 : vector<1x16xf32> to vector<16xf32>
      %mul3A_523 = arith.constant 11.3137083 : f32
      %mul3A_524 = vector.broadcast %mul3A_523 : f32 to vector<16xf32>
      %mul3A_525 = arith.mulf %get3A_522, %mul3A_524 : vector<16xf32>
      %add3A_526 = arith.constant 64 : i32
      %add3A_527 = arith.addi %add3A_526, %scan3A_448 : i32
      %get3A_528 = arith.index_cast %add3A_527 : i32 to index
      %get3A_529 = arith.constant 48 : index
      %get3A_530 = tpu.vector_load %arg7[%get3A_528, %get3A_529] {strides = array<i32>} : memref<128x128xf32, #tpu.memory_space<vmem>>, vector<1x16xf32>,
      %get3A_531 = vector.shape_cast %get3A_530 : vector<1x16xf32> to vector<16xf32>
      %add3A_532 = arith.addf %mul3A_525, %get3A_531 : vector<16xf32>
      %add3A_533 = arith.constant 64 : i32
      %add3A_534 = arith.addi %add3A_533, %scan3A_448 : i32
      %swap3A_535 = arith.index_cast %add3A_534 : i32 to index
      %swap3A_536 = arith.constant 48 : index
      %swap3A_537 = tpu.vector_load %arg11[%swap3A_535, %swap3A_536] {strides = array<i32>} : memref<128x128xf32, #tpu.memory_space<vmem>>, vector<1x16xf32>,
      %swap3A_538 = vector.shape_cast %swap3A_537 : vector<1x16xf32> to vector<16xf32>
      %swap3A_539 = vector.shape_cast %add3A_532 : vector<16xf32> to vector<1x16xf32>
      tpu.vector_store %arg11[%swap3A_535, %swap3A_536], %swap3A_539 {strides = array<i32>} : memref<128x128xf32, #tpu.memory_space<vmem>>, vector<1x16xf32>,
      %add3A_540 = arith.constant 64 : i32
      %add3A_541 = arith.addi %add3A_540, %scan3A_448 : i32
      %get3A_542 = arith.index_cast %add3A_541 : i32 to index
      %get3A_543 = arith.constant 64 : index
      %get3A_544 = tpu.vector_load %arg11[%get3A_542, %get3A_543] {strides = array<i32>} : memref<128x128xf32, #tpu.memory_space<vmem>>, vector<1x16xf32>,
      %get3A_545 = vector.shape_cast %get3A_544 : vector<1x16xf32> to vector<16xf32>
      %mul3A_546 = arith.constant 11.3137083 : f32
      %mul3A_547 = vector.broadcast %mul3A_546 : f32 to vector<16xf32>
      %mul3A_548 = arith.mulf %get3A_545, %mul3A_547 : vector<16xf32>
      %add3A_549 = arith.constant 64 : i32
      %add3A_550 = arith.addi %add3A_549, %scan3A_448 : i32
      %get3A_551 = arith.index_cast %add3A_550 : i32 to index
      %get3A_552 = arith.constant 64 : index
      %get3A_553 = tpu.vector_load %arg7[%get3A_551, %get3A_552] {strides = array<i32>} : memref<128x128xf32, #tpu.memory_space<vmem>>, vector<1x16xf32>,
      %get3A_554 = vector.shape_cast %get3A_553 : vector<1x16xf32> to vector<16xf32>
      %add3A_555 = arith.addf %mul3A_548, %get3A_554 : vector<16xf32>
      %add3A_556 = arith.constant 64 : i32
      %add3A_557 = arith.addi %add3A_556, %scan3A_448 : i32
      %swap3A_558 = arith.index_cast %add3A_557 : i32 to index
      %swap3A_559 = arith.constant 64 : index
      %swap3A_560 = tpu.vector_load %arg11[%swap3A_558, %swap3A_559] {strides = array<i32>} : memref<128x128xf32, #tpu.memory_space<vmem>>, vector<1x16xf32>,
      %swap3A_561 = vector.shape_cast %swap3A_560 : vector<1x16xf32> to vector<16xf32>
      %swap3A_562 = vector.shape_cast %add3A_555 : vector<16xf32> to vector<1x16xf32>
      tpu.vector_store %arg11[%swap3A_558, %swap3A_559], %swap3A_562 {strides = array<i32>} : memref<128x128xf32, #tpu.memory_space<vmem>>, vector<1x16xf32>,
      %add3A_563 = arith.constant 64 : i32
      %add3A_564 = arith.addi %add3A_563, %scan3A_448 : i32
      %get3A_565 = arith.index_cast %add3A_564 : i32 to index
      %get3A_566 = arith.constant 80 : index
      %get3A_567 = tpu.vector_load %arg11[%get3A_565, %get3A_566] {strides = array<i32>} : memref<128x128xf32, #tpu.memory_space<vmem>>, vector<1x16xf32>,
      %get3A_568 = vector.shape_cast %get3A_567 : vector<1x16xf32> to vector<16xf32>
      %mul3A_569 = arith.constant 11.3137083 : f32
      %mul3A_570 = vector.broadcast %mul3A_569 : f32 to vector<16xf32>
      %mul3A_571 = arith.mulf %get3A_568, %mul3A_570 : vector<16xf32>
      %add3A_572 = arith.constant 64 : i32
      %add3A_573 = arith.addi %add3A_572, %scan3A_448 : i32
      %get3A_574 = arith.index_cast %add3A_573 : i32 to index
      %get3A_575 = arith.constant 80 : index
      %get3A_576 = tpu.vector_load %arg7[%get3A_574, %get3A_575] {strides = array<i32>} : memref<128x128xf32, #tpu.memory_space<vmem>>, vector<1x16xf32>,
      %get3A_577 = vector.shape_cast %get3A_576 : vector<1x16xf32> to vector<16xf32>
      %add3A_578 = arith.addf %mul3A_571, %get3A_577 : vector<16xf32>
      %add3A_579 = arith.constant 64 : i32
      %add3A_580 = arith.addi %add3A_579, %scan3A_448 : i32
      %swap3A_581 = arith.index_cast %add3A_580 : i32 to index
      %swap3A_582 = arith.constant 80 : index
      %swap3A_583 = tpu.vector_load %arg11[%swap3A_581, %swap3A_582] {strides = array<i32>} : memref<128x128xf32, #tpu.memory_space<vmem>>, vector<1x16xf32>,
      %swap3A_584 = vector.shape_cast %swap3A_583 : vector<1x16xf32> to vector<16xf32>
      %swap3A_585 = vector.shape_cast %add3A_578 : vector<16xf32> to vector<1x16xf32>
      tpu.vector_store %arg11[%swap3A_581, %swap3A_582], %swap3A_585 {strides = array<i32>} : memref<128x128xf32, #tpu.memory_space<vmem>>, vector<1x16xf32>,
      %add3A_586 = arith.constant 64 : i32
      %add3A_587 = arith.addi %add3A_586, %scan3A_448 : i32
      %get3A_588 = arith.index_cast %add3A_587 : i32 to index
      %get3A_589 = arith.constant 96 : index
      %get3A_590 = tpu.vector_load %arg11[%get3A_588, %get3A_589] {strides = array<i32>} : memref<128x128xf32, #tpu.memory_space<vmem>>, vector<1x16xf32>,
      %get3A_591 = vector.shape_cast %get3A_590 : vector<1x16xf32> to vector<16xf32>
      %mul3A_592 = arith.constant 11.3137083 : f32
      %mul3A_593 = vector.broadcast %mul3A_592 : f32 to vector<16xf32>
      %mul3A_594 = arith.mulf %get3A_591, %mul3A_593 : vector<16xf32>
      %add3A_595 = arith.constant 64 : i32
      %add3A_596 = arith.addi %add3A_595, %scan3A_448 : i32
      %get3A_597 = arith.index_cast %add3A_596 : i32 to index
      %get3A_598 = arith.constant 96 : index
      %get3A_599 = tpu.vector_load %arg7[%get3A_597, %get3A_598] {strides = array<i32>} : memref<128x128xf32, #tpu.memory_space<vmem>>, vector<1x16xf32>,
      %get3A_600 = vector.shape_cast %get3A_599 : vector<1x16xf32> to vector<16xf32>
      %add3A_601 = arith.addf %mul3A_594, %get3A_600 : vector<16xf32>
      %add3A_602 = arith.constant 64 : i32
      %add3A_603 = arith.addi %add3A_602, %scan3A_448 : i32
      %swap3A_604 = arith.index_cast %add3A_603 : i32 to index
      %swap3A_605 = arith.constant 96 : index
      %swap3A_606 = tpu.vector_load %arg11[%swap3A_604, %swap3A_605] {strides = array<i32>} : memref<128x128xf32, #tpu.memory_space<vmem>>, vector<1x16xf32>,
      %swap3A_607 = vector.shape_cast %swap3A_606 : vector<1x16xf32> to vector<16xf32>
      %swap3A_608 = vector.shape_cast %add3A_601 : vector<16xf32> to vector<1x16xf32>
      tpu.vector_store %arg11[%swap3A_604, %swap3A_605], %swap3A_608 {strides = array<i32>} : memref<128x128xf32, #tpu.memory_space<vmem>>, vector<1x16xf32>,
      %add3A_609 = arith.constant 64 : i32
      %add3A_610 = arith.addi %add3A_609, %scan3A_448 : i32
      %get3A_611 = arith.index_cast %add3A_610 : i32 to index
      %get3A_612 = arith.constant 112 : index
      %get3A_613 = tpu.vector_load %arg11[%get3A_611, %get3A_612] {strides = array<i32>} : memref<128x128xf32, #tpu.memory_space<vmem>>, vector<1x16xf32>,
      %get3A_614 = vector.shape_cast %get3A_613 : vector<1x16xf32> to vector<16xf32>
      %mul3A_615 = arith.constant 11.3137083 : f32
      %mul3A_616 = vector.broadcast %mul3A_615 : f32 to vector<16xf32>
      %mul3A_617 = arith.mulf %get3A_614, %mul3A_616 : vector<16xf32>
      %add3A_618 = arith.constant 64 : i32
      %add3A_619 = arith.addi %add3A_618, %scan3A_448 : i32
      %get3A_620 = arith.index_cast %add3A_619 : i32 to index
      %get3A_621 = arith.constant 112 : index
      %get3A_622 = tpu.vector_load %arg7[%get3A_620, %get3A_621] {strides = array<i32>} : memref<128x128xf32, #tpu.memory_space<vmem>>, vector<1x16xf32>,
      %get3A_623 = vector.shape_cast %get3A_622 : vector<1x16xf32> to vector<16xf32>
      %add3A_624 = arith.addf %mul3A_617, %get3A_623 : vector<16xf32>
      %add3A_625 = arith.constant 64 : i32
      %add3A_626 = arith.addi %add3A_625, %scan3A_448 : i32
      %swap3A_627 = arith.index_cast %add3A_626 : i32 to index
      %swap3A_628 = arith.constant 112 : index
      %swap3A_629 = tpu.vector_load %arg11[%swap3A_627, %swap3A_628] {strides = array<i32>} : memref<128x128xf32, #tpu.memory_space<vmem>>, vector<1x16xf32>,
      %swap3A_630 = vector.shape_cast %swap3A_629 : vector<1x16xf32> to vector<16xf32>
      %swap3A_631 = vector.shape_cast %add3A_624 : vector<16xf32> to vector<1x16xf32>
      tpu.vector_store %arg11[%swap3A_627, %swap3A_628], %swap3A_631 {strides = array<i32>} : memref<128x128xf32, #tpu.memory_space<vmem>>, vector<1x16xf32>,
      %scan3A_632 = arith.constant 0 : i32
      scf.yield %scan3A_632 : i32
    }
    %scan3A_328 = arith.constant 64 : i32
    %add3A_329 = arith.constant 64 : i32
    %add3A_330 = arith.addi %mul3A_2, %add3A_329 : i32
    %dma_start3A_331 = arith.constant 3 : i32
    %dma_start3A_332 = arith.constant 64 : i32
    %dma_start3A_333 = arith.constant 0 : i32
    %dma_start3A_334 = tpu.memref_slice %arg11[%dma_start3A_332, %dma_start3A_333] : memref<128x128xf32, #tpu.memory_space<vmem>> -> memref<64x128xf32, #tpu.memory_space<vmem>>
    %dma_start3A_335 = arith.constant 0 : i32
    %dma_start3A_336 = tpu.memref_slice %arg5[%dma_start3A_331, %add3A_330, %dma_start3A_335] : memref<4x4096x128xf32, #tpu.memory_space<hbm>> -> memref<1x64x128xf32, #tpu.memory_space<hbm>>
    %dma_start3A_337 = tpu.memref_squeeze %dma_start3A_336 : memref<1x64x128xf32, #tpu.memory_space<hbm>> -> memref<64x128xf32, #tpu.memory_space<hbm>>
    %dma_start3A_338 = arith.constant 0 : i32
    %dma_start3A_339 = tpu.memref_slice %arg5[%dma_start3A_331, %add3A_330, %dma_start3A_338] : memref<4x4096x128xf32, #tpu.memory_space<hbm>> -> memref<1x64x128xf32, #tpu.memory_space<hbm>>
    %dma_start3A_340 = tpu.memref_squeeze %dma_start3A_339 : memref<1x64x128xf32, #tpu.memory_space<hbm>> -> memref<64x128xf32, #tpu.memory_space<hbm>>
    %dma_start3A_341 = arith.constant 64 : i32
    %dma_start3A_342 = arith.constant 0 : i32
    %dma_start3A_343 = tpu.memref_slice %arg11[%dma_start3A_341, %dma_start3A_342] : memref<128x128xf32, #tpu.memory_space<vmem>> -> memref<64x128xf32, #tpu.memory_space<vmem>>
    tpu.enqueue_dma source(%dma_start3A_343 : memref<64x128xf32, #tpu.memory_space<vmem>>) target(%dma_start3A_340 : memref<64x128xf32, #tpu.memory_space<hbm>>) target_semaphore(%arg21 : memref<!tpu.dma_semaphore, #tpu.memory_space<semaphore_mem>>)
    %dma_wait3A_344 = arith.constant 0 : i32
    %dma_wait3A_345 = arith.constant 0 : i32
    %dma_wait3A_346 = arith.constant 0 : i32
    %dma_wait3A_347 = tpu.memref_slice %arg8[%dma_wait3A_345, %dma_wait3A_346] : memref<128x128xf32, #tpu.memory_space<vmem>> -> memref<64x128xf32, #tpu.memory_space<vmem>>
    %dma_wait3A_348 = arith.constant 0 : i32
    %dma_wait3A_349 = tpu.memref_slice %arg5[%dma_wait3A_344, %add3A_106, %dma_wait3A_348] : memref<4x4096x128xf32, #tpu.memory_space<hbm>> -> memref<1x64x128xf32, #tpu.memory_space<hbm>>
    %dma_wait3A_350 = tpu.memref_squeeze %dma_wait3A_349 : memref<1x64x128xf32, #tpu.memory_space<hbm>> -> memref<64x128xf32, #tpu.memory_space<hbm>>
    %dma_wait3A_351 = arith.constant 0 : i32
    %dma_wait3A_352 = tpu.memref_slice %arg5[%dma_wait3A_344, %add3A_106, %dma_wait3A_351] : memref<4x4096x128xf32, #tpu.memory_space<hbm>> -> memref<1x64x128xf32, #tpu.memory_space<hbm>>
    %dma_wait3A_353 = tpu.memref_squeeze %dma_wait3A_352 : memref<1x64x128xf32, #tpu.memory_space<hbm>> -> memref<64x128xf32, #tpu.memory_space<hbm>>
    %dma_wait3A_354 = arith.constant 0 : i32
    %dma_wait3A_355 = arith.constant 0 : i32
    %dma_wait3A_356 = tpu.memref_slice %arg8[%dma_wait3A_354, %dma_wait3A_355] : memref<128x128xf32, #tpu.memory_space<vmem>> -> memref<64x128xf32, #tpu.memory_space<vmem>>
    tpu.wait_dma2 semaphore(%arg21 : memref<!tpu.dma_semaphore, #tpu.memory_space<semaphore_mem>>) src(%dma_wait3A_356 : memref<64x128xf32, #tpu.memory_space<vmem>>) dst(%dma_wait3A_353 : memref<64x128xf32, #tpu.memory_space<hbm>>)
    %dma_wait3A_357 = arith.constant 0 : i32
    %dma_wait3A_358 = arith.constant 64 : i32
    %dma_wait3A_359 = arith.constant 0 : i32
    %dma_wait3A_360 = tpu.memref_slice %arg8[%dma_wait3A_358, %dma_wait3A_359] : memref<128x128xf32, #tpu.memory_space<vmem>> -> memref<64x128xf32, #tpu.memory_space<vmem>>
    %dma_wait3A_361 = arith.constant 0 : i32
    %dma_wait3A_362 = tpu.memref_slice %arg5[%dma_wait3A_357, %add3A_138, %dma_wait3A_361] : memref<4x4096x128xf32, #tpu.memory_space<hbm>> -> memref<1x64x128xf32, #tpu.memory_space<hbm>>
    %dma_wait3A_363 = tpu.memref_squeeze %dma_wait3A_362 : memref<1x64x128xf32, #tpu.memory_space<hbm>> -> memref<64x128xf32, #tpu.memory_space<hbm>>
    %dma_wait3A_364 = arith.constant 0 : i32
    %dma_wait3A_365 = tpu.memref_slice %arg5[%dma_wait3A_357, %add3A_138, %dma_wait3A_364] : memref<4x4096x128xf32, #tpu.memory_space<hbm>> -> memref<1x64x128xf32, #tpu.memory_space<hbm>>
    %dma_wait3A_366 = tpu.memref_squeeze %dma_wait3A_365 : memref<1x64x128xf32, #tpu.memory_space<hbm>> -> memref<64x128xf32, #tpu.memory_space<hbm>>
    %dma_wait3A_367 = arith.constant 64 : i32
    %dma_wait3A_368 = arith.constant 0 : i32
    %dma_wait3A_369 = tpu.memref_slice %arg8[%dma_wait3A_367, %dma_wait3A_368] : memref<128x128xf32, #tpu.memory_space<vmem>> -> memref<64x128xf32, #tpu.memory_space<vmem>>
    tpu.wait_dma2 semaphore(%arg21 : memref<!tpu.dma_semaphore, #tpu.memory_space<semaphore_mem>>) src(%dma_wait3A_369 : memref<64x128xf32, #tpu.memory_space<vmem>>) dst(%dma_wait3A_366 : memref<64x128xf32, #tpu.memory_space<hbm>>)
    %dma_wait3A_370 = arith.constant 1 : i32
    %dma_wait3A_371 = arith.constant 0 : i32
    %dma_wait3A_372 = arith.constant 0 : i32
    %dma_wait3A_373 = tpu.memref_slice %arg9[%dma_wait3A_371, %dma_wait3A_372] : memref<128x128xf32, #tpu.memory_space<vmem>> -> memref<64x128xf32, #tpu.memory_space<vmem>>
    %dma_wait3A_374 = arith.constant 0 : i32
    %dma_wait3A_375 = tpu.memref_slice %arg5[%dma_wait3A_370, %add3A_170, %dma_wait3A_374] : memref<4x4096x128xf32, #tpu.memory_space<hbm>> -> memref<1x64x128xf32, #tpu.memory_space<hbm>>
    %dma_wait3A_376 = tpu.memref_squeeze %dma_wait3A_375 : memref<1x64x128xf32, #tpu.memory_space<hbm>> -> memref<64x128xf32, #tpu.memory_space<hbm>>
    %dma_wait3A_377 = arith.constant 0 : i32
    %dma_wait3A_378 = tpu.memref_slice %arg5[%dma_wait3A_370, %add3A_170, %dma_wait3A_377] : memref<4x4096x128xf32, #tpu.memory_space<hbm>> -> memref<1x64x128xf32, #tpu.memory_space<hbm>>
    %dma_wait3A_379 = tpu.memref_squeeze %dma_wait3A_378 : memref<1x64x128xf32, #tpu.memory_space<hbm>> -> memref<64x128xf32, #tpu.memory_space<hbm>>
    %dma_wait3A_380 = arith.constant 0 : i32
    %dma_wait3A_381 = arith.constant 0 : i32
    %dma_wait3A_382 = tpu.memref_slice %arg9[%dma_wait3A_380, %dma_wait3A_381] : memref<128x128xf32, #tpu.memory_space<vmem>> -> memref<64x128xf32, #tpu.memory_space<vmem>>
    tpu.wait_dma2 semaphore(%arg21 : memref<!tpu.dma_semaphore, #tpu.memory_space<semaphore_mem>>) src(%dma_wait3A_382 : memref<64x128xf32, #tpu.memory_space<vmem>>) dst(%dma_wait3A_379 : memref<64x128xf32, #tpu.memory_space<hbm>>)
    %dma_wait3A_383 = arith.constant 1 : i32
    %dma_wait3A_384 = arith.constant 64 : i32
    %dma_wait3A_385 = arith.constant 0 : i32
    %dma_wait3A_386 = tpu.memref_slice %arg9[%dma_wait3A_384, %dma_wait3A_385] : memref<128x128xf32, #tpu.memory_space<vmem>> -> memref<64x128xf32, #tpu.memory_space<vmem>>
    %dma_wait3A_387 = arith.constant 0 : i32
    %dma_wait3A_388 = tpu.memref_slice %arg5[%dma_wait3A_383, %add3A_202, %dma_wait3A_387] : memref<4x4096x128xf32, #tpu.memory_space<hbm>> -> memref<1x64x128xf32, #tpu.memory_space<hbm>>
    %dma_wait3A_389 = tpu.memref_squeeze %dma_wait3A_388 : memref<1x64x128xf32, #tpu.memory_space<hbm>> -> memref<64x128xf32, #tpu.memory_space<hbm>>
    %dma_wait3A_390 = arith.constant 0 : i32
    %dma_wait3A_391 = tpu.memref_slice %arg5[%dma_wait3A_383, %add3A_202, %dma_wait3A_390] : memref<4x4096x128xf32, #tpu.memory_space<hbm>> -> memref<1x64x128xf32, #tpu.memory_space<hbm>>
    %dma_wait3A_392 = tpu.memref_squeeze %dma_wait3A_391 : memref<1x64x128xf32, #tpu.memory_space<hbm>> -> memref<64x128xf32, #tpu.memory_space<hbm>>
    %dma_wait3A_393 = arith.constant 64 : i32
    %dma_wait3A_394 = arith.constant 0 : i32
    %dma_wait3A_395 = tpu.memref_slice %arg9[%dma_wait3A_393, %dma_wait3A_394] : memref<128x128xf32, #tpu.memory_space<vmem>> -> memref<64x128xf32, #tpu.memory_space<vmem>>
    tpu.wait_dma2 semaphore(%arg21 : memref<!tpu.dma_semaphore, #tpu.memory_space<semaphore_mem>>) src(%dma_wait3A_395 : memref<64x128xf32, #tpu.memory_space<vmem>>) dst(%dma_wait3A_392 : memref<64x128xf32, #tpu.memory_space<hbm>>)
    %dma_wait3A_396 = arith.constant 2 : i32
    %dma_wait3A_397 = arith.constant 0 : i32
    %dma_wait3A_398 = arith.constant 0 : i32
    %dma_wait3A_399 = tpu.memref_slice %arg10[%dma_wait3A_397, %dma_wait3A_398] : memref<128x128xf32, #tpu.memory_space<vmem>> -> memref<64x128xf32, #tpu.memory_space<vmem>>
    %dma_wait3A_400 = arith.constant 0 : i32
    %dma_wait3A_401 = tpu.memref_slice %arg5[%dma_wait3A_396, %add3A_234, %dma_wait3A_400] : memref<4x4096x128xf32, #tpu.memory_space<hbm>> -> memref<1x64x128xf32, #tpu.memory_space<hbm>>
    %dma_wait3A_402 = tpu.memref_squeeze %dma_wait3A_401 : memref<1x64x128xf32, #tpu.memory_space<hbm>> -> memref<64x128xf32, #tpu.memory_space<hbm>>
    %dma_wait3A_403 = arith.constant 0 : i32
    %dma_wait3A_404 = tpu.memref_slice %arg5[%dma_wait3A_396, %add3A_234, %dma_wait3A_403] : memref<4x4096x128xf32, #tpu.memory_space<hbm>> -> memref<1x64x128xf32, #tpu.memory_space<hbm>>
    %dma_wait3A_405 = tpu.memref_squeeze %dma_wait3A_404 : memref<1x64x128xf32, #tpu.memory_space<hbm>> -> memref<64x128xf32, #tpu.memory_space<hbm>>
    %dma_wait3A_406 = arith.constant 0 : i32
    %dma_wait3A_407 = arith.constant 0 : i32
    %dma_wait3A_408 = tpu.memref_slice %arg10[%dma_wait3A_406, %dma_wait3A_407] : memref<128x128xf32, #tpu.memory_space<vmem>> -> memref<64x128xf32, #tpu.memory_space<vmem>>
    tpu.wait_dma2 semaphore(%arg21 : memref<!tpu.dma_semaphore, #tpu.memory_space<semaphore_mem>>) src(%dma_wait3A_408 : memref<64x128xf32, #tpu.memory_space<vmem>>) dst(%dma_wait3A_405 : memref<64x128xf32, #tpu.memory_space<hbm>>)
    %dma_wait3A_409 = arith.constant 2 : i32
    %dma_wait3A_410 = arith.constant 64 : i32
    %dma_wait3A_411 = arith.constant 0 : i32
    %dma_wait3A_412 = tpu.memref_slice %arg10[%dma_wait3A_410, %dma_wait3A_411] : memref<128x128xf32, #tpu.memory_space<vmem>> -> memref<64x128xf32, #tpu.memory_space<vmem>>
    %dma_wait3A_413 = arith.constant 0 : i32
    %dma_wait3A_414 = tpu.memref_slice %arg5[%dma_wait3A_409, %add3A_266, %dma_wait3A_413] : memref<4x4096x128xf32, #tpu.memory_space<hbm>> -> memref<1x64x128xf32, #tpu.memory_space<hbm>>
    %dma_wait3A_415 = tpu.memref_squeeze %dma_wait3A_414 : memref<1x64x128xf32, #tpu.memory_space<hbm>> -> memref<64x128xf32, #tpu.memory_space<hbm>>
    %dma_wait3A_416 = arith.constant 0 : i32
    %dma_wait3A_417 = tpu.memref_slice %arg5[%dma_wait3A_409, %add3A_266, %dma_wait3A_416] : memref<4x4096x128xf32, #tpu.memory_space<hbm>> -> memref<1x64x128xf32, #tpu.memory_space<hbm>>
    %dma_wait3A_418 = tpu.memref_squeeze %dma_wait3A_417 : memref<1x64x128xf32, #tpu.memory_space<hbm>> -> memref<64x128xf32, #tpu.memory_space<hbm>>
    %dma_wait3A_419 = arith.constant 64 : i32
    %dma_wait3A_420 = arith.constant 0 : i32
    %dma_wait3A_421 = tpu.memref_slice %arg10[%dma_wait3A_419, %dma_wait3A_420] : memref<128x128xf32, #tpu.memory_space<vmem>> -> memref<64x128xf32, #tpu.memory_space<vmem>>
    tpu.wait_dma2 semaphore(%arg21 : memref<!tpu.dma_semaphore, #tpu.memory_space<semaphore_mem>>) src(%dma_wait3A_421 : memref<64x128xf32, #tpu.memory_space<vmem>>) dst(%dma_wait3A_418 : memref<64x128xf32, #tpu.memory_space<hbm>>)
    %dma_wait3A_422 = arith.constant 3 : i32
    %dma_wait3A_423 = arith.constant 0 : i32
    %dma_wait3A_424 = arith.constant 0 : i32
    %dma_wait3A_425 = tpu.memref_slice %arg11[%dma_wait3A_423, %dma_wait3A_424] : memref<128x128xf32, #tpu.memory_space<vmem>> -> memref<64x128xf32, #tpu.memory_space<vmem>>
    %dma_wait3A_426 = arith.constant 0 : i32
    %dma_wait3A_427 = tpu.memref_slice %arg5[%dma_wait3A_422, %add3A_298, %dma_wait3A_426] : memref<4x4096x128xf32, #tpu.memory_space<hbm>> -> memref<1x64x128xf32, #tpu.memory_space<hbm>>
    %dma_wait3A_428 = tpu.memref_squeeze %dma_wait3A_427 : memref<1x64x128xf32, #tpu.memory_space<hbm>> -> memref<64x128xf32, #tpu.memory_space<hbm>>
    %dma_wait3A_429 = arith.constant 0 : i32
    %dma_wait3A_430 = tpu.memref_slice %arg5[%dma_wait3A_422, %add3A_298, %dma_wait3A_429] : memref<4x4096x128xf32, #tpu.memory_space<hbm>> -> memref<1x64x128xf32, #tpu.memory_space<hbm>>
    %dma_wait3A_431 = tpu.memref_squeeze %dma_wait3A_430 : memref<1x64x128xf32, #tpu.memory_space<hbm>> -> memref<64x128xf32, #tpu.memory_space<hbm>>
    %dma_wait3A_432 = arith.constant 0 : i32
    %dma_wait3A_433 = arith.constant 0 : i32
    %dma_wait3A_434 = tpu.memref_slice %arg11[%dma_wait3A_432, %dma_wait3A_433] : memref<128x128xf32, #tpu.memory_space<vmem>> -> memref<64x128xf32, #tpu.memory_space<vmem>>
    tpu.wait_dma2 semaphore(%arg21 : memref<!tpu.dma_semaphore, #tpu.memory_space<semaphore_mem>>) src(%dma_wait3A_434 : memref<64x128xf32, #tpu.memory_space<vmem>>) dst(%dma_wait3A_431 : memref<64x128xf32, #tpu.memory_space<hbm>>)
    %dma_wait3A_435 = arith.constant 3 : i32
    %dma_wait3A_436 = arith.constant 64 : i32
    %dma_wait3A_437 = arith.constant 0 : i32
    %dma_wait3A_438 = tpu.memref_slice %arg11[%dma_wait3A_436, %dma_wait3A_437] : memref<128x128xf32, #tpu.memory_space<vmem>> -> memref<64x128xf32, #tpu.memory_space<vmem>>
    %dma_wait3A_439 = arith.constant 0 : i32
    %dma_wait3A_440 = tpu.memref_slice %arg5[%dma_wait3A_435, %add3A_330, %dma_wait3A_439] : memref<4x4096x128xf32, #tpu.memory_space<hbm>> -> memref<1x64x128xf32, #tpu.memory_space<hbm>>
    %dma_wait3A_441 = tpu.memref_squeeze %dma_wait3A_440 : memref<1x64x128xf32, #tpu.memory_space<hbm>> -> memref<64x128xf32, #tpu.memory_space<hbm>>
    %dma_wait3A_442 = arith.constant 0 : i32
    %dma_wait3A_443 = tpu.memref_slice %arg5[%dma_wait3A_435, %add3A_330, %dma_wait3A_442] : memref<4x4096x128xf32, #tpu.memory_space<hbm>> -> memref<1x64x128xf32, #tpu.memory_space<hbm>>
    %dma_wait3A_444 = tpu.memref_squeeze %dma_wait3A_443 : memref<1x64x128xf32, #tpu.memory_space<hbm>> -> memref<64x128xf32, #tpu.memory_space<hbm>>
    %dma_wait3A_445 = arith.constant 64 : i32
    %dma_wait3A_446 = arith.constant 0 : i32
    %dma_wait3A_447 = tpu.memref_slice %arg11[%dma_wait3A_445, %dma_wait3A_446] : memref<128x128xf32, #tpu.memory_space<vmem>> -> memref<64x128xf32, #tpu.memory_space<vmem>>
    tpu.wait_dma2 semaphore(%arg21 : memref<!tpu.dma_semaphore, #tpu.memory_space<semaphore_mem>>) src(%dma_wait3A_447 : memref<64x128xf32, #tpu.memory_space<vmem>>) dst(%dma_wait3A_444 : memref<64x128xf32, #tpu.memory_space<hbm>>)
    return
  }
}

</mosaic_0001>

<sc_bundles>
// kernel: kernel.3.cloned.1.call-start
scs
__scs_entry_jumppad:
0x0: {  	(pc) =	sbr.rel $0x88, $3  }
0x1: {  	(tag) =	ssettag $0x0;
	lr =	simm.s32 $0x1  }
0x2: {  	[smem:$0x3F9F] =	sst lr;
	_ =	strace $0xD0000000  }
0x3: {  	_ = 	snop  }
0x4: {  	_ = 	snop  }
0x5: {  	_ = 	snop  }
0x6: {  	_ = 	snop  }
0x7: {  	_ = 	snop  }
__scs_overlays_trampoline_lowered:
0x8: {  	[smem:$0x3FAE] =	sst s0  }
0x9: {  	[smem:$0x3FAF] =	sst s1  }
0xa: {  	[smem:$0x3FB0] =	sst s2  }
0xb: {  	[smem:$0x3FB1] =	sst s3  }
0xc: {  	[smem:$0x3FB2] =	sst s4  }
0xd: {  	[smem:$0x3FB3] =	sst s5  }
0xe: {  	[smem:$0x3FB4] =	sst s6  }
0xf: {  	[smem:$0x3FB5] =	sst s7  }
0x10: {  	[smem:$0x3FB6] =	sst s8  }
0x11: {  	[smem:$0x3FB7] =	sst s9;
	s0 =	simm.s32 @!p0 $0x0  }
0x12: {  	s1 =	sld [smem:$0x3F9D];
	s0 =	simm.s32 @p0 $0x1  }
0x13: {  	[smem:$0x3FB8] =	sst s0;
	s0 =	simm.s32 @!p1 $0x0  }
0x14: {  	s2 =	sld [smem:$0x3F9C];
	s0 =	simm.s32 @p1 $0x1  }
0x15: {  	[smem:$0x3FB9] =	sst s0;
	s0 =	simm.s32 @!p2 $0x0  }
0x16: {  	s3 =	sld [smem:$0x3FDB];
	s0 =	simm.s32 @p2 $0x1  }
0x17: {  	s4 =	simm.s32 $0x1BF5;
	[smem:$0x3FBB] =	sst s0  }
0x18: {  	s0 =	sld [smem:$0x3F9E];
	_ =	swait.ge [sflag:s4], $0x0  }
0x19: {  	s7 =	sld [smem:$0x3F9F]  }
0x1a: {  	s8 =	sadd.s32 $0xFFFFE003, lr  }
0x1b: {  	s9 =	sadd.s32 $0xFFFFFEF7, lr;
	s5 =	simm.s32 $0xFFFFFFFF;
	p2 =	slt.u32 s8, $0xFFFFF086  }
0x1c: {  	p1 =	slt.u32 s9, $0xF7A;
	s5 =	simm.s32 @!p2 $0x0  }
0x1d: {  	s5 =	simm.s32 @p1 $0x1;
	p0 =	seq.s32 s7, s2  }
0x1e: {  	s7 =	smul.u32 @!p0 $0xF7A, s2;
	p2 =	seq.s32 @!p0 s5, $0x0  }
0x1f: {  	s9 =	smul.u32 $0xF7A, s1;
	s8 =	simm.s32 @!p0 $0x1BF5;
	p2 =	por !p2, p0  }
0x20: {  	[sflag:s8] =	ssyncset.s32 @!p0 $0xFFFFF086;
	s6 =	sadd.s32 @!p0 s3, s7;
	s7 =	simm.s32 @!p0 $0x108  }
0x21: {  	s3 =	sadd.s32 s3, s9;
	s6 =	sadd.s32 @!p0 $0x88, s6;
	s7 =	simm.s32 @p2 $0x1082  }
0x22: {  	[simem:s7], [sflag:s8] =	dma.local @!p0 [hbm:s6], $0xF7A  }
0x23: {  	s9 =	sor.u32 $0xD0000000, s2;
	s6 =	simm.s32 $0x108;
	_ =	swait.ge @!p0 [sflag:s8], $0x0  }
0x24: {  	s3 =	sadd.s32 $0x88, s3;
	s6 =	simm.s32 @!p1 $0x1082;
	[sflag:s4] =	ssyncset.s32 $0xFFFFF086  }
0x25: {  	[simem:s6], [sflag:s4] =	dma.local [hbm:s3], $0xF7A  }
0x26: {  	[smem:$0x3F9F] =	sst s1;
	(tag) =	ssettag s2;
	_ =	strace s9  }
0x27: {  	s1 =	sld [smem:$0x3FAF]  }
0x28: {  	s2 =	sld [smem:$0x3FB0]  }
0x29: {  	s4 =	sld [smem:$0x3FB2]  }
0x2a: {  	p0 =	seq.s32 s5, $0x0;
	s5 =	sld [smem:$0x3FB3]  }
0x2b: {  	s6 =	sld [smem:$0x3FB4]  }
0x2c: {  	s7 =	sld [smem:$0x3FB5]  }
0x2d: {  	s3 =	simm.s32 $0x108;
	s8 =	sld [smem:$0x3FB6]  }
0x2e: {  	s3 =	simm.s32 @!p0 $0x1082;
	s9 =	sld [smem:$0x3FB7]  }
0x2f: {  	lr =	sadd.s32 s0, s3;
	s0 =	sld [smem:$0x3FAE]  }
0x30: {  	s3 =	sld [smem:$0x3FB1]  }
0x31: {  	[smem:$0x3FBA] =	sst s10  }
0x32: {  	s10 =	sld [smem:$0x3FB8];
	_ =	sdelay $0x3  }
0x33: {  	p0 =	seq.s32 s10, $0x1;
	s10 =	sld [smem:$0x3FBA];
	_ =	sdelay $0x3  }
0x34: {  	[smem:$0x3FBA] =	sst s10  }
0x35: {  	s10 =	sld [smem:$0x3FB9];
	_ =	sdelay $0x3  }
0x36: {  	p1 =	seq.s32 s10, $0x1;
	s10 =	sld [smem:$0x3FBA];
	_ =	sdelay $0x3  }
0x37: {  	[smem:$0x3FBA] =	sst s10  }
0x38: {  	s10 =	sld [smem:$0x3FBB]  }
0x39: {  	_ = 	snop;
	(pc) =	sbr.ind lr, $3  }
0x3a: {  	_ = 	snop  }
0x3b: {  	_ = 	snop  }
0x3c: {  	p2 =	seq.s32 s10, $0x1;
	s10 =	sld [smem:$0x3FBA]  }
0x3d: {  	_ =	shalt  }
0x3e: {  	_ =	shalt  }
0x3f: {  	_ =	shalt  }
0x40: {  	_ =	shalt  }
0x41: {  	_ =	shalt  }
0x42: {  	_ =	shalt  }
0x43: {  	_ =	shalt  }
0x44: {  	_ =	shalt  }
0x45: {  	_ =	shalt  }
0x46: {  	_ =	shalt  }
0x47: {  	_ =	shalt  }
0x48: {  	_ =	shalt  }
0x49: {  	_ =	shalt  }
0x4a: {  	_ =	shalt  }
0x4b: {  	_ =	shalt  }
0x4c: {  	_ =	shalt  }
0x4d: {  	_ =	shalt  }
0x4e: {  	_ =	shalt  }
0x4f: {  	_ =	shalt  }
0x50: {  	_ =	shalt  }
0x51: {  	_ =	shalt  }
0x52: {  	_ =	shalt  }
0x53: {  	_ =	shalt  }
0x54: {  	_ =	shalt  }
0x55: {  	_ =	shalt  }
0x56: {  	_ =	shalt  }
0x57: {  	_ =	shalt  }
0x58: {  	_ =	shalt  }
0x59: {  	_ =	shalt  }
0x5a: {  	_ =	shalt  }
0x5b: {  	_ =	shalt  }
0x5c: {  	_ =	shalt  }
0x5d: {  	_ =	shalt  }
0x5e: {  	_ =	shalt  }
0x5f: {  	_ =	shalt  }
0x60: {  	_ =	shalt  }
0x61: {  	_ =	shalt  }
0x62: {  	_ =	shalt  }
0x63: {  	_ =	shalt  }
0x64: {  	_ =	shalt  }
0x65: {  	_ =	shalt  }
0x66: {  	_ =	shalt  }
0x67: {  	_ =	shalt  }
0x68: {  	_ =	shalt  }
0x69: {  	_ =	shalt  }
0x6a: {  	_ =	shalt  }
0x6b: {  	_ =	shalt  }
0x6c: {  	_ =	shalt  }
0x6d: {  	_ =	shalt  }
0x6e: {  	_ =	shalt  }
0x6f: {  	_ =	shalt  }
0x70: {  	_ =	shalt  }
0x71: {  	_ =	shalt  }
0x72: {  	_ =	shalt  }
0x73: {  	_ =	shalt  }
0x74: {  	_ =	shalt  }
0x75: {  	_ =	shalt  }
0x76: {  	_ =	shalt  }
0x77: {  	_ =	shalt  }
0x78: {  	_ =	shalt  }
0x79: {  	_ =	shalt  }
0x7a: {  	_ =	shalt  }
0x7b: {  	_ =	shalt  }
0x7c: {  	_ =	shalt  }
0x7d: {  	_ =	shalt  }
0x7e: {  	_ =	shalt  }
0x7f: {  	_ =	shalt  }
0x80: {  	_ =	shalt  }
0x81: {  	_ =	shalt  }
0x82: {  	_ =	shalt  }
0x83: {  	_ =	shalt  }
0x84: {  	_ =	shalt  }
0x85: {  	_ =	shalt  }
0x86: {  	_ =	shalt  }
0x87: {  	_ =	shalt  }
.Lfunc_end0:
.L_simem_size_0:
called_computation_lowered:
.L_overlay_start_0:
0x88: {  	s2 =	sld [smem:$0x3FD9]  }
0x89: {  	s3 =	sld [smem:$0x3FFE];
	_ =	sdelay $0x1  }
0x8a: {  	s1 =	srdreg.scid  }
0x8b: {  	s0 =	sand.u32 $0x1, s1  }
0x8c: {  	s17 =	sshll.u32 s0, $0xA;
	s2 =	sadd.s32 s3, s2  }
0x8d: {  	s2 =	sadd.s32 s2, s17  }
0x8e: {  	[smem:$0x3FC6] =	sst s2  }
0x8f: {  	_ = 	snop  }
0x90: {  	s2 =	sld [smem:$0x3FC9]  }
0x91: {  	s18 =	sld [smem:$0x3FC8]  }
0x92: {  	s4 =	sld [smem:$0x3FD0];
	(tm) =	ssettm $0x1  }
0x93: {  	s5 =	sld [smem:$0x3FFB];
	_ =	sdelay $0x3  }
0x94: {  	_ =	strace s5  }
0x95: {  	s5 =	sld [smem:$0x3FFC];
	_ =	sdelay $0x3  }
0x96: {  	_ =	strace s5  }
0x97: {  	s5 =	sld [smem:$0x3FFD];
	_ =	sdelay $0x3  }
0x98: {  	_ =	strace s5  }
0x99: {  	_ =	strace $0x8FFFFFFF  }
0x9a: {  	s19 =	sld [smem:$0x3FDB];
	_ =	sdelay $0x1  }
0x9b: {  	s6 =	simm.s32 $_scs_section_size  }
0x9c: {  	s7 =	simm.s32 $_size__tile_overlayer_lowered;
	s8 =	simm.s32 $_tile_overlayer_lowered  }
0x9d: {  	s22 =	simm.s32 $0x1BFF;
	s21 =	sshll.u32 s8, $0x1;
	s5 =	sadd.s32 s6, s19  }
0x9e: {  	s9 =	simm.s32 $0x0;
	s20 =	sshll.u32 s7, $0x1;
	s7 =	sadd.s32 s21, s5  }
0x9f: {  	[timem:s9], [sflag:s22] =	dma.local [hbm:s7], s20  }
0xa0: {  	_ =	swait.ge [sflag:s22], s20  }
0xa1: {  	s6 =	ssub.s32 $0x0, s20;
	[sflag:s22] =	ssyncset.done $0x0  }
0xa2: {  	[sflag:s22] =	ssyncadd.s32 s6;
	_ =	sdelay $0x1  }
0xa3: {  	s23 =	simm.s32 $0x1B8B  }
0xa4: {  	_ =	swait.ge [sflag:s23], $0x1  }
0xa5: {  	[sflag:s23] =	ssyncset.done $0x0  }
0xa6: {  	s25 =	simm.s32 $0x1B8E;
	s24 =	sld [smem:$0x3FFE];
	[sflag:s23] =	ssyncadd.s32 $0xFFFFFFFF  }
0xa7: {  	s26 =	simm.s32 $execute0_lowered;
	[smem:$0x3FD2] =	sst s25  }
0xa8: {  	s7 =	sshll.u32 s26, $0x1;
	_ =	strace $0x80000046;
	[dreg:$0x1] =	wrdreg $0xFFFFFFFF  }
0xa9: {  	s28 =	simm.s32 $_size_execute0_lowered;
	s5 =	sadd.s32 s5, s7;
	[dreg:$0x0] =	wrdreg $0x0  }
0xaa: {  	s7 =	sshll.u32 s28, $0x1;
	[dreg:$0x2] =	wrdreg s5  }
0xab: {  	[dreg:$0x3] =	wrdreg s7  }
0xac: {  	[dreg:$0x4] =	wrdreg $0xC0  }
0xad: {  	_ =	task [dreg:s9], $0x5FFFF  }
0xae: {  	[dreg:$0x1] =	wrdreg $0xFFFFFFFF  }
0xaf: {  	[dreg:$0x0] =	wrdreg $0x60  }
0xb0: {  	[dreg:$0x2] =	wrdreg s2  }
0xb1: {  	[dreg:$0x3] =	wrdreg s24  }
0xb2: {  	[dreg:$0x4] =	wrdreg s18  }
0xb3: {  	[dreg:$0x5] =	wrdreg s4  }
0xb4: {  	[dreg:$0x6] =	wrdreg $0x9  }
0xb5: {  	_ =	task.clear_ibuf [dreg:s9], $0x7FFFF;
	_ =	strace $0x90000046  }
0xb6: {  	s29 =	simm.s32 $0x9;
	_ =	strace $0x80000048  }
0xb7: {  	_ =	swait.ge [sflag:s29], $0x1  }
0xb8: {  	[sflag:s29] =	ssyncadd.s32 $0xFFFFFFFF  }
0xb9: {  	_ =	strace $0x90000048  }
0xba: {  	_ =	sfence  }
0xbb: {  	s30 =	sld [smem:$0x0];
	_ =	sdelay $0x2  }
0xbc: {  	s31 =	sshll.u32 s1, $0xD;
	s1 =	sshrl.u32 s1, $0x2  }
0xbd: {  	s3 =	sand.u32 $0x4000, s31;
	s1 =	sadd.s32 s1, s30  }
0xbe: {  	s0 =	sor.u32 s3, s0;
	s1 =	sshll.u32 s1, $0x11  }
0xbf: {  	s0 =	sor.u32 s1, s0  }
0xc0: {  	s0 =	sadd.s32 $0x8F2B, s0  }
0xc1: {  	[sflag:s0] =	ssyncadd.remote.s32 $0x1  }
0xc2: {  	_ =	sfence.sel $0xFFFF  }
0xc3: {  	[dreg:$0x0] =	wrdreg $0xFFFFFFFF;
	(pc) =	sbr.abs _section_cstart, $3  }
0xc4: {  	[dreg:$0x1] =	wrdreg $0xFFFFFFFF  }
0xc5: {  	_ =	task.clear_ibuf [dreg:s9], $0x2FFFF;
	_ =	strace $0x9FFFFFFF  }
0xc6: {  	(tm) =	ssettm $0x7FFFFFFF  }
0xc7: {  	_ =	shalt  }
tec
execute0_lowered:
.L_overlay_start_1:
0x0: {  	(tag) =	ssettag $0x1  }
0x1: {  	s0 =	rddreg [dreg:$0x0]  }
0x2: {  	s1 =	rddreg [dreg:$0x1]  }
0x3: {  	s2 =	rddreg [dreg:$0x2]  }
0x4: {  	s4 =	rddreg [dreg:$0x3]  }
0x5: {  	s3 =	srdreg.scid;
	s6 =	stileid.u32  }
0x6: {  	s16 =	simm.s32 $0xB;
	s17 =	simm.s32 $0x40;
	s23 =	simm.s32 $0xA200  }
0x7: {  	s25 =	simm.s32 $0xC200;
	s28 =	simm.s32 $0xE200;
	s30 =	simm.s32 $0x10200  }
0x8: {  	s15 =	simm.s32 $0x1;
	s20 =	simm.s32 $0x2;
	s22 =	simm.s32 $0x3  }
0x9: {  	s24 =	simm.s32 $0x4;
	s29 =	simm.s32 $0x6;
	s31 =	simm.s32 $0x7  }
0xa: {  	s18 =	simm.s32 $0x8;
	s19 =	simm.s32 $0xA;
	s5 =	sand.u32 $0x1, s3  }
0xb: {  	s3 =	simm.s32 $0x0;
	s6 =	sshll.u32 s6, $0x8;
	s7 =	sshll.u32 s5, $0x7  }
0xc: {  	[smem:$0x7FF] =	sst s3;
	s5 =	ssub.s32 $0x2, s5;
	s6 =	sor.u32 s7, s6  }
0xd: {  	_ =	strace $0x80000047;
	s8 =	sshrl.u32 s5, $0x1;
	s7 =	sshll.u32 s6, $0x4  }
0xe: {  	s5 =	ssub.s32 s5, s8;
	s6 =	sshrl.u32 s6, $0x1;
	s1 =	sadd.s32 s7, s1  }
0xf: {  	s0 =	sadd.s32 s0, s6;
	s6 =	sadd.s32 s4, s7;
	s14 =	smax.u32 s5, $0x1  }
0x10: {  	s4 =	simm.s32 $0x0;
	s1 =	sadd.s32 $0x400, s1;
	[dreg:$0x6] =	wrdreg s0  }
0x11: {  	s26 =	sadd.s32 $0x400, s6;
	s8 =	sadd.s32 $0x10000, s6;
	s9 =	sadd.s32 $0x10400, s6  }
0x12: {  	s10 =	sadd.s32 $0x20000, s6;
	s11 =	sadd.s32 $0x20400, s6;
	s12 =	sadd.s32 $0x30000, s6  }
0x13: {  	s13 =	sadd.s32 $0x30400, s6;
	s0 =	simm.s32 $0x12200;
	[dreg:$0x5] =	wrdreg s1  }
0x14: {  	[dreg:$0x7] =	wrdreg s26;
	s1 =	simm.s32 $0x9;
	s26 =	simm.s32 $0x5  }
.LBB2_1:
0x15: {  	s5 =	rddreg [dreg:$0x5];
	s7 =	simm.s32 $0x200  }
0x16: {  	[tilespmem:s7], [sflag:$0x9] =	stream.linear.gather [hbm4b:s5+s3], $0x4000, $0x38;
	[tilespmem:$0x14200] =	vst v63  }
0x17: {  	s21 =	rddreg [dreg:$0x6]  }
0x18: {  	[tilespmem:s3], [sflag:$0xB] =	stream.linear.gather [hbm4b:s21+s3], $0x200, $0x38;
	[tilespmem:$0x14200] =	vst v63  }
0x19: {  	_ =	swait.ge [sflag:s16], $0x200  }
0x1a: {  	[sflag:s16] =	ssyncset.done $0x0  }
0x1b: {  	s7 =	simm.s32 $0x4200;
	[sflag:s16] =	ssyncadd.s32 $0xFFFFFE00  }
0x1c: {  	[tilespmem:s7], [sflag:$0x1] =	stream.indirect.gather [hbm4b:s2+s17], $0x80, s3, s17, $0xb8;
	[tilespmem:$0x14200] =	vst v63  }
0x1d: {  	s21 =	simm.s32 $0x6200  }
0x1e: {  	[tilespmem:s21], [sflag:$0x2] =	stream.indirect.gather [hbm4b:s2+s17], $0x80, s17, s17, $0xb8;
	[tilespmem:$0x14200] =	vst v63  }
0x1f: {  	s7 =	simm.s32 $0x80;
	s21 =	simm.s32 $0x8200  }
0x20: {  	[tilespmem:s21], [sflag:$0x3] =	stream.indirect.gather [hbm4b:s2+s17], $0x80, s7, s17, $0xb8;
	[tilespmem:$0x14200] =	vst v63  }
0x21: {  	s21 =	simm.s32 $0xC0  }
0x22: {  	[tilespmem:s23], [sflag:$0x4] =	stream.indirect.gather [hbm4b:s2+s17], $0x80, s21, s17, $0xb8;
	[tilespmem:$0x14200] =	vst v63  }
0x23: {  	s7 =	simm.s32 $0x100  }
0x24: {  	[tilespmem:s25], [sflag:$0x5] =	stream.indirect.gather [hbm4b:s2+s17], $0x80, s7, s17, $0xb8;
	[tilespmem:$0x14200] =	vst v63  }
0x25: {  	s21 =	simm.s32 $0x140  }
0x26: {  	[tilespmem:s28], [sflag:$0x6] =	stream.indirect.gather [hbm4b:s2+s17], $0x80, s21, s17, $0xb8;
	[tilespmem:$0x14200] =	vst v63  }
0x27: {  	s7 =	simm.s32 $0x180  }
0x28: {  	[tilespmem:s30], [sflag:$0x7] =	stream.indirect.gather [hbm4b:s2+s17], $0x80, s7, s17, $0xb8;
	[tilespmem:$0x14200] =	vst v63  }
0x29: {  	s21 =	simm.s32 $0x1C0  }
0x2a: {  	[tilespmem:s0], [sflag:$0x8] =	stream.indirect.gather [hbm4b:s2+s17], $0x80, s21, s17, $0xb8;
	[tilespmem:$0x14200] =	vst v63  }
0x2b: {  	_ =	swait.ge [sflag:s1], $0x4000  }
0x2c: {  	[sflag:s1] =	ssyncset.done $0x0  }
0x2d: {  	[sflag:s1] =	ssyncadd.s32 $0xFFFFC000  }
0x2e: {  	_ =	swait.ge [sflag:s15], $0x2000  }
0x2f: {  	[sflag:s15] =	ssyncset.done $0x0  }
0x30: {  	s5 =	simm.s32 $0x0;
	[sflag:s15] =	ssyncadd.s32 $0xFFFFE000  }
0x31: {  	v5 =	vld [tilespmem:s5+$0x200]  }
0x32: {  	v4 =	vld [tilespmem:s5+$0x210]  }
0x33: {  	v3 =	vld [tilespmem:s5+$0x220]  }
0x34: {  	v2 =	vld [tilespmem:s5+$0x230]  }
0x35: {  	v1 =	vld [tilespmem:s5+$0x240]  }
0x36: {  	v0 =	vld [tilespmem:s5+$0x250]  }
0x37: {  	v6 =	vld [tilespmem:s5+$0x4200]  }
0x38: {  	v11 =	vld [tilespmem:s5+$0x4210]  }
0x39: {  	v10 =	vld [tilespmem:s5+$0x4220]  }
0x3a: {  	v9 =	vld [tilespmem:s5+$0x4230]  }
0x3b: {  	v8 =	vld [tilespmem:s5+$0x4240]  }
0x3c: {  	v7 =	vld [tilespmem:s5+$0x4250];
	v12 =	vmul.f32 $1.131370830e+01, v6  }
0x3d: {  	s21 =	simm.s32 $0x200;
	v11 =	vmul.f32 $1.131370830e+01, v11;
	v6 =	vld [tilespmem:s5+$0x4260]  }
.LBB2_2:
0x3e: {  	p0 =	sne.s32 s21, $0x7E00;
	v5 =	vadd.f32 v5, v12;
	v10 =	vmul.f32 $1.131370830e+01, v10;
	v12 =	vld [tilespmem:s5+$0x4270]  }
0x3f: {  	v4 =	vadd.f32 v4, v11;
	v9 =	vmul.f32 $1.131370830e+01, v9;
	v11 =	vld [tilespmem:s5+$0x260]  }
0x40: {  	s7 =	sshra.s32 s21, $0x2;
	[tilespmem:s5+$0x4200] =	vst v5;
	v3 =	vadd.f32 v3, v10;
	v8 =	vmul.f32 $1.131370830e+01, v8;
	v10 =	vld [tilespmem:s5+$0x270]  }
0x41: {  	v5 =	vld [tilespmem:s7+$0x200];
	[tilespmem:s5+$0x4210] =	vst v4;
	v2 =	vadd.f32 v2, v9;
	v7 =	vmul.f32 $1.131370830e+01, v7  }
0x42: {  	v4 =	vld [tilespmem:s7+$0x210];
	[tilespmem:s5+$0x4220] =	vst v3;
	v1 =	vadd.f32 v1, v8;
	v6 =	vmul.f32 $1.131370830e+01, v6  }
0x43: {  	v3 =	vld [tilespmem:s7+$0x220];
	[tilespmem:s5+$0x4230] =	vst v2;
	v0 =	vadd.f32 v0, v7;
	v7 =	vmul.f32 $1.131370830e+01, v12  }
0x44: {  	v2 =	vld [tilespmem:s7+$0x230];
	[tilespmem:s5+$0x4240] =	vst v1;
	v6 =	vadd.f32 v11, v6  }
0x45: {  	v1 =	vld [tilespmem:s7+$0x240];
	[tilespmem:s5+$0x4250] =	vst v0;
	v7 =	vadd.f32 v10, v7  }
0x46: {  	v0 =	vld [tilespmem:s7+$0x250];
	[tilespmem:s5+$0x4260] =	vst v6  }
0x47: {  	v6 =	vld [tilespmem:s7+$0x4200];
	[tilespmem:s5+$0x4270] =	vst v7;
	s5 =	smov.u32 s7  }
0x48: {  	v11 =	vld [tilespmem:s5+$0x4210]  }
.Ltmp0:
0x49: {  	v10 =	vld [tilespmem:s5+$0x4220];
	(pc) =	sbr.rel @p0 .LBB2_2-.Ltmp0, $4  }
0x4a: {  	v9 =	vld [tilespmem:s5+$0x4230]  }
0x4b: {  	v8 =	vld [tilespmem:s5+$0x4240]  }
0x4c: {  	v12 =	vmul.f32 $1.131370830e+01, v6;
	v7 =	vld [tilespmem:s5+$0x4250]  }
0x4d: {  	s21 =	sadd.s32 $0x200, s21;
	v11 =	vmul.f32 $1.131370830e+01, v11;
	v6 =	vld [tilespmem:s5+$0x4260]  }
0x4e: {  	v5 =	vadd.f32 v5, v12;
	v12 =	vld [tilespmem:s5+$0x4270];
	v10 =	vmul.f32 $1.131370830e+01, v10  }
0x4f: {  	v13 =	vld [tilespmem:s5+$0x260];
	v4 =	vadd.f32 v4, v11;
	v9 =	vmul.f32 $1.131370830e+01, v9  }
0x50: {  	[tilespmem:s5+$0x4200] =	vst v5;
	v3 =	vadd.f32 v3, v10;
	v5 =	vmul.f32 $1.131370830e+01, v8;
	v8 =	vld [tilespmem:s5+$0x270]  }
0x51: {  	[tilespmem:s5+$0x4210] =	vst v4;
	v2 =	vadd.f32 v2, v9;
	v4 =	vmul.f32 $1.131370830e+01, v7  }
0x52: {  	[tilespmem:s5+$0x4220] =	vst v3;
	v1 =	vadd.f32 v1, v5;
	v3 =	vmul.f32 $1.131370830e+01, v6  }
0x53: {  	[tilespmem:s5+$0x4230] =	vst v2;
	v0 =	vadd.f32 v0, v4;
	v2 =	vmul.f32 $1.131370830e+01, v12  }
0x54: {  	[tilespmem:s5+$0x4240] =	vst v1;
	v1 =	vadd.f32 v13, v3  }
0x55: {  	[tilespmem:s5+$0x4250] =	vst v0;
	v0 =	vadd.f32 v8, v2  }
0x56: {  	[tilespmem:s5+$0x4260] =	vst v1  }
0x57: {  	s21 =	simm.s32 $0x0;
	s7 =	simm.s32 $0x4200;
	[tilespmem:s5+$0x4270] =	vst v0  }
0x58: {  	[hbm4b:s6+s21] =	stream.linear.scatter [tilespmem:s7], [sflag:$0xA], $0x2000, $0x38;
	[tilespmem:$0x14200] =	vst v63  }
0x59: {  	_ =	swait.ge [sflag:s20], $0x2000  }
0x5a: {  	[sflag:s20] =	ssyncset.done $0x0  }
0x5b: {  	s5 =	simm.s32 $0x0;
	[sflag:s20] =	ssyncadd.s32 $0xFFFFE000  }
0x5c: {  	v5 =	vld [tilespmem:s5+$0x2200]  }
0x5d: {  	v4 =	vld [tilespmem:s5+$0x2210]  }
0x5e: {  	v3 =	vld [tilespmem:s5+$0x2220]  }
0x5f: {  	v2 =	vld [tilespmem:s5+$0x2230]  }
0x60: {  	v1 =	vld [tilespmem:s5+$0x2240]  }
0x61: {  	v0 =	vld [tilespmem:s5+$0x2250]  }
0x62: {  	v6 =	vld [tilespmem:s5+$0x6200]  }
0x63: {  	v11 =	vld [tilespmem:s5+$0x6210]  }
0x64: {  	v10 =	vld [tilespmem:s5+$0x6220]  }
0x65: {  	v9 =	vld [tilespmem:s5+$0x6230]  }
0x66: {  	v8 =	vld [tilespmem:s5+$0x6240]  }
0x67: {  	v7 =	vld [tilespmem:s5+$0x6250];
	v12 =	vmul.f32 $1.131370830e+01, v6  }
0x68: {  	s21 =	simm.s32 $0x200;
	v11 =	vmul.f32 $1.131370830e+01, v11;
	v6 =	vld [tilespmem:s5+$0x6260]  }
.LBB2_4:
0x69: {  	p0 =	sne.s32 s21, $0x7E00;
	v5 =	vadd.f32 v5, v12;
	v10 =	vmul.f32 $1.131370830e+01, v10;
	v12 =	vld [tilespmem:s5+$0x6270]  }
0x6a: {  	v4 =	vadd.f32 v4, v11;
	v9 =	vmul.f32 $1.131370830e+01, v9;
	v11 =	vld [tilespmem:s5+$0x2260]  }
0x6b: {  	s7 =	sshra.s32 s21, $0x2;
	[tilespmem:s5+$0x6200] =	vst v5;
	v3 =	vadd.f32 v3, v10;
	v8 =	vmul.f32 $1.131370830e+01, v8;
	v10 =	vld [tilespmem:s5+$0x2270]  }
0x6c: {  	v5 =	vld [tilespmem:s7+$0x2200];
	[tilespmem:s5+$0x6210] =	vst v4;
	v2 =	vadd.f32 v2, v9;
	v7 =	vmul.f32 $1.131370830e+01, v7  }
0x6d: {  	v4 =	vld [tilespmem:s7+$0x2210];
	[tilespmem:s5+$0x6220] =	vst v3;
	v1 =	vadd.f32 v1, v8;
	v6 =	vmul.f32 $1.131370830e+01, v6  }
0x6e: {  	v3 =	vld [tilespmem:s7+$0x2220];
	[tilespmem:s5+$0x6230] =	vst v2;
	v0 =	vadd.f32 v0, v7;
	v7 =	vmul.f32 $1.131370830e+01, v12  }
0x6f: {  	v2 =	vld [tilespmem:s7+$0x2230];
	[tilespmem:s5+$0x6240] =	vst v1;
	v6 =	vadd.f32 v11, v6  }
0x70: {  	v1 =	vld [tilespmem:s7+$0x2240];
	[tilespmem:s5+$0x6250] =	vst v0;
	v7 =	vadd.f32 v10, v7  }
0x71: {  	v0 =	vld [tilespmem:s7+$0x2250];
	[tilespmem:s5+$0x6260] =	vst v6  }
0x72: {  	v6 =	vld [tilespmem:s7+$0x6200];
	[tilespmem:s5+$0x6270] =	vst v7;
	s5 =	smov.u32 s7  }
0x73: {  	v11 =	vld [tilespmem:s5+$0x6210]  }
.Ltmp1:
0x74: {  	v10 =	vld [tilespmem:s5+$0x6220];
	(pc) =	sbr.rel @p0 .LBB2_4-.Ltmp1, $4  }
0x75: {  	v9 =	vld [tilespmem:s5+$0x6230]  }
0x76: {  	v8 =	vld [tilespmem:s5+$0x6240]  }
0x77: {  	v12 =	vmul.f32 $1.131370830e+01, v6;
	v7 =	vld [tilespmem:s5+$0x6250]  }
0x78: {  	s21 =	sadd.s32 $0x200, s21;
	v11 =	vmul.f32 $1.131370830e+01, v11;
	v6 =	vld [tilespmem:s5+$0x6260]  }
0x79: {  	v5 =	vadd.f32 v5, v12;
	v12 =	vld [tilespmem:s5+$0x6270];
	v10 =	vmul.f32 $1.131370830e+01, v10  }
0x7a: {  	v13 =	vld [tilespmem:s5+$0x2260];
	v4 =	vadd.f32 v4, v11;
	v9 =	vmul.f32 $1.131370830e+01, v9  }
0x7b: {  	[tilespmem:s5+$0x6200] =	vst v5;
	v3 =	vadd.f32 v3, v10;
	v5 =	vmul.f32 $1.131370830e+01, v8;
	v8 =	vld [tilespmem:s5+$0x2270]  }
0x7c: {  	[tilespmem:s5+$0x6210] =	vst v4;
	v2 =	vadd.f32 v2, v9;
	v4 =	vmul.f32 $1.131370830e+01, v7  }
0x7d: {  	[tilespmem:s5+$0x6220] =	vst v3;
	v1 =	vadd.f32 v1, v5;
	v3 =	vmul.f32 $1.131370830e+01, v6  }
0x7e: {  	[tilespmem:s5+$0x6230] =	vst v2;
	v0 =	vadd.f32 v0, v4;
	v2 =	vmul.f32 $1.131370830e+01, v12  }
0x7f: {  	[tilespmem:s5+$0x6240] =	vst v1;
	v1 =	vadd.f32 v13, v3  }
0x80: {  	[tilespmem:s5+$0x6250] =	vst v0;
	v0 =	vadd.f32 v8, v2  }
0x81: {  	[tilespmem:s5+$0x6260] =	vst v1  }
0x82: {  	s7 =	rddreg [dreg:$0x7];
	s21 =	simm.s32 $0x6200;
	[tilespmem:s5+$0x6270] =	vst v0;
	s5 =	simm.s32 $0x0  }
0x83: {  	[hbm4b:s7+s5] =	stream.linear.scatter [tilespmem:s21], [sflag:$0xA], $0x2000, $0x38;
	[tilespmem:$0x14200] =	vst v63  }
0x84: {  	_ =	swait.ge [sflag:s22], $0x2000  }
0x85: {  	[sflag:s22] =	ssyncset.done $0x0  }
0x86: {  	s5 =	simm.s32 $0x0;
	[sflag:s22] =	ssyncadd.s32 $0xFFFFE000  }
0x87: {  	v5 =	vld [tilespmem:s5+$0x200]  }
0x88: {  	v4 =	vld [tilespmem:s5+$0x210]  }
0x89: {  	v3 =	vld [tilespmem:s5+$0x220]  }
0x8a: {  	v2 =	vld [tilespmem:s5+$0x230]  }
0x8b: {  	v1 =	vld [tilespmem:s5+$0x240]  }
0x8c: {  	v0 =	vld [tilespmem:s5+$0x250]  }
0x8d: {  	v6 =	vld [tilespmem:s5+$0x8200]  }
0x8e: {  	v11 =	vld [tilespmem:s5+$0x8210]  }
0x8f: {  	v10 =	vld [tilespmem:s5+$0x8220]  }
0x90: {  	v9 =	vld [tilespmem:s5+$0x8230]  }
0x91: {  	v8 =	vld [tilespmem:s5+$0x8240]  }
0x92: {  	v7 =	vld [tilespmem:s5+$0x8250];
	v12 =	vmul.f32 $1.131370830e+01, v6  }
0x93: {  	s21 =	simm.s32 $0x200;
	v11 =	vmul.f32 $1.131370830e+01, v11;
	v6 =	vld [tilespmem:s5+$0x8260]  }
.LBB2_6:
0x94: {  	p0 =	sne.s32 s21, $0x7E00;
	v5 =	vadd.f32 v5, v12;
	v10 =	vmul.f32 $1.131370830e+01, v10;
	v12 =	vld [tilespmem:s5+$0x8270]  }
0x95: {  	v4 =	vadd.f32 v4, v11;
	v9 =	vmul.f32 $1.131370830e+01, v9;
	v11 =	vld [tilespmem:s5+$0x260]  }
0x96: {  	s7 =	sshra.s32 s21, $0x2;
	[tilespmem:s5+$0x8200] =	vst v5;
	v3 =	vadd.f32 v3, v10;
	v8 =	vmul.f32 $1.131370830e+01, v8;
	v10 =	vld [tilespmem:s5+$0x270]  }
0x97: {  	v5 =	vld [tilespmem:s7+$0x200];
	[tilespmem:s5+$0x8210] =	vst v4;
	v2 =	vadd.f32 v2, v9;
	v7 =	vmul.f32 $1.131370830e+01, v7  }
0x98: {  	v4 =	vld [tilespmem:s7+$0x210];
	[tilespmem:s5+$0x8220] =	vst v3;
	v1 =	vadd.f32 v1, v8;
	v6 =	vmul.f32 $1.131370830e+01, v6  }
0x99: {  	v3 =	vld [tilespmem:s7+$0x220];
	[tilespmem:s5+$0x8230] =	vst v2;
	v0 =	vadd.f32 v0, v7;
	v7 =	vmul.f32 $1.131370830e+01, v12  }
0x9a: {  	v2 =	vld [tilespmem:s7+$0x230];
	[tilespmem:s5+$0x8240] =	vst v1;
	v6 =	vadd.f32 v11, v6  }
0x9b: {  	v1 =	vld [tilespmem:s7+$0x240];
	[tilespmem:s5+$0x8250] =	vst v0;
	v7 =	vadd.f32 v10, v7  }
0x9c: {  	v0 =	vld [tilespmem:s7+$0x250];
	[tilespmem:s5+$0x8260] =	vst v6  }
0x9d: {  	v6 =	vld [tilespmem:s7+$0x8200];
	[tilespmem:s5+$0x8270] =	vst v7;
	s5 =	smov.u32 s7  }
0x9e: {  	v11 =	vld [tilespmem:s5+$0x8210]  }
.Ltmp2:
0x9f: {  	v10 =	vld [tilespmem:s5+$0x8220];
	(pc) =	sbr.rel @p0 .LBB2_6-.Ltmp2, $4  }
0xa0: {  	v9 =	vld [tilespmem:s5+$0x8230]  }
0xa1: {  	v8 =	vld [tilespmem:s5+$0x8240]  }
0xa2: {  	v12 =	vmul.f32 $1.131370830e+01, v6;
	v7 =	vld [tilespmem:s5+$0x8250]  }
0xa3: {  	s21 =	sadd.s32 $0x200, s21;
	v11 =	vmul.f32 $1.131370830e+01, v11;
	v6 =	vld [tilespmem:s5+$0x8260]  }
0xa4: {  	v5 =	vadd.f32 v5, v12;
	v12 =	vld [tilespmem:s5+$0x8270];
	v10 =	vmul.f32 $1.131370830e+01, v10  }
0xa5: {  	v13 =	vld [tilespmem:s5+$0x260];
	v4 =	vadd.f32 v4, v11;
	v9 =	vmul.f32 $1.131370830e+01, v9  }
0xa6: {  	[tilespmem:s5+$0x8200] =	vst v5;
	v3 =	vadd.f32 v3, v10;
	v5 =	vmul.f32 $1.131370830e+01, v8;
	v8 =	vld [tilespmem:s5+$0x270]  }
0xa7: {  	[tilespmem:s5+$0x8210] =	vst v4;
	v2 =	vadd.f32 v2, v9;
	v4 =	vmul.f32 $1.131370830e+01, v7  }
0xa8: {  	[tilespmem:s5+$0x8220] =	vst v3;
	v1 =	vadd.f32 v1, v5;
	v3 =	vmul.f32 $1.131370830e+01, v6  }
0xa9: {  	[tilespmem:s5+$0x8230] =	vst v2;
	v0 =	vadd.f32 v0, v4;
	v2 =	vmul.f32 $1.131370830e+01, v12  }
0xaa: {  	[tilespmem:s5+$0x8240] =	vst v1;
	v1 =	vadd.f32 v13, v3  }
0xab: {  	[tilespmem:s5+$0x8250] =	vst v0;
	v0 =	vadd.f32 v8, v2  }
0xac: {  	[tilespmem:s5+$0x8260] =	vst v1  }
0xad: {  	s21 =	simm.s32 $0x0;
	s7 =	simm.s32 $0x8200;
	[tilespmem:s5+$0x8270] =	vst v0  }
0xae: {  	[hbm4b:s8+s21] =	stream.linear.scatter [tilespmem:s7], [sflag:$0xA], $0x2000, $0x38;
	[tilespmem:$0x14200] =	vst v63  }
0xaf: {  	_ =	swait.ge [sflag:s24], $0x2000  }
0xb0: {  	[sflag:s24] =	ssyncset.done $0x0  }
0xb1: {  	s5 =	simm.s32 $0x0;
	[sflag:s24] =	ssyncadd.s32 $0xFFFFE000  }
0xb2: {  	v5 =	vld [tilespmem:s5+$0x2200]  }
0xb3: {  	v4 =	vld [tilespmem:s5+$0x2210]  }
0xb4: {  	v3 =	vld [tilespmem:s5+$0x2220]  }
0xb5: {  	v2 =	vld [tilespmem:s5+$0x2230]  }
0xb6: {  	v1 =	vld [tilespmem:s5+$0x2240]  }
0xb7: {  	v0 =	vld [tilespmem:s5+$0x2250]  }
0xb8: {  	v6 =	vld [tilespmem:s5+$0xA200]  }
0xb9: {  	v11 =	vld [tilespmem:s5+$0xA210]  }
0xba: {  	v10 =	vld [tilespmem:s5+$0xA220]  }
0xbb: {  	v9 =	vld [tilespmem:s5+$0xA230]  }
0xbc: {  	v8 =	vld [tilespmem:s5+$0xA240]  }
0xbd: {  	v7 =	vld [tilespmem:s5+$0xA250];
	v12 =	vmul.f32 $1.131370830e+01, v6  }
0xbe: {  	s21 =	simm.s32 $0x200;
	v11 =	vmul.f32 $1.131370830e+01, v11;
	v6 =	vld [tilespmem:s5+$0xA260]  }
.LBB2_8:
0xbf: {  	p0 =	sne.s32 s21, $0x7E00;
	v5 =	vadd.f32 v5, v12;
	v10 =	vmul.f32 $1.131370830e+01, v10;
	v12 =	vld [tilespmem:s5+$0xA270]  }
0xc0: {  	v4 =	vadd.f32 v4, v11;
	v9 =	vmul.f32 $1.131370830e+01, v9;
	v11 =	vld [tilespmem:s5+$0x2260]  }
0xc1: {  	s7 =	sshra.s32 s21, $0x2;
	[tilespmem:s5+$0xA200] =	vst v5;
	v3 =	vadd.f32 v3, v10;
	v8 =	vmul.f32 $1.131370830e+01, v8;
	v10 =	vld [tilespmem:s5+$0x2270]  }
0xc2: {  	v5 =	vld [tilespmem:s7+$0x2200];
	[tilespmem:s5+$0xA210] =	vst v4;
	v2 =	vadd.f32 v2, v9;
	v7 =	vmul.f32 $1.131370830e+01, v7  }
0xc3: {  	v4 =	vld [tilespmem:s7+$0x2210];
	[tilespmem:s5+$0xA220] =	vst v3;
	v1 =	vadd.f32 v1, v8;
	v6 =	vmul.f32 $1.131370830e+01, v6  }
0xc4: {  	v3 =	vld [tilespmem:s7+$0x2220];
	[tilespmem:s5+$0xA230] =	vst v2;
	v0 =	vadd.f32 v0, v7;
	v7 =	vmul.f32 $1.131370830e+01, v12  }
0xc5: {  	v2 =	vld [tilespmem:s7+$0x2230];
	[tilespmem:s5+$0xA240] =	vst v1;
	v6 =	vadd.f32 v11, v6  }
0xc6: {  	v1 =	vld [tilespmem:s7+$0x2240];
	[tilespmem:s5+$0xA250] =	vst v0;
	v7 =	vadd.f32 v10, v7  }
0xc7: {  	v0 =	vld [tilespmem:s7+$0x2250];
	[tilespmem:s5+$0xA260] =	vst v6  }
0xc8: {  	v6 =	vld [tilespmem:s7+$0xA200];
	[tilespmem:s5+$0xA270] =	vst v7;
	s5 =	smov.u32 s7  }
0xc9: {  	v11 =	vld [tilespmem:s5+$0xA210]  }
.Ltmp3:
0xca: {  	v10 =	vld [tilespmem:s5+$0xA220];
	(pc) =	sbr.rel @p0 .LBB2_8-.Ltmp3, $4  }
0xcb: {  	v9 =	vld [tilespmem:s5+$0xA230]  }
0xcc: {  	v8 =	vld [tilespmem:s5+$0xA240]  }
0xcd: {  	v12 =	vmul.f32 $1.131370830e+01, v6;
	v7 =	vld [tilespmem:s5+$0xA250]  }
0xce: {  	s21 =	sadd.s32 $0x200, s21;
	v11 =	vmul.f32 $1.131370830e+01, v11;
	v6 =	vld [tilespmem:s5+$0xA260]  }
0xcf: {  	v5 =	vadd.f32 v5, v12;
	v12 =	vld [tilespmem:s5+$0xA270];
	v10 =	vmul.f32 $1.131370830e+01, v10  }
0xd0: {  	v13 =	vld [tilespmem:s5+$0x2260];
	v4 =	vadd.f32 v4, v11;
	v9 =	vmul.f32 $1.131370830e+01, v9  }
0xd1: {  	[tilespmem:s5+$0xA200] =	vst v5;
	v3 =	vadd.f32 v3, v10;
	v5 =	vmul.f32 $1.131370830e+01, v8;
	v8 =	vld [tilespmem:s5+$0x2270]  }
0xd2: {  	[tilespmem:s5+$0xA210] =	vst v4;
	v2 =	vadd.f32 v2, v9;
	v4 =	vmul.f32 $1.131370830e+01, v7  }
0xd3: {  	[tilespmem:s5+$0xA220] =	vst v3;
	v1 =	vadd.f32 v1, v5;
	v3 =	vmul.f32 $1.131370830e+01, v6  }
0xd4: {  	[tilespmem:s5+$0xA230] =	vst v2;
	v0 =	vadd.f32 v0, v4;
	v2 =	vmul.f32 $1.131370830e+01, v12  }
0xd5: {  	[tilespmem:s5+$0xA240] =	vst v1;
	v1 =	vadd.f32 v13, v3  }
0xd6: {  	[tilespmem:s5+$0xA250] =	vst v0;
	v0 =	vadd.f32 v8, v2  }
0xd7: {  	[tilespmem:s5+$0xA260] =	vst v1  }
0xd8: {  	s21 =	simm.s32 $0x0;
	[tilespmem:s5+$0xA270] =	vst v0  }
0xd9: {  	[hbm4b:s9+s21] =	stream.linear.scatter [tilespmem:s23], [sflag:$0xA], $0x2000, $0x38;
	[tilespmem:$0x14200] =	vst v63  }
0xda: {  	_ =	swait.ge [sflag:s26], $0x2000  }
0xdb: {  	[sflag:s26] =	ssyncset.done $0x0  }
0xdc: {  	s5 =	simm.s32 $0x0;
	[sflag:s26] =	ssyncadd.s32 $0xFFFFE000  }
0xdd: {  	v5 =	vld [tilespmem:s5+$0x200]  }
0xde: {  	v4 =	vld [tilespmem:s5+$0x210]  }
0xdf: {  	v3 =	vld [tilespmem:s5+$0x220]  }
0xe0: {  	v2 =	vld [tilespmem:s5+$0x230]  }
0xe1: {  	v1 =	vld [tilespmem:s5+$0x240]  }
0xe2: {  	v0 =	vld [tilespmem:s5+$0x250]  }
0xe3: {  	v6 =	vld [tilespmem:s5+$0xC200]  }
0xe4: {  	v11 =	vld [tilespmem:s5+$0xC210]  }
0xe5: {  	v10 =	vld [tilespmem:s5+$0xC220]  }
0xe6: {  	v9 =	vld [tilespmem:s5+$0xC230]  }
0xe7: {  	v8 =	vld [tilespmem:s5+$0xC240]  }
0xe8: {  	v7 =	vld [tilespmem:s5+$0xC250];
	v12 =	vmul.f32 $1.131370830e+01, v6  }
0xe9: {  	s21 =	simm.s32 $0x200;
	v11 =	vmul.f32 $1.131370830e+01, v11;
	v6 =	vld [tilespmem:s5+$0xC260]  }
.LBB2_10:
0xea: {  	p0 =	sne.s32 s21, $0x7E00;
	v5 =	vadd.f32 v5, v12;
	v10 =	vmul.f32 $1.131370830e+01, v10;
	v12 =	vld [tilespmem:s5+$0xC270]  }
0xeb: {  	v4 =	vadd.f32 v4, v11;
	v9 =	vmul.f32 $1.131370830e+01, v9;
	v11 =	vld [tilespmem:s5+$0x260]  }
0xec: {  	s7 =	sshra.s32 s21, $0x2;
	[tilespmem:s5+$0xC200] =	vst v5;
	v3 =	vadd.f32 v3, v10;
	v8 =	vmul.f32 $1.131370830e+01, v8;
	v10 =	vld [tilespmem:s5+$0x270]  }
0xed: {  	v5 =	vld [tilespmem:s7+$0x200];
	[tilespmem:s5+$0xC210] =	vst v4;
	v2 =	vadd.f32 v2, v9;
	v7 =	vmul.f32 $1.131370830e+01, v7  }
0xee: {  	v4 =	vld [tilespmem:s7+$0x210];
	[tilespmem:s5+$0xC220] =	vst v3;
	v1 =	vadd.f32 v1, v8;
	v6 =	vmul.f32 $1.131370830e+01, v6  }
0xef: {  	v3 =	vld [tilespmem:s7+$0x220];
	[tilespmem:s5+$0xC230] =	vst v2;
	v0 =	vadd.f32 v0, v7;
	v7 =	vmul.f32 $1.131370830e+01, v12  }
0xf0: {  	v2 =	vld [tilespmem:s7+$0x230];
	[tilespmem:s5+$0xC240] =	vst v1;
	v6 =	vadd.f32 v11, v6  }
0xf1: {  	v1 =	vld [tilespmem:s7+$0x240];
	[tilespmem:s5+$0xC250] =	vst v0;
	v7 =	vadd.f32 v10, v7  }
0xf2: {  	v0 =	vld [tilespmem:s7+$0x250];
	[tilespmem:s5+$0xC260] =	vst v6  }
0xf3: {  	v6 =	vld [tilespmem:s7+$0xC200];
	[tilespmem:s5+$0xC270] =	vst v7;
	s5 =	smov.u32 s7  }
0xf4: {  	v11 =	vld [tilespmem:s5+$0xC210]  }
.Ltmp4:
0xf5: {  	v10 =	vld [tilespmem:s5+$0xC220];
	(pc) =	sbr.rel @p0 .LBB2_10-.Ltmp4, $4  }
0xf6: {  	v9 =	vld [tilespmem:s5+$0xC230]  }
0xf7: {  	v8 =	vld [tilespmem:s5+$0xC240]  }
0xf8: {  	v12 =	vmul.f32 $1.131370830e+01, v6;
	v7 =	vld [tilespmem:s5+$0xC250]  }
0xf9: {  	s21 =	sadd.s32 $0x200, s21;
	v11 =	vmul.f32 $1.131370830e+01, v11;
	v6 =	vld [tilespmem:s5+$0xC260]  }
0xfa: {  	v5 =	vadd.f32 v5, v12;
	v12 =	vld [tilespmem:s5+$0xC270];
	v10 =	vmul.f32 $1.131370830e+01, v10  }
0xfb: {  	v13 =	vld [tilespmem:s5+$0x260];
	v4 =	vadd.f32 v4, v11;
	v9 =	vmul.f32 $1.131370830e+01, v9  }
0xfc: {  	[tilespmem:s5+$0xC200] =	vst v5;
	v3 =	vadd.f32 v3, v10;
	v5 =	vmul.f32 $1.131370830e+01, v8;
	v8 =	vld [tilespmem:s5+$0x270]  }
0xfd: {  	[tilespmem:s5+$0xC210] =	vst v4;
	v2 =	vadd.f32 v2, v9;
	v4 =	vmul.f32 $1.131370830e+01, v7  }
0xfe: {  	[tilespmem:s5+$0xC220] =	vst v3;
	v1 =	vadd.f32 v1, v5;
	v3 =	vmul.f32 $1.131370830e+01, v6  }
0xff: {  	[tilespmem:s5+$0xC230] =	vst v2;
	v0 =	vadd.f32 v0, v4;
	v2 =	vmul.f32 $1.131370830e+01, v12  }
0x100: {  	[tilespmem:s5+$0xC240] =	vst v1;
	v1 =	vadd.f32 v13, v3  }
0x101: {  	[tilespmem:s5+$0xC250] =	vst v0;
	v0 =	vadd.f32 v8, v2  }
0x102: {  	[tilespmem:s5+$0xC260] =	vst v1  }
0x103: {  	s21 =	simm.s32 $0x0;
	[tilespmem:s5+$0xC270] =	vst v0  }
0x104: {  	[hbm4b:s10+s21] =	stream.linear.scatter [tilespmem:s25], [sflag:$0xA], $0x2000, $0x38;
	[tilespmem:$0x14200] =	vst v63  }
0x105: {  	_ =	swait.ge [sflag:s29], $0x2000  }
0x106: {  	[sflag:s29] =	ssyncset.done $0x0  }
0x107: {  	s5 =	simm.s32 $0x0;
	[sflag:s29] =	ssyncadd.s32 $0xFFFFE000  }
0x108: {  	v5 =	vld [tilespmem:s5+$0x2200]  }
0x109: {  	v4 =	vld [tilespmem:s5+$0x2210]  }
0x10a: {  	v3 =	vld [tilespmem:s5+$0x2220]  }
0x10b: {  	v2 =	vld [tilespmem:s5+$0x2230]  }
0x10c: {  	v1 =	vld [tilespmem:s5+$0x2240]  }
0x10d: {  	v0 =	vld [tilespmem:s5+$0x2250]  }
0x10e: {  	v6 =	vld [tilespmem:s5+$0xE200]  }
0x10f: {  	v11 =	vld [tilespmem:s5+$0xE210]  }
0x110: {  	v10 =	vld [tilespmem:s5+$0xE220]  }
0x111: {  	v9 =	vld [tilespmem:s5+$0xE230]  }
0x112: {  	v8 =	vld [tilespmem:s5+$0xE240]  }
0x113: {  	v7 =	vld [tilespmem:s5+$0xE250];
	v12 =	vmul.f32 $1.131370830e+01, v6  }
0x114: {  	s21 =	simm.s32 $0x200;
	v11 =	vmul.f32 $1.131370830e+01, v11;
	v6 =	vld [tilespmem:s5+$0xE260]  }
.LBB2_12:
0x115: {  	p0 =	sne.s32 s21, $0x7E00;
	v5 =	vadd.f32 v5, v12;
	v10 =	vmul.f32 $1.131370830e+01, v10;
	v12 =	vld [tilespmem:s5+$0xE270]  }
0x116: {  	v4 =	vadd.f32 v4, v11;
	v9 =	vmul.f32 $1.131370830e+01, v9;
	v11 =	vld [tilespmem:s5+$0x2260]  }
0x117: {  	s7 =	sshra.s32 s21, $0x2;
	[tilespmem:s5+$0xE200] =	vst v5;
	v3 =	vadd.f32 v3, v10;
	v8 =	vmul.f32 $1.131370830e+01, v8;
	v10 =	vld [tilespmem:s5+$0x2270]  }
0x118: {  	v5 =	vld [tilespmem:s7+$0x2200];
	[tilespmem:s5+$0xE210] =	vst v4;
	v2 =	vadd.f32 v2, v9;
	v7 =	vmul.f32 $1.131370830e+01, v7  }
0x119: {  	v4 =	vld [tilespmem:s7+$0x2210];
	[tilespmem:s5+$0xE220] =	vst v3;
	v1 =	vadd.f32 v1, v8;
	v6 =	vmul.f32 $1.131370830e+01, v6  }
0x11a: {  	v3 =	vld [tilespmem:s7+$0x2220];
	[tilespmem:s5+$0xE230] =	vst v2;
	v0 =	vadd.f32 v0, v7;
	v7 =	vmul.f32 $1.131370830e+01, v12  }
0x11b: {  	v2 =	vld [tilespmem:s7+$0x2230];
	[tilespmem:s5+$0xE240] =	vst v1;
	v6 =	vadd.f32 v11, v6  }
0x11c: {  	v1 =	vld [tilespmem:s7+$0x2240];
	[tilespmem:s5+$0xE250] =	vst v0;
	v7 =	vadd.f32 v10, v7  }
0x11d: {  	v0 =	vld [tilespmem:s7+$0x2250];
	[tilespmem:s5+$0xE260] =	vst v6  }
0x11e: {  	v6 =	vld [tilespmem:s7+$0xE200];
	[tilespmem:s5+$0xE270] =	vst v7;
	s5 =	smov.u32 s7  }
0x11f: {  	v11 =	vld [tilespmem:s5+$0xE210]  }
.Ltmp5:
0x120: {  	v10 =	vld [tilespmem:s5+$0xE220];
	(pc) =	sbr.rel @p0 .LBB2_12-.Ltmp5, $4  }
0x121: {  	v9 =	vld [tilespmem:s5+$0xE230]  }
0x122: {  	v8 =	vld [tilespmem:s5+$0xE240]  }
0x123: {  	v12 =	vmul.f32 $1.131370830e+01, v6;
	v7 =	vld [tilespmem:s5+$0xE250]  }
0x124: {  	s21 =	sadd.s32 $0x200, s21;
	v11 =	vmul.f32 $1.131370830e+01, v11;
	v6 =	vld [tilespmem:s5+$0xE260]  }
0x125: {  	v5 =	vadd.f32 v5, v12;
	v12 =	vld [tilespmem:s5+$0xE270];
	v10 =	vmul.f32 $1.131370830e+01, v10  }
0x126: {  	v13 =	vld [tilespmem:s5+$0x2260];
	v4 =	vadd.f32 v4, v11;
	v9 =	vmul.f32 $1.131370830e+01, v9  }
0x127: {  	[tilespmem:s5+$0xE200] =	vst v5;
	v3 =	vadd.f32 v3, v10;
	v5 =	vmul.f32 $1.131370830e+01, v8;
	v8 =	vld [tilespmem:s5+$0x2270]  }
0x128: {  	[tilespmem:s5+$0xE210] =	vst v4;
	v2 =	vadd.f32 v2, v9;
	v4 =	vmul.f32 $1.131370830e+01, v7  }
0x129: {  	[tilespmem:s5+$0xE220] =	vst v3;
	v1 =	vadd.f32 v1, v5;
	v3 =	vmul.f32 $1.131370830e+01, v6  }
0x12a: {  	[tilespmem:s5+$0xE230] =	vst v2;
	v0 =	vadd.f32 v0, v4;
	v2 =	vmul.f32 $1.131370830e+01, v12  }
0x12b: {  	[tilespmem:s5+$0xE240] =	vst v1;
	v1 =	vadd.f32 v13, v3  }
0x12c: {  	[tilespmem:s5+$0xE250] =	vst v0;
	v0 =	vadd.f32 v8, v2  }
0x12d: {  	[tilespmem:s5+$0xE260] =	vst v1  }
0x12e: {  	s21 =	simm.s32 $0x0;
	[tilespmem:s5+$0xE270] =	vst v0  }
0x12f: {  	[hbm4b:s11+s21] =	stream.linear.scatter [tilespmem:s28], [sflag:$0xA], $0x2000, $0x38;
	[tilespmem:$0x14200] =	vst v63  }
0x130: {  	_ =	swait.ge [sflag:s31], $0x2000  }
0x131: {  	[sflag:s31] =	ssyncset.done $0x0  }
0x132: {  	s5 =	simm.s32 $0x0;
	[sflag:s31] =	ssyncadd.s32 $0xFFFFE000  }
0x133: {  	v5 =	vld [tilespmem:s5+$0x200]  }
0x134: {  	v4 =	vld [tilespmem:s5+$0x210]  }
0x135: {  	v3 =	vld [tilespmem:s5+$0x220]  }
0x136: {  	v2 =	vld [tilespmem:s5+$0x230]  }
0x137: {  	v1 =	vld [tilespmem:s5+$0x240]  }
0x138: {  	v0 =	vld [tilespmem:s5+$0x250]  }
0x139: {  	v6 =	vld [tilespmem:s5+$0x10200]  }
0x13a: {  	v11 =	vld [tilespmem:s5+$0x10210]  }
0x13b: {  	v10 =	vld [tilespmem:s5+$0x10220]  }
0x13c: {  	v9 =	vld [tilespmem:s5+$0x10230]  }
0x13d: {  	v8 =	vld [tilespmem:s5+$0x10240]  }
0x13e: {  	v7 =	vld [tilespmem:s5+$0x10250];
	v12 =	vmul.f32 $1.131370830e+01, v6  }
0x13f: {  	s21 =	simm.s32 $0x200;
	v11 =	vmul.f32 $1.131370830e+01, v11;
	v6 =	vld [tilespmem:s5+$0x10260]  }
.LBB2_14:
0x140: {  	p0 =	sne.s32 s21, $0x7E00;
	v5 =	vadd.f32 v5, v12;
	v10 =	vmul.f32 $1.131370830e+01, v10;
	v12 =	vld [tilespmem:s5+$0x10270]  }
0x141: {  	v4 =	vadd.f32 v4, v11;
	v9 =	vmul.f32 $1.131370830e+01, v9;
	v11 =	vld [tilespmem:s5+$0x260]  }
0x142: {  	s7 =	sshra.s32 s21, $0x2;
	[tilespmem:s5+$0x10200] =	vst v5;
	v3 =	vadd.f32 v3, v10;
	v8 =	vmul.f32 $1.131370830e+01, v8;
	v10 =	vld [tilespmem:s5+$0x270]  }
0x143: {  	v5 =	vld [tilespmem:s7+$0x200];
	[tilespmem:s5+$0x10210] =	vst v4;
	v2 =	vadd.f32 v2, v9;
	v7 =	vmul.f32 $1.131370830e+01, v7  }
0x144: {  	v4 =	vld [tilespmem:s7+$0x210];
	[tilespmem:s5+$0x10220] =	vst v3;
	v1 =	vadd.f32 v1, v8;
	v6 =	vmul.f32 $1.131370830e+01, v6  }
0x145: {  	v3 =	vld [tilespmem:s7+$0x220];
	[tilespmem:s5+$0x10230] =	vst v2;
	v0 =	vadd.f32 v0, v7;
	v7 =	vmul.f32 $1.131370830e+01, v12  }
0x146: {  	v2 =	vld [tilespmem:s7+$0x230];
	[tilespmem:s5+$0x10240] =	vst v1;
	v6 =	vadd.f32 v11, v6  }
0x147: {  	v1 =	vld [tilespmem:s7+$0x240];
	[tilespmem:s5+$0x10250] =	vst v0;
	v7 =	vadd.f32 v10, v7  }
0x148: {  	v0 =	vld [tilespmem:s7+$0x250];
	[tilespmem:s5+$0x10260] =	vst v6  }
0x149: {  	v6 =	vld [tilespmem:s7+$0x10200];
	[tilespmem:s5+$0x10270] =	vst v7;
	s5 =	smov.u32 s7  }
0x14a: {  	v11 =	vld [tilespmem:s5+$0x10210]  }
.Ltmp6:
0x14b: {  	v10 =	vld [tilespmem:s5+$0x10220];
	(pc) =	sbr.rel @p0 .LBB2_14-.Ltmp6, $4  }
0x14c: {  	v9 =	vld [tilespmem:s5+$0x10230]  }
0x14d: {  	v8 =	vld [tilespmem:s5+$0x10240]  }
0x14e: {  	v12 =	vmul.f32 $1.131370830e+01, v6;
	v7 =	vld [tilespmem:s5+$0x10250]  }
0x14f: {  	s21 =	sadd.s32 $0x200, s21;
	v11 =	vmul.f32 $1.131370830e+01, v11;
	v6 =	vld [tilespmem:s5+$0x10260]  }
0x150: {  	v5 =	vadd.f32 v5, v12;
	v12 =	vld [tilespmem:s5+$0x10270];
	v10 =	vmul.f32 $1.131370830e+01, v10  }
0x151: {  	v13 =	vld [tilespmem:s5+$0x260];
	v4 =	vadd.f32 v4, v11;
	v9 =	vmul.f32 $1.131370830e+01, v9  }
0x152: {  	[tilespmem:s5+$0x10200] =	vst v5;
	v3 =	vadd.f32 v3, v10;
	v5 =	vmul.f32 $1.131370830e+01, v8;
	v8 =	vld [tilespmem:s5+$0x270]  }
0x153: {  	[tilespmem:s5+$0x10210] =	vst v4;
	v2 =	vadd.f32 v2, v9;
	v4 =	vmul.f32 $1.131370830e+01, v7  }
0x154: {  	[tilespmem:s5+$0x10220] =	vst v3;
	v1 =	vadd.f32 v1, v5;
	v3 =	vmul.f32 $1.131370830e+01, v6  }
0x155: {  	[tilespmem:s5+$0x10230] =	vst v2;
	v0 =	vadd.f32 v0, v4;
	v2 =	vmul.f32 $1.131370830e+01, v12  }
0x156: {  	[tilespmem:s5+$0x10240] =	vst v1;
	v1 =	vadd.f32 v13, v3  }
0x157: {  	[tilespmem:s5+$0x10250] =	vst v0;
	v0 =	vadd.f32 v8, v2  }
0x158: {  	[tilespmem:s5+$0x10260] =	vst v1  }
0x159: {  	s21 =	simm.s32 $0x0;
	[tilespmem:s5+$0x10270] =	vst v0  }
0x15a: {  	[hbm4b:s12+s21] =	stream.linear.scatter [tilespmem:s30], [sflag:$0xA], $0x2000, $0x38;
	[tilespmem:$0x14200] =	vst v63  }
0x15b: {  	_ =	swait.ge [sflag:s18], $0x2000  }
0x15c: {  	[sflag:s18] =	ssyncset.done $0x0  }
0x15d: {  	s5 =	simm.s32 $0x0;
	[sflag:s18] =	ssyncadd.s32 $0xFFFFE000  }
0x15e: {  	v5 =	vld [tilespmem:s5+$0x2200]  }
0x15f: {  	v4 =	vld [tilespmem:s5+$0x2210]  }
0x160: {  	v3 =	vld [tilespmem:s5+$0x2220]  }
0x161: {  	v2 =	vld [tilespmem:s5+$0x2230]  }
0x162: {  	v1 =	vld [tilespmem:s5+$0x2240]  }
0x163: {  	v0 =	vld [tilespmem:s5+$0x2250]  }
0x164: {  	v6 =	vld [tilespmem:s5+$0x12200]  }
0x165: {  	v11 =	vld [tilespmem:s5+$0x12210]  }
0x166: {  	v10 =	vld [tilespmem:s5+$0x12220]  }
0x167: {  	v9 =	vld [tilespmem:s5+$0x12230]  }
0x168: {  	v8 =	vld [tilespmem:s5+$0x12240]  }
0x169: {  	v7 =	vld [tilespmem:s5+$0x12250];
	v12 =	vmul.f32 $1.131370830e+01, v6  }
0x16a: {  	s21 =	simm.s32 $0x200;
	v11 =	vmul.f32 $1.131370830e+01, v11;
	v6 =	vld [tilespmem:s5+$0x12260]  }
.LBB2_16:
0x16b: {  	p0 =	sne.s32 s21, $0x7E00;
	v5 =	vadd.f32 v5, v12;
	v10 =	vmul.f32 $1.131370830e+01, v10;
	v12 =	vld [tilespmem:s5+$0x12270]  }
0x16c: {  	v4 =	vadd.f32 v4, v11;
	v9 =	vmul.f32 $1.131370830e+01, v9;
	v11 =	vld [tilespmem:s5+$0x2260]  }
0x16d: {  	s7 =	sshra.s32 s21, $0x2;
	[tilespmem:s5+$0x12200] =	vst v5;
	v3 =	vadd.f32 v3, v10;
	v8 =	vmul.f32 $1.131370830e+01, v8;
	v10 =	vld [tilespmem:s5+$0x2270]  }
0x16e: {  	v5 =	vld [tilespmem:s7+$0x2200];
	[tilespmem:s5+$0x12210] =	vst v4;
	v2 =	vadd.f32 v2, v9;
	v7 =	vmul.f32 $1.131370830e+01, v7  }
0x16f: {  	v4 =	vld [tilespmem:s7+$0x2210];
	[tilespmem:s5+$0x12220] =	vst v3;
	v1 =	vadd.f32 v1, v8;
	v6 =	vmul.f32 $1.131370830e+01, v6  }
0x170: {  	v3 =	vld [tilespmem:s7+$0x2220];
	[tilespmem:s5+$0x12230] =	vst v2;
	v0 =	vadd.f32 v0, v7;
	v7 =	vmul.f32 $1.131370830e+01, v12  }
0x171: {  	v2 =	vld [tilespmem:s7+$0x2230];
	[tilespmem:s5+$0x12240] =	vst v1;
	v6 =	vadd.f32 v11, v6  }
0x172: {  	v1 =	vld [tilespmem:s7+$0x2240];
	[tilespmem:s5+$0x12250] =	vst v0;
	v7 =	vadd.f32 v10, v7  }
0x173: {  	v0 =	vld [tilespmem:s7+$0x2250];
	[tilespmem:s5+$0x12260] =	vst v6  }
0x174: {  	v6 =	vld [tilespmem:s7+$0x12200];
	[tilespmem:s5+$0x12270] =	vst v7;
	s5 =	smov.u32 s7  }
0x175: {  	v11 =	vld [tilespmem:s5+$0x12210]  }
.Ltmp7:
0x176: {  	v10 =	vld [tilespmem:s5+$0x12220];
	(pc) =	sbr.rel @p0 .LBB2_16-.Ltmp7, $4  }
0x177: {  	v9 =	vld [tilespmem:s5+$0x12230]  }
0x178: {  	v8 =	vld [tilespmem:s5+$0x12240]  }
0x179: {  	v12 =	vmul.f32 $1.131370830e+01, v6;
	v7 =	vld [tilespmem:s5+$0x12250]  }
0x17a: {  	s21 =	sadd.s32 $0x200, s21;
	v11 =	vmul.f32 $1.131370830e+01, v11;
	v6 =	vld [tilespmem:s5+$0x12260]  }
0x17b: {  	v5 =	vadd.f32 v5, v12;
	v56 =	vld [tilespmem:s5+$0x12270];
	v10 =	vmul.f32 $1.131370830e+01, v10  }
0x17c: {  	v13 =	vld [tilespmem:s5+$0x2260];
	v4 =	vadd.f32 v4, v11;
	v9 =	vmul.f32 $1.131370830e+01, v9  }
0x17d: {  	v58 =	vld [tilespmem:s5+$0x2270];
	[tilespmem:s5+$0x12200] =	vst v5;
	v3 =	vadd.f32 v3, v10;
	v57 =	vmul.f32 $1.131370830e+01, v8  }
0x17e: {  	[tilespmem:s5+$0x12210] =	vst v4;
	v2 =	vadd.f32 v2, v9;
	v59 =	vmul.f32 $1.131370830e+01, v7  }
0x17f: {  	[tilespmem:s5+$0x12220] =	vst v3;
	v1 =	vadd.f32 v1, v57;
	v60 =	vmul.f32 $1.131370830e+01, v6  }
0x180: {  	[tilespmem:s5+$0x12230] =	vst v2;
	v0 =	vadd.f32 v0, v59;
	v61 =	vmul.f32 $1.131370830e+01, v56  }
0x181: {  	[tilespmem:s5+$0x12240] =	vst v1;
	v62 =	vadd.f32 v13, v60  }
0x182: {  	[tilespmem:s5+$0x12250] =	vst v0;
	v63 =	vadd.f32 v58, v61  }
0x183: {  	[tilespmem:s5+$0x12260] =	vst v62  }
0x184: {  	[tilespmem:s5+$0x12270] =	vst v63  }
0x185: {  	[hbm4b:s13+s3] =	stream.linear.scatter [tilespmem:s0], [sflag:$0xA], $0x2000, $0x38;
	[tilespmem:$0x14200] =	vst v63  }
0x186: {  	_ =	swait.ge [sflag:s19], $0x2000  }
0x187: {  	[sflag:s19] =	ssyncset.done $0x0  }
0x188: {  	[sflag:s19] =	ssyncadd.s32 $0xFFFFE000  }
0x189: {  	_ =	swait.ge [sflag:s19], $0x2000  }
0x18a: {  	[sflag:s19] =	ssyncset.done $0x0  }
0x18b: {  	[sflag:s19] =	ssyncadd.s32 $0xFFFFE000  }
0x18c: {  	_ =	swait.ge [sflag:s19], $0x2000  }
0x18d: {  	[sflag:s19] =	ssyncset.done $0x0  }
0x18e: {  	[sflag:s19] =	ssyncadd.s32 $0xFFFFE000  }
0x18f: {  	_ =	swait.ge [sflag:s19], $0x2000  }
0x190: {  	[sflag:s19] =	ssyncset.done $0x0  }
0x191: {  	[sflag:s19] =	ssyncadd.s32 $0xFFFFE000  }
0x192: {  	_ =	swait.ge [sflag:s19], $0x2000  }
0x193: {  	[sflag:s19] =	ssyncset.done $0x0  }
0x194: {  	[sflag:s19] =	ssyncadd.s32 $0xFFFFE000  }
0x195: {  	_ =	swait.ge [sflag:s19], $0x2000  }
0x196: {  	[sflag:s19] =	ssyncset.done $0x0  }
0x197: {  	s4 =	sadd.s32 $0x1, s4;
	[sflag:s19] =	ssyncadd.s32 $0xFFFFE000  }
0x198: {  	p0 =	sne.s32 s4, s14;
	_ =	swait.ge [sflag:s19], $0x2000  }
.Ltmp8:
0x199: {  	[sflag:s19] =	ssyncset.done $0x0;
	(pc) =	sbr.rel @p0 .LBB2_1-.Ltmp8, $4  }
0x19a: {  	[sflag:s19] =	ssyncadd.s32 $0xFFFFE000  }
0x19b: {  	_ =	swait.ge [sflag:s19], $0x2000  }
0x19c: {  	[sflag:s19] =	ssyncset.done $0x0  }
0x19d: {  	[sflag:s19] =	ssyncadd.s32 $0xFFFFE000  }
0x19e: {  	_ =	sfence.sel $0x180000  }
0x19f: {  	[bflag:$0x0] =	sbarrier.arrive $0xFFFF  }
0x1a0: {  	_ =	strace $0x90000047  }
0x1a1: {  	s0 =	stileid.u32;
	[bflag:$0x2] =	sbarrier.arrive $0xFFFF  }
0x1a2: {  	p0 =	sne.s32 s0, $0x0;
	s0 =	rddreg [dreg:$0x4]  }
0x1a3: {  	s0 =	sadd.s32 @!p0 $0x100000, s0  }
0x1a4: {  	[sflag:s0] =	ssyncadd.tile.s32 @!p0 $0x1;
	_ =	shalt  }
.Lfunc_end2:
_tile_overlayer_lowered:
.L_overlay_start_2:
0x1a5: {  	(tag) =	ssettag $0x2  }
0x1a6: {  	s0 =	rddreg [dreg:$0x0];
	s2 =	stileid.u32  }
0x1a7: {  	s1 =	rddreg [dreg:$0x1];
	p0 =	sne.s32 s2, $0x0  }
0x1a8: {  	s3 =	rddreg [dreg:$0x2];
	[bflag:$0x3] =	sbarrier.arrive $0xFFFF;
	s2 =	simm.s32 @!p0 $0x1C0B  }
0x1a9: {  	[timem:s3], [sflag:s2] =	dma.local @!p0 [hbm:s0], s1  }
0x1aa: {  	s0 =	simm.s32 @!p0 $0xB  }
0x1ab: {  	_ =	swait.ge @!p0 [sflag:s0], s1  }
0x1ac: {  	s1 =	ssub.s32 @!p0 $0x0, s1;
	[sflag:s0] =	ssyncset.done @!p0 $0x0  }
0x1ad: {  	[sflag:s0] =	ssyncadd.s32 @!p0 s1  }
0x1ae: {  	[bflag:$0x3] =	sbarrier.arrive $0xFFFF  }
0x1af: {  	_ =	shalt  }

</sc_bundles>
